<compile_context>
chip_gen: v7x
topology: tpu7x:2x2x1
jax: 0.10.2.dev20260603
libtpu: 0.0.44.dev20260713+nightly
codegen_flags: <defaults>
</compile_context>

<pallas_src>
import functools
import math

import jax
import jax.numpy as jnp
from jax import lax
from jax.experimental import pallas as pl
from jax.experimental.pallas import tpu as pltpu
from jax.experimental.pallas import tpu_sc as plsc

_D = 1024
_H = _D // 2
_NA = 4
_L = 16
_CS = 16
_NBI = 3
_NBO = 2


def _sc_call(x2, attr_embed, elem_embed, B, S):
    NROWS = B * S
    info = plsc.get_sparse_core_info()
    NC, NS = info.num_cores, info.num_subcores
    NW = NC * NS
    SPW = S // NW
    EPW = SPW // _NA
    CPB = SPW // _CS
    T = B * CPB
    scale = math.sqrt(_D)

    mesh = plsc.VectorSubcoreMesh(core_axis_name="c", subcore_axis_name="s")

    @functools.partial(
        pl.kernel,
        out_type=jax.ShapeDtypeStruct((NROWS, _D), jnp.float32),
        mesh=mesh,
        scratch_types=[
            pltpu.VMEM((_NA, _H), jnp.float32),
            pltpu.VMEM((EPW, _H), jnp.float32),
            pltpu.VMEM((_NBI, _CS, _D), jnp.float32),
            pltpu.VMEM((_NBO, _CS, _D), jnp.float32),
            pltpu.SemaphoreType.DMA((_NBI,)),
            pltpu.SemaphoreType.DMA((_NBO,)),
        ],
    )
    def body(x_hbm, attr_hbm, elem_hbm, out_hbm, attr_v, elem_v, xb, ob,
             in_sem, out_sem):
        wid = lax.axis_index("s") * NC + lax.axis_index("c")
        base = wid * SPW

        pltpu.sync_copy(attr_hbm, attr_v)
        pltpu.sync_copy(elem_hbm.at[pl.ds(wid * EPW, EPW)], elem_v)

        def hbm_row0(t):
            b = t // CPB
            c = lax.rem(t, CPB)
            return b * S + base + c * _CS

        def in_copy(t, k):
            return pltpu.make_async_copy(
                x_hbm.at[pl.ds(hbm_row0(t), _CS)], xb.at[k], in_sem.at[k])

        def out_copy(t, k):
            return pltpu.make_async_copy(
                ob.at[k], out_hbm.at[pl.ds(hbm_row0(t), _CS)], out_sem.at[k])

        def compute(ki, ko, t):
            c = lax.rem(t, CPB)
            er0 = c * (_CS // _NA)

            @plsc.parallel_loop(0, _H // _L, unroll=2)
            def attr_cols(cc):
                col = cc * _L
                a = [attr_v[i, pl.ds(col, _L)] for i in range(_NA)]
                for r in range(_CS):
                    ob[ko, r, pl.ds(col, _L)] = (
                        xb[ki, r, pl.ds(col, _L)] * scale + a[r % _NA])

            @plsc.parallel_loop(0, _H // _L, unroll=2)
            def elem_cols(cc):
                col = cc * _L
                for r4 in range(_CS // _NA):
                    e = elem_v[er0 + r4, pl.ds(col, _L)]
                    for i in range(_NA):
                        r = r4 * _NA + i
                        ob[ko, r, pl.ds(_H + col, _L)] = (
                            xb[ki, r, pl.ds(_H + col, _L)] * scale + e)

        for k in range(_NBI):
            in_copy(k, k).start()

        def step(t, _):
            ki = lax.rem(t, _NBI)
            ko = lax.rem(t, _NBO)

            @pl.when(t >= _NBO)
            def _wait_prev_out():
                out_copy(t - _NBO, ko).wait()

            in_copy(t, ki).wait()
            compute(ki, ko, t)

            @pl.when(t + _NBI < T)
            def _prefetch():
                in_copy(t + _NBI, ki).start()

            out_copy(t, ko).start()
            return 0

        lax.fori_loop(0, T, step, 0)

        for t in range(T - _NBO, T):
            out_copy(t, lax.rem(t, _NBO)).wait()

    return body(x2, attr_embed, elem_embed)


def kernel(x, attr_embed, elem_embed):
    B, S, D = x.shape
    x2 = x.reshape(B * S, D)
    out = _sc_call(x2, attr_embed, elem_embed, B, S)
    return out.reshape(B, S, D)

# --- scband reference (transcript-rebuilt; emitter-appended) ---
"""Pipeline reference for scband-elem-attr-positional-encoding1d-48868137894082 (READ-ONLY COPY).

The authoritative reference and input builder live on the scoring server;
editing this copy changes nothing except your own understanding.
"""

import math
import jax, jax.numpy as jnp
import numpy as np

D_MODEL = 1024
N_ATTR = 4
MAX_LEN = 8192
B, S = 4, 8192


def setup_inputs(seed: int = 0) -> dict:
    key = jax.random.key(seed)
    k1, k2, k3 = jax.random.split(key, 3)
    x = jax.random.normal(k1, (B, S, D_MODEL), dtype=jnp.float32)
    # nn.init.uniform_ -> U[0,1)
    attr_embed = jax.random.uniform(k2, (N_ATTR, D_MODEL // 2), dtype=jnp.float32)
    elem_embed = jax.random.uniform(k3, (MAX_LEN // N_ATTR, D_MODEL // 2), dtype=jnp.float32)
    return {"x": x, "attr_embed": attr_embed, "elem_embed": elem_embed}


def reference(x, attr_embed, elem_embed):
    # scale_input=True
    h = x * math.sqrt(D_MODEL)
    Bx, Sx, _ = x.shape
    indices = jnp.arange(Sx)
    attr_indices = indices % N_ATTR                      # [S]
    elem_indices = indices // N_ATTR                     # [S]
    attr_indices_b = jnp.broadcast_to(attr_indices[None, :], (Bx, Sx))
    elem_indices_b = jnp.broadcast_to(elem_indices[None, :], (Bx, Sx))
    attr_pe = jnp.take(attr_embed, attr_indices_b, axis=0)   # [B, S, d/2]
    elem_pe = jnp.take(elem_embed, elem_indices_b, axis=0)   # [B, S, d/2]
    pe = jnp.concatenate([attr_pe, elem_pe], axis=-1)        # [B, S, d]
    h = h + pe
    # dropout p=0.0 -> identity (eval)
    return h

if __name__ == "__main__":
    import jax
    _d = setup_inputs()
    print(jax.jit(kernel)(*tuple(_d.values())))

</pallas_src>

<mosaic_0001>
#map = affine_map<(d0, d1) -> (0, 0)>
module attributes {stable_mosaic.version = 14 : i64} {
  func.func @body(%arg0: i32, %arg1: i32, %arg2: memref<32768x1024xf32, #tpu.memory_space<hbm>>, %arg3: memref<4x512xf32, #tpu.memory_space<hbm>>, %arg4: memref<2048x512xf32, #tpu.memory_space<hbm>>, %arg5: memref<32768x1024xf32, #tpu.memory_space<hbm>>, %arg6: memref<4x512xf32, #tpu.memory_space<vmem>>, %arg7: memref<64x512xf32, #tpu.memory_space<vmem>>, %arg8: memref<3x16x1024xf32, #tpu.memory_space<vmem>>, %arg9: memref<2x16x1024xf32, #tpu.memory_space<vmem>>, %arg10: memref<3x!tpu.dma_semaphore, #tpu.memory_space<semaphore_mem>>, %arg11: memref<2x!tpu.dma_semaphore, #tpu.memory_space<semaphore_mem>>) attributes {dimension_semantics = [#tpu.dimension_semantics<core_parallel>, #tpu.dimension_semantics<subcore_parallel>], iteration_bounds = array<i64: 2, 16>, scalar_prefetch = 0 : i64, scratch_operands = 6 : i64, tpu.core_type = #tpu.core_type<sc_vector_subcore>, window_params = [{transform_indices = #map}, {transform_indices = #map}, {transform_indices = #map}, {transform_indices = #map}]} {
    %mul3A = arith.constant 2 : i32
    %mul3A_0 = arith.muli %arg1, %mul3A : i32
    %add3A = arith.addi %mul3A_0, %arg0 : i32
    %mul3A_1 = arith.constant 256 : i32
    %mul3A_2 = arith.muli %add3A, %mul3A_1 : i32
    "tpu.region"() ({
      %run_scoped3A = tpu.sem_alloc : memref<!tpu.dma_semaphore, #tpu.memory_space<semaphore_mem>>
      tpu.enqueue_dma source(%arg3 : memref<4x512xf32, #tpu.memory_space<hbm>>) target(%arg6 : memref<4x512xf32, #tpu.memory_space<vmem>>) target_semaphore(%run_scoped3A : memref<!tpu.dma_semaphore, #tpu.memory_space<semaphore_mem>>)
      tpu.wait_dma2 semaphore(%run_scoped3A : memref<!tpu.dma_semaphore, #tpu.memory_space<semaphore_mem>>) src(%arg3 : memref<4x512xf32, #tpu.memory_space<hbm>>) dst(%arg6 : memref<4x512xf32, #tpu.memory_space<vmem>>)
      tpu.yield
    }) : () -> ()
    %mul3A_3 = arith.constant 64 : i32
    %mul3A_4 = arith.muli %add3A, %mul3A_3 : i32
    "tpu.region"() ({
      %run_scoped3A = tpu.sem_alloc : memref<!tpu.dma_semaphore, #tpu.memory_space<semaphore_mem>>
      %dma_start3A_130 = arith.constant 0 : i32
      %dma_start3A_131 = tpu.memref_slice %arg4[%mul3A_4, %dma_start3A_130] : memref<2048x512xf32, #tpu.memory_space<hbm>> -> memref<64x512xf32, #tpu.memory_space<hbm>>
      %dma_start3A_132 = arith.constant 0 : i32
      %dma_start3A_133 = tpu.memref_slice %arg4[%mul3A_4, %dma_start3A_132] : memref<2048x512xf32, #tpu.memory_space<hbm>> -> memref<64x512xf32, #tpu.memory_space<hbm>>
      tpu.enqueue_dma source(%dma_start3A_133 : memref<64x512xf32, #tpu.memory_space<hbm>>) target(%arg7 : memref<64x512xf32, #tpu.memory_space<vmem>>) target_semaphore(%run_scoped3A : memref<!tpu.dma_semaphore, #tpu.memory_space<semaphore_mem>>)
      %dma_wait3A_134 = arith.constant 0 : i32
      %dma_wait3A_135 = tpu.memref_slice %arg4[%mul3A_4, %dma_wait3A_134] : memref<2048x512xf32, #tpu.memory_space<hbm>> -> memref<64x512xf32, #tpu.memory_space<hbm>>
      %dma_wait3A_136 = arith.constant 0 : i32
      %dma_wait3A_137 = tpu.memref_slice %arg4[%mul3A_4, %dma_wait3A_136] : memref<2048x512xf32, #tpu.memory_space<hbm>> -> memref<64x512xf32, #tpu.memory_space<hbm>>
      tpu.wait_dma2 semaphore(%run_scoped3A : memref<!tpu.dma_semaphore, #tpu.memory_space<semaphore_mem>>) src(%dma_wait3A_137 : memref<64x512xf32, #tpu.memory_space<hbm>>) dst(%arg7 : memref<64x512xf32, #tpu.memory_space<vmem>>)
      tpu.yield
    }) : () -> ()
    %rem3A = arith.constant 0 : i32
    %rem3A_5 = arith.constant 16 : i32
    %rem3A_6 = arith.remsi %rem3A, %rem3A_5 : i32
    %add3A_7 = arith.constant 0 : i32
    %add3A_8 = arith.addi %add3A_7, %mul3A_2 : i32
    %mul3A_9 = arith.constant 16 : i32
    %mul3A_10 = arith.muli %rem3A_6, %mul3A_9 : i32
    %add3A_11 = arith.addi %add3A_8, %mul3A_10 : i32
    %dma_start3A = arith.constant 0 : i32
    %dma_start3A_12 = arith.constant 0 : i32
    %dma_start3A_13 = arith.constant 0 : i32
    %dma_start3A_14 = arith.constant 0 : i32
    %dma_start3A_15 = tpu.memref_slice %arg8[%dma_start3A, %dma_start3A_13, %dma_start3A_14] : memref<3x16x1024xf32, #tpu.memory_space<vmem>> -> memref<1x16x1024xf32, #tpu.memory_space<vmem>>
    %dma_start3A_16 = tpu.memref_squeeze %dma_start3A_15 : memref<1x16x1024xf32, #tpu.memory_space<vmem>> -> memref<16x1024xf32, #tpu.memory_space<vmem>>
    %dma_start3A_17 = arith.constant 0 : i32
    %dma_start3A_18 = tpu.memref_slice %arg2[%add3A_11, %dma_start3A_17] : memref<32768x1024xf32, #tpu.memory_space<hbm>> -> memref<16x1024xf32, #tpu.memory_space<hbm>>
    %dma_start3A_19 = tpu.memref_slice %arg10[%dma_start3A_12] : memref<3x!tpu.dma_semaphore, #tpu.memory_space<semaphore_mem>> -> memref<1x!tpu.dma_semaphore, #tpu.memory_space<semaphore_mem>>
    %dma_start3A_20 = tpu.memref_squeeze %dma_start3A_19 : memref<1x!tpu.dma_semaphore, #tpu.memory_space<semaphore_mem>> -> memref<!tpu.dma_semaphore, #tpu.memory_space<semaphore_mem>>
    %dma_start3A_21 = arith.constant 0 : i32
    %dma_start3A_22 = arith.constant 0 : i32
    %dma_start3A_23 = tpu.memref_slice %arg8[%dma_start3A, %dma_start3A_21, %dma_start3A_22] : memref<3x16x1024xf32, #tpu.memory_space<vmem>> -> memref<1x16x1024xf32, #tpu.memory_space<vmem>>
    %dma_start3A_24 = tpu.memref_squeeze %dma_start3A_23 : memref<1x16x1024xf32, #tpu.memory_space<vmem>> -> memref<16x1024xf32, #tpu.memory_space<vmem>>
    %dma_start3A_25 = arith.constant 0 : i32
    %dma_start3A_26 = tpu.memref_slice %arg2[%add3A_11, %dma_start3A_25] : memref<32768x1024xf32, #tpu.memory_space<hbm>> -> memref<16x1024xf32, #tpu.memory_space<hbm>>
    tpu.enqueue_dma source(%dma_start3A_26 : memref<16x1024xf32, #tpu.memory_space<hbm>>) target(%dma_start3A_24 : memref<16x1024xf32, #tpu.memory_space<vmem>>) target_semaphore(%dma_start3A_20 : memref<!tpu.dma_semaphore, #tpu.memory_space<semaphore_mem>>)
    %rem3A_27 = arith.constant 1 : i32
    %rem3A_28 = arith.constant 16 : i32
    %rem3A_29 = arith.remsi %rem3A_27, %rem3A_28 : i32
    %add3A_30 = arith.constant 0 : i32
    %add3A_31 = arith.addi %add3A_30, %mul3A_2 : i32
    %mul3A_32 = arith.constant 16 : i32
    %mul3A_33 = arith.muli %rem3A_29, %mul3A_32 : i32
    %add3A_34 = arith.addi %add3A_31, %mul3A_33 : i32
    %dma_start3A_35 = arith.constant 1 : i32
    %dma_start3A_36 = arith.constant 1 : i32
    %dma_start3A_37 = arith.constant 0 : i32
    %dma_start3A_38 = arith.constant 0 : i32
    %dma_start3A_39 = tpu.memref_slice %arg8[%dma_start3A_35, %dma_start3A_37, %dma_start3A_38] : memref<3x16x1024xf32, #tpu.memory_space<vmem>> -> memref<1x16x1024xf32, #tpu.memory_space<vmem>>
    %dma_start3A_40 = tpu.memref_squeeze %dma_start3A_39 : memref<1x16x1024xf32, #tpu.memory_space<vmem>> -> memref<16x1024xf32, #tpu.memory_space<vmem>>
    %dma_start3A_41 = arith.constant 0 : i32
    %dma_start3A_42 = tpu.memref_slice %arg2[%add3A_34, %dma_start3A_41] : memref<32768x1024xf32, #tpu.memory_space<hbm>> -> memref<16x1024xf32, #tpu.memory_space<hbm>>
    %dma_start3A_43 = tpu.memref_slice %arg10[%dma_start3A_36] : memref<3x!tpu.dma_semaphore, #tpu.memory_space<semaphore_mem>> -> memref<1x!tpu.dma_semaphore, #tpu.memory_space<semaphore_mem>>
    %dma_start3A_44 = tpu.memref_squeeze %dma_start3A_43 : memref<1x!tpu.dma_semaphore, #tpu.memory_space<semaphore_mem>> -> memref<!tpu.dma_semaphore, #tpu.memory_space<semaphore_mem>>
    %dma_start3A_45 = arith.constant 0 : i32
    %dma_start3A_46 = arith.constant 0 : i32
    %dma_start3A_47 = tpu.memref_slice %arg8[%dma_start3A_35, %dma_start3A_45, %dma_start3A_46] : memref<3x16x1024xf32, #tpu.memory_space<vmem>> -> memref<1x16x1024xf32, #tpu.memory_space<vmem>>
    %dma_start3A_48 = tpu.memref_squeeze %dma_start3A_47 : memref<1x16x1024xf32, #tpu.memory_space<vmem>> -> memref<16x1024xf32, #tpu.memory_space<vmem>>
    %dma_start3A_49 = arith.constant 0 : i32
    %dma_start3A_50 = tpu.memref_slice %arg2[%add3A_34, %dma_start3A_49] : memref<32768x1024xf32, #tpu.memory_space<hbm>> -> memref<16x1024xf32, #tpu.memory_space<hbm>>
    tpu.enqueue_dma source(%dma_start3A_50 : memref<16x1024xf32, #tpu.memory_space<hbm>>) target(%dma_start3A_48 : memref<16x1024xf32, #tpu.memory_space<vmem>>) target_semaphore(%dma_start3A_44 : memref<!tpu.dma_semaphore, #tpu.memory_space<semaphore_mem>>)
    %rem3A_51 = arith.constant 2 : i32
    %rem3A_52 = arith.constant 16 : i32
    %rem3A_53 = arith.remsi %rem3A_51, %rem3A_52 : i32
    %add3A_54 = arith.constant 0 : i32
    %add3A_55 = arith.addi %add3A_54, %mul3A_2 : i32
    %mul3A_56 = arith.constant 16 : i32
    %mul3A_57 = arith.muli %rem3A_53, %mul3A_56 : i32
    %add3A_58 = arith.addi %add3A_55, %mul3A_57 : i32
    %dma_start3A_59 = arith.constant 2 : i32
    %dma_start3A_60 = arith.constant 2 : i32
    %dma_start3A_61 = arith.constant 0 : i32
    %dma_start3A_62 = arith.constant 0 : i32
    %dma_start3A_63 = tpu.memref_slice %arg8[%dma_start3A_59, %dma_start3A_61, %dma_start3A_62] : memref<3x16x1024xf32, #tpu.memory_space<vmem>> -> memref<1x16x1024xf32, #tpu.memory_space<vmem>>
    %dma_start3A_64 = tpu.memref_squeeze %dma_start3A_63 : memref<1x16x1024xf32, #tpu.memory_space<vmem>> -> memref<16x1024xf32, #tpu.memory_space<vmem>>
    %dma_start3A_65 = arith.constant 0 : i32
    %dma_start3A_66 = tpu.memref_slice %arg2[%add3A_58, %dma_start3A_65] : memref<32768x1024xf32, #tpu.memory_space<hbm>> -> memref<16x1024xf32, #tpu.memory_space<hbm>>
    %dma_start3A_67 = tpu.memref_slice %arg10[%dma_start3A_60] : memref<3x!tpu.dma_semaphore, #tpu.memory_space<semaphore_mem>> -> memref<1x!tpu.dma_semaphore, #tpu.memory_space<semaphore_mem>>
    %dma_start3A_68 = tpu.memref_squeeze %dma_start3A_67 : memref<1x!tpu.dma_semaphore, #tpu.memory_space<semaphore_mem>> -> memref<!tpu.dma_semaphore, #tpu.memory_space<semaphore_mem>>
    %dma_start3A_69 = arith.constant 0 : i32
    %dma_start3A_70 = arith.constant 0 : i32
    %dma_start3A_71 = tpu.memref_slice %arg8[%dma_start3A_59, %dma_start3A_69, %dma_start3A_70] : memref<3x16x1024xf32, #tpu.memory_space<vmem>> -> memref<1x16x1024xf32, #tpu.memory_space<vmem>>
    %dma_start3A_72 = tpu.memref_squeeze %dma_start3A_71 : memref<1x16x1024xf32, #tpu.memory_space<vmem>> -> memref<16x1024xf32, #tpu.memory_space<vmem>>
    %dma_start3A_73 = arith.constant 0 : i32
    %dma_start3A_74 = tpu.memref_slice %arg2[%add3A_58, %dma_start3A_73] : memref<32768x1024xf32, #tpu.memory_space<hbm>> -> memref<16x1024xf32, #tpu.memory_space<hbm>>
    tpu.enqueue_dma source(%dma_start3A_74 : memref<16x1024xf32, #tpu.memory_space<hbm>>) target(%dma_start3A_72 : memref<16x1024xf32, #tpu.memory_space<vmem>>) target_semaphore(%dma_start3A_68 : memref<!tpu.dma_semaphore, #tpu.memory_space<semaphore_mem>>)
    %scan3A = arith.constant 0 : i32
    %scan3A_75 = arith.constant 0 : i32
    %scan3A_76 = arith.constant 64 : i32
    %scan3A_77 = arith.addi %scan3A_75, %scan3A_76 : i32
    %scan3A_78 = arith.constant 1 : i32
    %scan3A_79 = scf.for %scan3A_130 = %scan3A_75 to %scan3A_77 step %scan3A_78 iter_args(%scan3A_131 = %scan3A) -> (i32)  : i32 {
      %rem3A_132 = arith.constant 3 : i32
      %rem3A_133 = arith.remsi %scan3A_130, %rem3A_132 : i32
      %rem3A_134 = arith.constant 2 : i32
      %rem3A_135 = arith.remsi %scan3A_130, %rem3A_134 : i32
      %ge3A = arith.constant 2 : i32
      %ge3A_136 = arith.cmpi sge, %scan3A_130, %ge3A : i32
      %convert_element_type3A = arith.extui %ge3A_136 : i1 to i32
      %cond3A = arith.constant 0 : i32
      %cond3A_137 = arith.cmpi ne, %convert_element_type3A, %cond3A : i32
      scf.if %cond3A_137 {
        %sub3A_239 = arith.constant 2 : i32
        %sub3A_240 = arith.subi %scan3A_130, %sub3A_239 : i32
        %jit3A_241 = arith.constant 16 : i32
        %div3A_242 = arith.divsi %sub3A_240, %jit3A_241 : i32
        %sign3A_243 = arith.constant 0 : i32
        %sign3A_244 = arith.cmpi sgt, %sub3A_240, %sign3A_243 : i32
        %sign3A_245 = arith.extui %sign3A_244 : i1 to i32
        %sign3A_246 = arith.constant 0 : i32
        %sign3A_247 = arith.cmpi slt, %sub3A_240, %sign3A_246 : i32
        %sign3A_248 = arith.extui %sign3A_247 : i1 to i32
        %sign3A_249 = arith.subi %sign3A_245, %sign3A_248 : i32
        %sign3A_250 = arith.constant 0 : i32
        %sign3A_251 = arith.cmpi sgt, %jit3A_241, %sign3A_250 : i32
        %sign3A_252 = arith.extui %sign3A_251 : i1 to i32
        %sign3A_253 = arith.constant 0 : i32
        %sign3A_254 = arith.cmpi slt, %jit3A_241, %sign3A_253 : i32
        %sign3A_255 = arith.extui %sign3A_254 : i1 to i32
        %sign3A_256 = arith.subi %sign3A_252, %sign3A_255 : i32
        %ne3A_257 = arith.cmpi ne, %sign3A_249, %sign3A_256 : i32
        %rem3A_258 = arith.remsi %sub3A_240, %jit3A_241 : i32
        %ne3A_259 = arith.constant 0 : i32
        %ne3A_260 = arith.cmpi ne, %rem3A_258, %ne3A_259 : i32
        %and3A_261 = arith.andi %ne3A_257, %ne3A_260 : i1
        %sub3A_262 = arith.constant 1 : i32
        %sub3A_263 = arith.subi %div3A_242, %sub3A_262 : i32
        %select_n3A_264 = arith.select %and3A_261, %sub3A_263, %div3A_242 : i32
        %rem3A_265 = arith.constant 16 : i32
        %rem3A_266 = arith.remsi %sub3A_240, %rem3A_265 : i32
        %mul3A_267 = arith.constant 8192 : i32
        %mul3A_268 = arith.muli %select_n3A_264, %mul3A_267 : i32
        %add3A_269 = arith.addi %mul3A_268, %mul3A_2 : i32
        %mul3A_270 = arith.constant 16 : i32
        %mul3A_271 = arith.muli %rem3A_266, %mul3A_270 : i32
        %add3A_272 = arith.addi %add3A_269, %mul3A_271 : i32
        %dma_wait3A_273 = arith.constant 0 : i32
        %dma_wait3A_274 = arith.constant 0 : i32
        %dma_wait3A_275 = tpu.memref_slice %arg9[%rem3A_135, %dma_wait3A_273, %dma_wait3A_274] : memref<2x16x1024xf32, #tpu.memory_space<vmem>> -> memref<1x16x1024xf32, #tpu.memory_space<vmem>>
        %dma_wait3A_276 = tpu.memref_squeeze %dma_wait3A_275 : memref<1x16x1024xf32, #tpu.memory_space<vmem>> -> memref<16x1024xf32, #tpu.memory_space<vmem>>
        %dma_wait3A_277 = arith.constant 0 : i32
        %dma_wait3A_278 = tpu.memref_slice %arg5[%add3A_272, %dma_wait3A_277] : memref<32768x1024xf32, #tpu.memory_space<hbm>> -> memref<16x1024xf32, #tpu.memory_space<hbm>>
        %dma_wait3A_279 = tpu.memref_slice %arg11[%rem3A_135] : memref<2x!tpu.dma_semaphore, #tpu.memory_space<semaphore_mem>> -> memref<1x!tpu.dma_semaphore, #tpu.memory_space<semaphore_mem>>
        %dma_wait3A_280 = tpu.memref_squeeze %dma_wait3A_279 : memref<1x!tpu.dma_semaphore, #tpu.memory_space<semaphore_mem>> -> memref<!tpu.dma_semaphore, #tpu.memory_space<semaphore_mem>>
        %dma_wait3A_281 = arith.constant 0 : i32
        %dma_wait3A_282 = tpu.memref_slice %arg5[%add3A_272, %dma_wait3A_281] : memref<32768x1024xf32, #tpu.memory_space<hbm>> -> memref<16x1024xf32, #tpu.memory_space<hbm>>
        %dma_wait3A_283 = arith.constant 0 : i32
        %dma_wait3A_284 = arith.constant 0 : i32
        %dma_wait3A_285 = tpu.memref_slice %arg9[%rem3A_135, %dma_wait3A_283, %dma_wait3A_284] : memref<2x16x1024xf32, #tpu.memory_space<vmem>> -> memref<1x16x1024xf32, #tpu.memory_space<vmem>>
        %dma_wait3A_286 = tpu.memref_squeeze %dma_wait3A_285 : memref<1x16x1024xf32, #tpu.memory_space<vmem>> -> memref<16x1024xf32, #tpu.memory_space<vmem>>
        tpu.wait_dma2 semaphore(%dma_wait3A_280 : memref<!tpu.dma_semaphore, #tpu.memory_space<semaphore_mem>>) src(%dma_wait3A_286 : memref<16x1024xf32, #tpu.memory_space<vmem>>) dst(%dma_wait3A_282 : memref<16x1024xf32, #tpu.memory_space<hbm>>)
      } else {
      }
      %jit3A = arith.constant 16 : i32
      %div3A = arith.divsi %scan3A_130, %jit3A : i32
      %sign3A = arith.constant 0 : i32
      %sign3A_138 = arith.cmpi sgt, %scan3A_130, %sign3A : i32
      %sign3A_139 = arith.extui %sign3A_138 : i1 to i32
      %sign3A_140 = arith.constant 0 : i32
      %sign3A_141 = arith.cmpi slt, %scan3A_130, %sign3A_140 : i32
      %sign3A_142 = arith.extui %sign3A_141 : i1 to i32
      %sign3A_143 = arith.subi %sign3A_139, %sign3A_142 : i32
      %sign3A_144 = arith.constant 0 : i32
      %sign3A_145 = arith.cmpi sgt, %jit3A, %sign3A_144 : i32
      %sign3A_146 = arith.extui %sign3A_145 : i1 to i32
      %sign3A_147 = arith.constant 0 : i32
      %sign3A_148 = arith.cmpi slt, %jit3A, %sign3A_147 : i32
      %sign3A_149 = arith.extui %sign3A_148 : i1 to i32
      %sign3A_150 = arith.subi %sign3A_146, %sign3A_149 : i32
      %ne3A = arith.cmpi ne, %sign3A_143, %sign3A_150 : i32
      %rem3A_151 = arith.remsi %scan3A_130, %jit3A : i32
      %ne3A_152 = arith.constant 0 : i32
      %ne3A_153 = arith.cmpi ne, %rem3A_151, %ne3A_152 : i32
      %and3A = arith.andi %ne3A, %ne3A_153 : i1
      %sub3A = arith.constant 1 : i32
      %sub3A_154 = arith.subi %div3A, %sub3A : i32
      %select_n3A = arith.select %and3A, %sub3A_154, %div3A : i32
      %rem3A_155 = arith.constant 16 : i32
      %rem3A_156 = arith.remsi %scan3A_130, %rem3A_155 : i32
      %mul3A_157 = arith.constant 8192 : i32
      %mul3A_158 = arith.muli %select_n3A, %mul3A_157 : i32
      %add3A_159 = arith.addi %mul3A_158, %mul3A_2 : i32
      %mul3A_160 = arith.constant 16 : i32
      %mul3A_161 = arith.muli %rem3A_156, %mul3A_160 : i32
      %add3A_162 = arith.addi %add3A_159, %mul3A_161 : i32
      %dma_wait3A_163 = arith.constant 0 : i32
      %dma_wait3A_164 = arith.constant 0 : i32
      %dma_wait3A_165 = tpu.memref_slice %arg8[%rem3A_133, %dma_wait3A_163, %dma_wait3A_164] : memref<3x16x1024xf32, #tpu.memory_space<vmem>> -> memref<1x16x1024xf32, #tpu.memory_space<vmem>>
      %dma_wait3A_166 = tpu.memref_squeeze %dma_wait3A_165 : memref<1x16x1024xf32, #tpu.memory_space<vmem>> -> memref<16x1024xf32, #tpu.memory_space<vmem>>
      %dma_wait3A_167 = arith.constant 0 : i32
      %dma_wait3A_168 = tpu.memref_slice %arg2[%add3A_162, %dma_wait3A_167] : memref<32768x1024xf32, #tpu.memory_space<hbm>> -> memref<16x1024xf32, #tpu.memory_space<hbm>>
      %dma_wait3A_169 = tpu.memref_slice %arg10[%rem3A_133] : memref<3x!tpu.dma_semaphore, #tpu.memory_space<semaphore_mem>> -> memref<1x!tpu.dma_semaphore, #tpu.memory_space<semaphore_mem>>
      %dma_wait3A_170 = tpu.memref_squeeze %dma_wait3A_169 : memref<1x!tpu.dma_semaphore, #tpu.memory_space<semaphore_mem>> -> memref<!tpu.dma_semaphore, #tpu.memory_space<semaphore_mem>>
      %dma_wait3A_171 = arith.constant 0 : i32
      %dma_wait3A_172 = arith.constant 0 : i32
      %dma_wait3A_173 = tpu.memref_slice %arg8[%rem3A_133, %dma_wait3A_171, %dma_wait3A_172] : memref<3x16x1024xf32, #tpu.memory_space<vmem>> -> memref<1x16x1024xf32, #tpu.memory_space<vmem>>
      %dma_wait3A_174 = tpu.memref_squeeze %dma_wait3A_173 : memref<1x16x1024xf32, #tpu.memory_space<vmem>> -> memref<16x1024xf32, #tpu.memory_space<vmem>>
      %dma_wait3A_175 = arith.constant 0 : i32
      %dma_wait3A_176 = tpu.memref_slice %arg2[%add3A_162, %dma_wait3A_175] : memref<32768x1024xf32, #tpu.memory_space<hbm>> -> memref<16x1024xf32, #tpu.memory_space<hbm>>
      tpu.wait_dma2 semaphore(%dma_wait3A_170 : memref<!tpu.dma_semaphore, #tpu.memory_space<semaphore_mem>>) src(%dma_wait3A_176 : memref<16x1024xf32, #tpu.memory_space<hbm>>) dst(%dma_wait3A_174 : memref<16x1024xf32, #tpu.memory_space<vmem>>)
      %rem3A_177 = arith.constant 16 : i32
      %rem3A_178 = arith.remsi %scan3A_130, %rem3A_177 : i32
      %mul3A_179 = arith.constant 4 : i32
      %mul3A_180 = arith.muli %rem3A_178, %mul3A_179 : i32
      %parallel_loop3A = arith.constant 0 : i32
      %parallel_loop3A_181 = arith.constant 32 : i32
      %parallel_loop3A_182 = arith.constant 1 : i32
      scf.for %parallel_loop3A_239 = %parallel_loop3A to %parallel_loop3A_181 step %parallel_loop3A_182  : i32 {
        %parallel_loop3A_240 = arith.constant 16 : i32
        %parallel_loop3A_241 = arith.muli %parallel_loop3A_239, %parallel_loop3A_240 : i32
        %parallel_loop3A_242 = arith.constant 0 : i32
        %parallel_loop3A_243 = arith.index_cast %parallel_loop3A_242 : i32 to index
        %parallel_loop3A_244 = arith.index_cast %parallel_loop3A_241 : i32 to index
        %parallel_loop3A_245 = tpu.vector_load %arg6[%parallel_loop3A_243, %parallel_loop3A_244] {strides = array<i32>} : memref<4x512xf32, #tpu.memory_space<vmem>>, vector<1x16xf32>,
        %parallel_loop3A_246 = vector.shape_cast %parallel_loop3A_245 : vector<1x16xf32> to vector<16xf32>
        %parallel_loop3A_247 = arith.constant 1 : i32
        %parallel_loop3A_248 = arith.index_cast %parallel_loop3A_247 : i32 to index
        %parallel_loop3A_249 = arith.index_cast %parallel_loop3A_241 : i32 to index
        %parallel_loop3A_250 = tpu.vector_load %arg6[%parallel_loop3A_248, %parallel_loop3A_249] {strides = array<i32>} : memref<4x512xf32, #tpu.memory_space<vmem>>, vector<1x16xf32>,
        %parallel_loop3A_251 = vector.shape_cast %parallel_loop3A_250 : vector<1x16xf32> to vector<16xf32>
        %parallel_loop3A_252 = arith.constant 2 : i32
        %parallel_loop3A_253 = arith.index_cast %parallel_loop3A_252 : i32 to index
        %parallel_loop3A_254 = arith.index_cast %parallel_loop3A_241 : i32 to index
        %parallel_loop3A_255 = tpu.vector_load %arg6[%parallel_loop3A_253, %parallel_loop3A_254] {strides = array<i32>} : memref<4x512xf32, #tpu.memory_space<vmem>>, vector<1x16xf32>,
        %parallel_loop3A_256 = vector.shape_cast %parallel_loop3A_255 : vector<1x16xf32> to vector<16xf32>
        %parallel_loop3A_257 = arith.constant 3 : i32
        %parallel_loop3A_258 = arith.index_cast %parallel_loop3A_257 : i32 to index
        %parallel_loop3A_259 = arith.index_cast %parallel_loop3A_241 : i32 to index
        %parallel_loop3A_260 = tpu.vector_load %arg6[%parallel_loop3A_258, %parallel_loop3A_259] {strides = array<i32>} : memref<4x512xf32, #tpu.memory_space<vmem>>, vector<1x16xf32>,
        %parallel_loop3A_261 = vector.shape_cast %parallel_loop3A_260 : vector<1x16xf32> to vector<16xf32>
        %parallel_loop3A_262 = arith.constant 0 : i32
        %parallel_loop3A_263 = arith.index_cast %rem3A_133 : i32 to index
        %parallel_loop3A_264 = arith.index_cast %parallel_loop3A_262 : i32 to index
        %parallel_loop3A_265 = arith.index_cast %parallel_loop3A_241 : i32 to index
        %parallel_loop3A_266 = tpu.vector_load %arg8[%parallel_loop3A_263, %parallel_loop3A_264, %parallel_loop3A_265] {strides = array<i32>} : memref<3x16x1024xf32, #tpu.memory_space<vmem>>, vector<1x1x16xf32>,
        %parallel_loop3A_267 = vector.shape_cast %parallel_loop3A_266 : vector<1x1x16xf32> to vector<16xf32>
        %parallel_loop3A_268 = arith.constant 3.200000e+01 : f32
        %parallel_loop3A_269 = vector.broadcast %parallel_loop3A_268 : f32 to vector<16xf32>
        %parallel_loop3A_270 = arith.mulf %parallel_loop3A_267, %parallel_loop3A_269 : vector<16xf32>
        %parallel_loop3A_271 = arith.addf %parallel_loop3A_270, %parallel_loop3A_246 : vector<16xf32>
        %parallel_loop3A_272 = arith.constant 0 : i32
        %parallel_loop3A_273 = arith.index_cast %rem3A_135 : i32 to index
        %parallel_loop3A_274 = arith.index_cast %parallel_loop3A_272 : i32 to index
        %parallel_loop3A_275 = arith.index_cast %parallel_loop3A_241 : i32 to index
        %parallel_loop3A_276 = tpu.vector_load %arg9[%parallel_loop3A_273, %parallel_loop3A_274, %parallel_loop3A_275] {strides = array<i32>} : memref<2x16x1024xf32, #tpu.memory_space<vmem>>, vector<1x1x16xf32>,
        %parallel_loop3A_277 = vector.shape_cast %parallel_loop3A_276 : vector<1x1x16xf32> to vector<16xf32>
        %parallel_loop3A_278 = vector.shape_cast %parallel_loop3A_271 : vector<16xf32> to vector<1x1x16xf32>
        tpu.vector_store %arg9[%parallel_loop3A_273, %parallel_loop3A_274, %parallel_loop3A_275], %parallel_loop3A_278 {strides = array<i32>} : memref<2x16x1024xf32, #tpu.memory_space<vmem>>, vector<1x1x16xf32>,
        %parallel_loop3A_279 = arith.constant 1 : i32
        %parallel_loop3A_280 = arith.index_cast %rem3A_133 : i32 to index
        %parallel_loop3A_281 = arith.index_cast %parallel_loop3A_279 : i32 to index
        %parallel_loop3A_282 = arith.index_cast %parallel_loop3A_241 : i32 to index
        %parallel_loop3A_283 = tpu.vector_load %arg8[%parallel_loop3A_280, %parallel_loop3A_281, %parallel_loop3A_282] {strides = array<i32>} : memref<3x16x1024xf32, #tpu.memory_space<vmem>>, vector<1x1x16xf32>,
        %parallel_loop3A_284 = vector.shape_cast %parallel_loop3A_283 : vector<1x1x16xf32> to vector<16xf32>
        %parallel_loop3A_285 = arith.constant 3.200000e+01 : f32
        %parallel_loop3A_286 = vector.broadcast %parallel_loop3A_285 : f32 to vector<16xf32>
        %parallel_loop3A_287 = arith.mulf %parallel_loop3A_284, %parallel_loop3A_286 : vector<16xf32>
        %parallel_loop3A_288 = arith.addf %parallel_loop3A_287, %parallel_loop3A_251 : vector<16xf32>
        %parallel_loop3A_289 = arith.constant 1 : i32
        %parallel_loop3A_290 = arith.index_cast %rem3A_135 : i32 to index
        %parallel_loop3A_291 = arith.index_cast %parallel_loop3A_289 : i32 to index
        %parallel_loop3A_292 = arith.index_cast %parallel_loop3A_241 : i32 to index
        %parallel_loop3A_293 = tpu.vector_load %arg9[%parallel_loop3A_290, %parallel_loop3A_291, %parallel_loop3A_292] {strides = array<i32>} : memref<2x16x1024xf32, #tpu.memory_space<vmem>>, vector<1x1x16xf32>,
        %parallel_loop3A_294 = vector.shape_cast %parallel_loop3A_293 : vector<1x1x16xf32> to vector<16xf32>
        %parallel_loop3A_295 = vector.shape_cast %parallel_loop3A_288 : vector<16xf32> to vector<1x1x16xf32>
        tpu.vector_store %arg9[%parallel_loop3A_290, %parallel_loop3A_291, %parallel_loop3A_292], %parallel_loop3A_295 {strides = array<i32>} : memref<2x16x1024xf32, #tpu.memory_space<vmem>>, vector<1x1x16xf32>,
        %parallel_loop3A_296 = arith.constant 2 : i32
        %parallel_loop3A_297 = arith.index_cast %rem3A_133 : i32 to index
        %parallel_loop3A_298 = arith.index_cast %parallel_loop3A_296 : i32 to index
        %parallel_loop3A_299 = arith.index_cast %parallel_loop3A_241 : i32 to index
        %parallel_loop3A_300 = tpu.vector_load %arg8[%parallel_loop3A_297, %parallel_loop3A_298, %parallel_loop3A_299] {strides = array<i32>} : memref<3x16x1024xf32, #tpu.memory_space<vmem>>, vector<1x1x16xf32>,
        %parallel_loop3A_301 = vector.shape_cast %parallel_loop3A_300 : vector<1x1x16xf32> to vector<16xf32>
        %parallel_loop3A_302 = arith.constant 3.200000e+01 : f32
        %parallel_loop3A_303 = vector.broadcast %parallel_loop3A_302 : f32 to vector<16xf32>
        %parallel_loop3A_304 = arith.mulf %parallel_loop3A_301, %parallel_loop3A_303 : vector<16xf32>
        %parallel_loop3A_305 = arith.addf %parallel_loop3A_304, %parallel_loop3A_256 : vector<16xf32>
        %parallel_loop3A_306 = arith.constant 2 : i32
        %parallel_loop3A_307 = arith.index_cast %rem3A_135 : i32 to index
        %parallel_loop3A_308 = arith.index_cast %parallel_loop3A_306 : i32 to index
        %parallel_loop3A_309 = arith.index_cast %parallel_loop3A_241 : i32 to index
        %parallel_loop3A_310 = tpu.vector_load %arg9[%parallel_loop3A_307, %parallel_loop3A_308, %parallel_loop3A_309] {strides = array<i32>} : memref<2x16x1024xf32, #tpu.memory_space<vmem>>, vector<1x1x16xf32>,
        %parallel_loop3A_311 = vector.shape_cast %parallel_loop3A_310 : vector<1x1x16xf32> to vector<16xf32>
        %parallel_loop3A_312 = vector.shape_cast %parallel_loop3A_305 : vector<16xf32> to vector<1x1x16xf32>
        tpu.vector_store %arg9[%parallel_loop3A_307, %parallel_loop3A_308, %parallel_loop3A_309], %parallel_loop3A_312 {strides = array<i32>} : memref<2x16x1024xf32, #tpu.memory_space<vmem>>, vector<1x1x16xf32>,
        %parallel_loop3A_313 = arith.constant 3 : i32
        %parallel_loop3A_314 = arith.index_cast %rem3A_133 : i32 to index
        %parallel_loop3A_315 = arith.index_cast %parallel_loop3A_313 : i32 to index
        %parallel_loop3A_316 = arith.index_cast %parallel_loop3A_241 : i32 to index
        %parallel_loop3A_317 = tpu.vector_load %arg8[%parallel_loop3A_314, %parallel_loop3A_315, %parallel_loop3A_316] {strides = array<i32>} : memref<3x16x1024xf32, #tpu.memory_space<vmem>>, vector<1x1x16xf32>,
        %parallel_loop3A_318 = vector.shape_cast %parallel_loop3A_317 : vector<1x1x16xf32> to vector<16xf32>
        %parallel_loop3A_319 = arith.constant 3.200000e+01 : f32
        %parallel_loop3A_320 = vector.broadcast %parallel_loop3A_319 : f32 to vector<16xf32>
        %parallel_loop3A_321 = arith.mulf %parallel_loop3A_318, %parallel_loop3A_320 : vector<16xf32>
        %parallel_loop3A_322 = arith.addf %parallel_loop3A_321, %parallel_loop3A_261 : vector<16xf32>
        %parallel_loop3A_323 = arith.constant 3 : i32
        %parallel_loop3A_324 = arith.index_cast %rem3A_135 : i32 to index
        %parallel_loop3A_325 = arith.index_cast %parallel_loop3A_323 : i32 to index
        %parallel_loop3A_326 = arith.index_cast %parallel_loop3A_241 : i32 to index
        %parallel_loop3A_327 = tpu.vector_load %arg9[%parallel_loop3A_324, %parallel_loop3A_325, %parallel_loop3A_326] {strides = array<i32>} : memref<2x16x1024xf32, #tpu.memory_space<vmem>>, vector<1x1x16xf32>,
        %parallel_loop3A_328 = vector.shape_cast %parallel_loop3A_327 : vector<1x1x16xf32> to vector<16xf32>
        %parallel_loop3A_329 = vector.shape_cast %parallel_loop3A_322 : vector<16xf32> to vector<1x1x16xf32>
        tpu.vector_store %arg9[%parallel_loop3A_324, %parallel_loop3A_325, %parallel_loop3A_326], %parallel_loop3A_329 {strides = array<i32>} : memref<2x16x1024xf32, #tpu.memory_space<vmem>>, vector<1x1x16xf32>,
        %parallel_loop3A_330 = arith.constant 4 : i32
        %parallel_loop3A_331 = arith.index_cast %rem3A_133 : i32 to index
        %parallel_loop3A_332 = arith.index_cast %parallel_loop3A_330 : i32 to index
        %parallel_loop3A_333 = arith.index_cast %parallel_loop3A_241 : i32 to index
        %parallel_loop3A_334 = tpu.vector_load %arg8[%parallel_loop3A_331, %parallel_loop3A_332, %parallel_loop3A_333] {strides = array<i32>} : memref<3x16x1024xf32, #tpu.memory_space<vmem>>, vector<1x1x16xf32>,
        %parallel_loop3A_335 = vector.shape_cast %parallel_loop3A_334 : vector<1x1x16xf32> to vector<16xf32>
        %parallel_loop3A_336 = arith.constant 3.200000e+01 : f32
        %parallel_loop3A_337 = vector.broadcast %parallel_loop3A_336 : f32 to vector<16xf32>
        %parallel_loop3A_338 = arith.mulf %parallel_loop3A_335, %parallel_loop3A_337 : vector<16xf32>
        %parallel_loop3A_339 = arith.addf %parallel_loop3A_338, %parallel_loop3A_246 : vector<16xf32>
        %parallel_loop3A_340 = arith.constant 4 : i32
        %parallel_loop3A_341 = arith.index_cast %rem3A_135 : i32 to index
        %parallel_loop3A_342 = arith.index_cast %parallel_loop3A_340 : i32 to index
        %parallel_loop3A_343 = arith.index_cast %parallel_loop3A_241 : i32 to index
        %parallel_loop3A_344 = tpu.vector_load %arg9[%parallel_loop3A_341, %parallel_loop3A_342, %parallel_loop3A_343] {strides = array<i32>} : memref<2x16x1024xf32, #tpu.memory_space<vmem>>, vector<1x1x16xf32>,
        %parallel_loop3A_345 = vector.shape_cast %parallel_loop3A_344 : vector<1x1x16xf32> to vector<16xf32>
        %parallel_loop3A_346 = vector.shape_cast %parallel_loop3A_339 : vector<16xf32> to vector<1x1x16xf32>
        tpu.vector_store %arg9[%parallel_loop3A_341, %parallel_loop3A_342, %parallel_loop3A_343], %parallel_loop3A_346 {strides = array<i32>} : memref<2x16x1024xf32, #tpu.memory_space<vmem>>, vector<1x1x16xf32>,
        %parallel_loop3A_347 = arith.constant 5 : i32
        %parallel_loop3A_348 = arith.index_cast %rem3A_133 : i32 to index
        %parallel_loop3A_349 = arith.index_cast %parallel_loop3A_347 : i32 to index
        %parallel_loop3A_350 = arith.index_cast %parallel_loop3A_241 : i32 to index
        %parallel_loop3A_351 = tpu.vector_load %arg8[%parallel_loop3A_348, %parallel_loop3A_349, %parallel_loop3A_350] {strides = array<i32>} : memref<3x16x1024xf32, #tpu.memory_space<vmem>>, vector<1x1x16xf32>,
        %parallel_loop3A_352 = vector.shape_cast %parallel_loop3A_351 : vector<1x1x16xf32> to vector<16xf32>
        %parallel_loop3A_353 = arith.constant 3.200000e+01 : f32
        %parallel_loop3A_354 = vector.broadcast %parallel_loop3A_353 : f32 to vector<16xf32>
        %parallel_loop3A_355 = arith.mulf %parallel_loop3A_352, %parallel_loop3A_354 : vector<16xf32>
        %parallel_loop3A_356 = arith.addf %parallel_loop3A_355, %parallel_loop3A_251 : vector<16xf32>
        %parallel_loop3A_357 = arith.constant 5 : i32
        %parallel_loop3A_358 = arith.index_cast %rem3A_135 : i32 to index
        %parallel_loop3A_359 = arith.index_cast %parallel_loop3A_357 : i32 to index
        %parallel_loop3A_360 = arith.index_cast %parallel_loop3A_241 : i32 to index
        %parallel_loop3A_361 = tpu.vector_load %arg9[%parallel_loop3A_358, %parallel_loop3A_359, %parallel_loop3A_360] {strides = array<i32>} : memref<2x16x1024xf32, #tpu.memory_space<vmem>>, vector<1x1x16xf32>,
        %parallel_loop3A_362 = vector.shape_cast %parallel_loop3A_361 : vector<1x1x16xf32> to vector<16xf32>
        %parallel_loop3A_363 = vector.shape_cast %parallel_loop3A_356 : vector<16xf32> to vector<1x1x16xf32>
        tpu.vector_store %arg9[%parallel_loop3A_358, %parallel_loop3A_359, %parallel_loop3A_360], %parallel_loop3A_363 {strides = array<i32>} : memref<2x16x1024xf32, #tpu.memory_space<vmem>>, vector<1x1x16xf32>,
        %parallel_loop3A_364 = arith.constant 6 : i32
        %parallel_loop3A_365 = arith.index_cast %rem3A_133 : i32 to index
        %parallel_loop3A_366 = arith.index_cast %parallel_loop3A_364 : i32 to index
        %parallel_loop3A_367 = arith.index_cast %parallel_loop3A_241 : i32 to index
        %parallel_loop3A_368 = tpu.vector_load %arg8[%parallel_loop3A_365, %parallel_loop3A_366, %parallel_loop3A_367] {strides = array<i32>} : memref<3x16x1024xf32, #tpu.memory_space<vmem>>, vector<1x1x16xf32>,
        %parallel_loop3A_369 = vector.shape_cast %parallel_loop3A_368 : vector<1x1x16xf32> to vector<16xf32>
        %parallel_loop3A_370 = arith.constant 3.200000e+01 : f32
        %parallel_loop3A_371 = vector.broadcast %parallel_loop3A_370 : f32 to vector<16xf32>
        %parallel_loop3A_372 = arith.mulf %parallel_loop3A_369, %parallel_loop3A_371 : vector<16xf32>
        %parallel_loop3A_373 = arith.addf %parallel_loop3A_372, %parallel_loop3A_256 : vector<16xf32>
        %parallel_loop3A_374 = arith.constant 6 : i32
        %parallel_loop3A_375 = arith.index_cast %rem3A_135 : i32 to index
        %parallel_loop3A_376 = arith.index_cast %parallel_loop3A_374 : i32 to index
        %parallel_loop3A_377 = arith.index_cast %parallel_loop3A_241 : i32 to index
        %parallel_loop3A_378 = tpu.vector_load %arg9[%parallel_loop3A_375, %parallel_loop3A_376, %parallel_loop3A_377] {strides = array<i32>} : memref<2x16x1024xf32, #tpu.memory_space<vmem>>, vector<1x1x16xf32>,
        %parallel_loop3A_379 = vector.shape_cast %parallel_loop3A_378 : vector<1x1x16xf32> to vector<16xf32>
        %parallel_loop3A_380 = vector.shape_cast %parallel_loop3A_373 : vector<16xf32> to vector<1x1x16xf32>
        tpu.vector_store %arg9[%parallel_loop3A_375, %parallel_loop3A_376, %parallel_loop3A_377], %parallel_loop3A_380 {strides = array<i32>} : memref<2x16x1024xf32, #tpu.memory_space<vmem>>, vector<1x1x16xf32>,
        %parallel_loop3A_381 = arith.constant 7 : i32
        %parallel_loop3A_382 = arith.index_cast %rem3A_133 : i32 to index
        %parallel_loop3A_383 = arith.index_cast %parallel_loop3A_381 : i32 to index
        %parallel_loop3A_384 = arith.index_cast %parallel_loop3A_241 : i32 to index
        %parallel_loop3A_385 = tpu.vector_load %arg8[%parallel_loop3A_382, %parallel_loop3A_383, %parallel_loop3A_384] {strides = array<i32>} : memref<3x16x1024xf32, #tpu.memory_space<vmem>>, vector<1x1x16xf32>,
        %parallel_loop3A_386 = vector.shape_cast %parallel_loop3A_385 : vector<1x1x16xf32> to vector<16xf32>
        %parallel_loop3A_387 = arith.constant 3.200000e+01 : f32
        %parallel_loop3A_388 = vector.broadcast %parallel_loop3A_387 : f32 to vector<16xf32>
        %parallel_loop3A_389 = arith.mulf %parallel_loop3A_386, %parallel_loop3A_388 : vector<16xf32>
        %parallel_loop3A_390 = arith.addf %parallel_loop3A_389, %parallel_loop3A_261 : vector<16xf32>
        %parallel_loop3A_391 = arith.constant 7 : i32
        %parallel_loop3A_392 = arith.index_cast %rem3A_135 : i32 to index
        %parallel_loop3A_393 = arith.index_cast %parallel_loop3A_391 : i32 to index
        %parallel_loop3A_394 = arith.index_cast %parallel_loop3A_241 : i32 to index
        %parallel_loop3A_395 = tpu.vector_load %arg9[%parallel_loop3A_392, %parallel_loop3A_393, %parallel_loop3A_394] {strides = array<i32>} : memref<2x16x1024xf32, #tpu.memory_space<vmem>>, vector<1x1x16xf32>,
        %parallel_loop3A_396 = vector.shape_cast %parallel_loop3A_395 : vector<1x1x16xf32> to vector<16xf32>
        %parallel_loop3A_397 = vector.shape_cast %parallel_loop3A_390 : vector<16xf32> to vector<1x1x16xf32>
        tpu.vector_store %arg9[%parallel_loop3A_392, %parallel_loop3A_393, %parallel_loop3A_394], %parallel_loop3A_397 {strides = array<i32>} : memref<2x16x1024xf32, #tpu.memory_space<vmem>>, vector<1x1x16xf32>,
        %parallel_loop3A_398 = arith.constant 8 : i32
        %parallel_loop3A_399 = arith.index_cast %rem3A_133 : i32 to index
        %parallel_loop3A_400 = arith.index_cast %parallel_loop3A_398 : i32 to index
        %parallel_loop3A_401 = arith.index_cast %parallel_loop3A_241 : i32 to index
        %parallel_loop3A_402 = tpu.vector_load %arg8[%parallel_loop3A_399, %parallel_loop3A_400, %parallel_loop3A_401] {strides = array<i32>} : memref<3x16x1024xf32, #tpu.memory_space<vmem>>, vector<1x1x16xf32>,
        %parallel_loop3A_403 = vector.shape_cast %parallel_loop3A_402 : vector<1x1x16xf32> to vector<16xf32>
        %parallel_loop3A_404 = arith.constant 3.200000e+01 : f32
        %parallel_loop3A_405 = vector.broadcast %parallel_loop3A_404 : f32 to vector<16xf32>
        %parallel_loop3A_406 = arith.mulf %parallel_loop3A_403, %parallel_loop3A_405 : vector<16xf32>
        %parallel_loop3A_407 = arith.addf %parallel_loop3A_406, %parallel_loop3A_246 : vector<16xf32>
        %parallel_loop3A_408 = arith.constant 8 : i32
        %parallel_loop3A_409 = arith.index_cast %rem3A_135 : i32 to index
        %parallel_loop3A_410 = arith.index_cast %parallel_loop3A_408 : i32 to index
        %parallel_loop3A_411 = arith.index_cast %parallel_loop3A_241 : i32 to index
        %parallel_loop3A_412 = tpu.vector_load %arg9[%parallel_loop3A_409, %parallel_loop3A_410, %parallel_loop3A_411] {strides = array<i32>} : memref<2x16x1024xf32, #tpu.memory_space<vmem>>, vector<1x1x16xf32>,
        %parallel_loop3A_413 = vector.shape_cast %parallel_loop3A_412 : vector<1x1x16xf32> to vector<16xf32>
        %parallel_loop3A_414 = vector.shape_cast %parallel_loop3A_407 : vector<16xf32> to vector<1x1x16xf32>
        tpu.vector_store %arg9[%parallel_loop3A_409, %parallel_loop3A_410, %parallel_loop3A_411], %parallel_loop3A_414 {strides = array<i32>} : memref<2x16x1024xf32, #tpu.memory_space<vmem>>, vector<1x1x16xf32>,
        %parallel_loop3A_415 = arith.constant 9 : i32
        %parallel_loop3A_416 = arith.index_cast %rem3A_133 : i32 to index
        %parallel_loop3A_417 = arith.index_cast %parallel_loop3A_415 : i32 to index
        %parallel_loop3A_418 = arith.index_cast %parallel_loop3A_241 : i32 to index
        %parallel_loop3A_419 = tpu.vector_load %arg8[%parallel_loop3A_416, %parallel_loop3A_417, %parallel_loop3A_418] {strides = array<i32>} : memref<3x16x1024xf32, #tpu.memory_space<vmem>>, vector<1x1x16xf32>,
        %parallel_loop3A_420 = vector.shape_cast %parallel_loop3A_419 : vector<1x1x16xf32> to vector<16xf32>
        %parallel_loop3A_421 = arith.constant 3.200000e+01 : f32
        %parallel_loop3A_422 = vector.broadcast %parallel_loop3A_421 : f32 to vector<16xf32>
        %parallel_loop3A_423 = arith.mulf %parallel_loop3A_420, %parallel_loop3A_422 : vector<16xf32>
        %parallel_loop3A_424 = arith.addf %parallel_loop3A_423, %parallel_loop3A_251 : vector<16xf32>
        %parallel_loop3A_425 = arith.constant 9 : i32
        %parallel_loop3A_426 = arith.index_cast %rem3A_135 : i32 to index
        %parallel_loop3A_427 = arith.index_cast %parallel_loop3A_425 : i32 to index
        %parallel_loop3A_428 = arith.index_cast %parallel_loop3A_241 : i32 to index
        %parallel_loop3A_429 = tpu.vector_load %arg9[%parallel_loop3A_426, %parallel_loop3A_427, %parallel_loop3A_428] {strides = array<i32>} : memref<2x16x1024xf32, #tpu.memory_space<vmem>>, vector<1x1x16xf32>,
        %parallel_loop3A_430 = vector.shape_cast %parallel_loop3A_429 : vector<1x1x16xf32> to vector<16xf32>
        %parallel_loop3A_431 = vector.shape_cast %parallel_loop3A_424 : vector<16xf32> to vector<1x1x16xf32>
        tpu.vector_store %arg9[%parallel_loop3A_426, %parallel_loop3A_427, %parallel_loop3A_428], %parallel_loop3A_431 {strides = array<i32>} : memref<2x16x1024xf32, #tpu.memory_space<vmem>>, vector<1x1x16xf32>,
        %parallel_loop3A_432 = arith.constant 10 : i32
        %parallel_loop3A_433 = arith.index_cast %rem3A_133 : i32 to index
        %parallel_loop3A_434 = arith.index_cast %parallel_loop3A_432 : i32 to index
        %parallel_loop3A_435 = arith.index_cast %parallel_loop3A_241 : i32 to index
        %parallel_loop3A_436 = tpu.vector_load %arg8[%parallel_loop3A_433, %parallel_loop3A_434, %parallel_loop3A_435] {strides = array<i32>} : memref<3x16x1024xf32, #tpu.memory_space<vmem>>, vector<1x1x16xf32>,
        %parallel_loop3A_437 = vector.shape_cast %parallel_loop3A_436 : vector<1x1x16xf32> to vector<16xf32>
        %parallel_loop3A_438 = arith.constant 3.200000e+01 : f32
        %parallel_loop3A_439 = vector.broadcast %parallel_loop3A_438 : f32 to vector<16xf32>
        %parallel_loop3A_440 = arith.mulf %parallel_loop3A_437, %parallel_loop3A_439 : vector<16xf32>
        %parallel_loop3A_441 = arith.addf %parallel_loop3A_440, %parallel_loop3A_256 : vector<16xf32>
        %parallel_loop3A_442 = arith.constant 10 : i32
        %parallel_loop3A_443 = arith.index_cast %rem3A_135 : i32 to index
        %parallel_loop3A_444 = arith.index_cast %parallel_loop3A_442 : i32 to index
        %parallel_loop3A_445 = arith.index_cast %parallel_loop3A_241 : i32 to index
        %parallel_loop3A_446 = tpu.vector_load %arg9[%parallel_loop3A_443, %parallel_loop3A_444, %parallel_loop3A_445] {strides = array<i32>} : memref<2x16x1024xf32, #tpu.memory_space<vmem>>, vector<1x1x16xf32>,
        %parallel_loop3A_447 = vector.shape_cast %parallel_loop3A_446 : vector<1x1x16xf32> to vector<16xf32>
        %parallel_loop3A_448 = vector.shape_cast %parallel_loop3A_441 : vector<16xf32> to vector<1x1x16xf32>
        tpu.vector_store %arg9[%parallel_loop3A_443, %parallel_loop3A_444, %parallel_loop3A_445], %parallel_loop3A_448 {strides = array<i32>} : memref<2x16x1024xf32, #tpu.memory_space<vmem>>, vector<1x1x16xf32>,
        %parallel_loop3A_449 = arith.constant 11 : i32
        %parallel_loop3A_450 = arith.index_cast %rem3A_133 : i32 to index
        %parallel_loop3A_451 = arith.index_cast %parallel_loop3A_449 : i32 to index
        %parallel_loop3A_452 = arith.index_cast %parallel_loop3A_241 : i32 to index
        %parallel_loop3A_453 = tpu.vector_load %arg8[%parallel_loop3A_450, %parallel_loop3A_451, %parallel_loop3A_452] {strides = array<i32>} : memref<3x16x1024xf32, #tpu.memory_space<vmem>>, vector<1x1x16xf32>,
        %parallel_loop3A_454 = vector.shape_cast %parallel_loop3A_453 : vector<1x1x16xf32> to vector<16xf32>
        %parallel_loop3A_455 = arith.constant 3.200000e+01 : f32
        %parallel_loop3A_456 = vector.broadcast %parallel_loop3A_455 : f32 to vector<16xf32>
        %parallel_loop3A_457 = arith.mulf %parallel_loop3A_454, %parallel_loop3A_456 : vector<16xf32>
        %parallel_loop3A_458 = arith.addf %parallel_loop3A_457, %parallel_loop3A_261 : vector<16xf32>
        %parallel_loop3A_459 = arith.constant 11 : i32
        %parallel_loop3A_460 = arith.index_cast %rem3A_135 : i32 to index
        %parallel_loop3A_461 = arith.index_cast %parallel_loop3A_459 : i32 to index
        %parallel_loop3A_462 = arith.index_cast %parallel_loop3A_241 : i32 to index
        %parallel_loop3A_463 = tpu.vector_load %arg9[%parallel_loop3A_460, %parallel_loop3A_461, %parallel_loop3A_462] {strides = array<i32>} : memref<2x16x1024xf32, #tpu.memory_space<vmem>>, vector<1x1x16xf32>,
        %parallel_loop3A_464 = vector.shape_cast %parallel_loop3A_463 : vector<1x1x16xf32> to vector<16xf32>
        %parallel_loop3A_465 = vector.shape_cast %parallel_loop3A_458 : vector<16xf32> to vector<1x1x16xf32>
        tpu.vector_store %arg9[%parallel_loop3A_460, %parallel_loop3A_461, %parallel_loop3A_462], %parallel_loop3A_465 {strides = array<i32>} : memref<2x16x1024xf32, #tpu.memory_space<vmem>>, vector<1x1x16xf32>,
        %parallel_loop3A_466 = arith.constant 12 : i32
        %parallel_loop3A_467 = arith.index_cast %rem3A_133 : i32 to index
        %parallel_loop3A_468 = arith.index_cast %parallel_loop3A_466 : i32 to index
        %parallel_loop3A_469 = arith.index_cast %parallel_loop3A_241 : i32 to index
        %parallel_loop3A_470 = tpu.vector_load %arg8[%parallel_loop3A_467, %parallel_loop3A_468, %parallel_loop3A_469] {strides = array<i32>} : memref<3x16x1024xf32, #tpu.memory_space<vmem>>, vector<1x1x16xf32>,
        %parallel_loop3A_471 = vector.shape_cast %parallel_loop3A_470 : vector<1x1x16xf32> to vector<16xf32>
        %parallel_loop3A_472 = arith.constant 3.200000e+01 : f32
        %parallel_loop3A_473 = vector.broadcast %parallel_loop3A_472 : f32 to vector<16xf32>
        %parallel_loop3A_474 = arith.mulf %parallel_loop3A_471, %parallel_loop3A_473 : vector<16xf32>
        %parallel_loop3A_475 = arith.addf %parallel_loop3A_474, %parallel_loop3A_246 : vector<16xf32>
        %parallel_loop3A_476 = arith.constant 12 : i32
        %parallel_loop3A_477 = arith.index_cast %rem3A_135 : i32 to index
        %parallel_loop3A_478 = arith.index_cast %parallel_loop3A_476 : i32 to index
        %parallel_loop3A_479 = arith.index_cast %parallel_loop3A_241 : i32 to index
        %parallel_loop3A_480 = tpu.vector_load %arg9[%parallel_loop3A_477, %parallel_loop3A_478, %parallel_loop3A_479] {strides = array<i32>} : memref<2x16x1024xf32, #tpu.memory_space<vmem>>, vector<1x1x16xf32>,
        %parallel_loop3A_481 = vector.shape_cast %parallel_loop3A_480 : vector<1x1x16xf32> to vector<16xf32>
        %parallel_loop3A_482 = vector.shape_cast %parallel_loop3A_475 : vector<16xf32> to vector<1x1x16xf32>
        tpu.vector_store %arg9[%parallel_loop3A_477, %parallel_loop3A_478, %parallel_loop3A_479], %parallel_loop3A_482 {strides = array<i32>} : memref<2x16x1024xf32, #tpu.memory_space<vmem>>, vector<1x1x16xf32>,
        %parallel_loop3A_483 = arith.constant 13 : i32
        %parallel_loop3A_484 = arith.index_cast %rem3A_133 : i32 to index
        %parallel_loop3A_485 = arith.index_cast %parallel_loop3A_483 : i32 to index
        %parallel_loop3A_486 = arith.index_cast %parallel_loop3A_241 : i32 to index
        %parallel_loop3A_487 = tpu.vector_load %arg8[%parallel_loop3A_484, %parallel_loop3A_485, %parallel_loop3A_486] {strides = array<i32>} : memref<3x16x1024xf32, #tpu.memory_space<vmem>>, vector<1x1x16xf32>,
        %parallel_loop3A_488 = vector.shape_cast %parallel_loop3A_487 : vector<1x1x16xf32> to vector<16xf32>
        %parallel_loop3A_489 = arith.constant 3.200000e+01 : f32
        %parallel_loop3A_490 = vector.broadcast %parallel_loop3A_489 : f32 to vector<16xf32>
        %parallel_loop3A_491 = arith.mulf %parallel_loop3A_488, %parallel_loop3A_490 : vector<16xf32>
        %parallel_loop3A_492 = arith.addf %parallel_loop3A_491, %parallel_loop3A_251 : vector<16xf32>
        %parallel_loop3A_493 = arith.constant 13 : i32
        %parallel_loop3A_494 = arith.index_cast %rem3A_135 : i32 to index
        %parallel_loop3A_495 = arith.index_cast %parallel_loop3A_493 : i32 to index
        %parallel_loop3A_496 = arith.index_cast %parallel_loop3A_241 : i32 to index
        %parallel_loop3A_497 = tpu.vector_load %arg9[%parallel_loop3A_494, %parallel_loop3A_495, %parallel_loop3A_496] {strides = array<i32>} : memref<2x16x1024xf32, #tpu.memory_space<vmem>>, vector<1x1x16xf32>,
        %parallel_loop3A_498 = vector.shape_cast %parallel_loop3A_497 : vector<1x1x16xf32> to vector<16xf32>
        %parallel_loop3A_499 = vector.shape_cast %parallel_loop3A_492 : vector<16xf32> to vector<1x1x16xf32>
        tpu.vector_store %arg9[%parallel_loop3A_494, %parallel_loop3A_495, %parallel_loop3A_496], %parallel_loop3A_499 {strides = array<i32>} : memref<2x16x1024xf32, #tpu.memory_space<vmem>>, vector<1x1x16xf32>,
        %parallel_loop3A_500 = arith.constant 14 : i32
        %parallel_loop3A_501 = arith.index_cast %rem3A_133 : i32 to index
        %parallel_loop3A_502 = arith.index_cast %parallel_loop3A_500 : i32 to index
        %parallel_loop3A_503 = arith.index_cast %parallel_loop3A_241 : i32 to index
        %parallel_loop3A_504 = tpu.vector_load %arg8[%parallel_loop3A_501, %parallel_loop3A_502, %parallel_loop3A_503] {strides = array<i32>} : memref<3x16x1024xf32, #tpu.memory_space<vmem>>, vector<1x1x16xf32>,
        %parallel_loop3A_505 = vector.shape_cast %parallel_loop3A_504 : vector<1x1x16xf32> to vector<16xf32>
        %parallel_loop3A_506 = arith.constant 3.200000e+01 : f32
        %parallel_loop3A_507 = vector.broadcast %parallel_loop3A_506 : f32 to vector<16xf32>
        %parallel_loop3A_508 = arith.mulf %parallel_loop3A_505, %parallel_loop3A_507 : vector<16xf32>
        %parallel_loop3A_509 = arith.addf %parallel_loop3A_508, %parallel_loop3A_256 : vector<16xf32>
        %parallel_loop3A_510 = arith.constant 14 : i32
        %parallel_loop3A_511 = arith.index_cast %rem3A_135 : i32 to index
        %parallel_loop3A_512 = arith.index_cast %parallel_loop3A_510 : i32 to index
        %parallel_loop3A_513 = arith.index_cast %parallel_loop3A_241 : i32 to index
        %parallel_loop3A_514 = tpu.vector_load %arg9[%parallel_loop3A_511, %parallel_loop3A_512, %parallel_loop3A_513] {strides = array<i32>} : memref<2x16x1024xf32, #tpu.memory_space<vmem>>, vector<1x1x16xf32>,
        %parallel_loop3A_515 = vector.shape_cast %parallel_loop3A_514 : vector<1x1x16xf32> to vector<16xf32>
        %parallel_loop3A_516 = vector.shape_cast %parallel_loop3A_509 : vector<16xf32> to vector<1x1x16xf32>
        tpu.vector_store %arg9[%parallel_loop3A_511, %parallel_loop3A_512, %parallel_loop3A_513], %parallel_loop3A_516 {strides = array<i32>} : memref<2x16x1024xf32, #tpu.memory_space<vmem>>, vector<1x1x16xf32>,
        %parallel_loop3A_517 = arith.constant 15 : i32
        %parallel_loop3A_518 = arith.index_cast %rem3A_133 : i32 to index
        %parallel_loop3A_519 = arith.index_cast %parallel_loop3A_517 : i32 to index
        %parallel_loop3A_520 = arith.index_cast %parallel_loop3A_241 : i32 to index
        %parallel_loop3A_521 = tpu.vector_load %arg8[%parallel_loop3A_518, %parallel_loop3A_519, %parallel_loop3A_520] {strides = array<i32>} : memref<3x16x1024xf32, #tpu.memory_space<vmem>>, vector<1x1x16xf32>,
        %parallel_loop3A_522 = vector.shape_cast %parallel_loop3A_521 : vector<1x1x16xf32> to vector<16xf32>
        %parallel_loop3A_523 = arith.constant 3.200000e+01 : f32
        %parallel_loop3A_524 = vector.broadcast %parallel_loop3A_523 : f32 to vector<16xf32>
        %parallel_loop3A_525 = arith.mulf %parallel_loop3A_522, %parallel_loop3A_524 : vector<16xf32>
        %parallel_loop3A_526 = arith.addf %parallel_loop3A_525, %parallel_loop3A_261 : vector<16xf32>
        %parallel_loop3A_527 = arith.constant 15 : i32
        %parallel_loop3A_528 = arith.index_cast %rem3A_135 : i32 to index
        %parallel_loop3A_529 = arith.index_cast %parallel_loop3A_527 : i32 to index
        %parallel_loop3A_530 = arith.index_cast %parallel_loop3A_241 : i32 to index
        %parallel_loop3A_531 = tpu.vector_load %arg9[%parallel_loop3A_528, %parallel_loop3A_529, %parallel_loop3A_530] {strides = array<i32>} : memref<2x16x1024xf32, #tpu.memory_space<vmem>>, vector<1x1x16xf32>,
        %parallel_loop3A_532 = vector.shape_cast %parallel_loop3A_531 : vector<1x1x16xf32> to vector<16xf32>
        %parallel_loop3A_533 = vector.shape_cast %parallel_loop3A_526 : vector<16xf32> to vector<1x1x16xf32>
        tpu.vector_store %arg9[%parallel_loop3A_528, %parallel_loop3A_529, %parallel_loop3A_530], %parallel_loop3A_533 {strides = array<i32>} : memref<2x16x1024xf32, #tpu.memory_space<vmem>>, vector<1x1x16xf32>,
      } {sc.loop_unroll_factor = 2 : i64, sc.parallel_access}
      %parallel_loop3A_183 = arith.constant 0 : i32
      %parallel_loop3A_184 = arith.constant 32 : i32
      %parallel_loop3A_185 = arith.constant 1 : i32
      scf.for %parallel_loop3A_239 = %parallel_loop3A_183 to %parallel_loop3A_184 step %parallel_loop3A_185  : i32 {
        %parallel_loop3A_240 = arith.constant 16 : i32
        %parallel_loop3A_241 = arith.muli %parallel_loop3A_239, %parallel_loop3A_240 : i32
        %parallel_loop3A_242 = arith.constant 0 : i32
        %parallel_loop3A_243 = arith.addi %mul3A_180, %parallel_loop3A_242 : i32
        %parallel_loop3A_244 = arith.index_cast %parallel_loop3A_243 : i32 to index
        %parallel_loop3A_245 = arith.index_cast %parallel_loop3A_241 : i32 to index
        %parallel_loop3A_246 = tpu.vector_load %arg7[%parallel_loop3A_244, %parallel_loop3A_245] {strides = array<i32>} : memref<64x512xf32, #tpu.memory_space<vmem>>, vector<1x16xf32>,
        %parallel_loop3A_247 = vector.shape_cast %parallel_loop3A_246 : vector<1x16xf32> to vector<16xf32>
        %parallel_loop3A_248 = arith.constant 512 : i32
        %parallel_loop3A_249 = arith.addi %parallel_loop3A_248, %parallel_loop3A_241 : i32
        %parallel_loop3A_250 = arith.constant 0 : i32
        %parallel_loop3A_251 = arith.index_cast %rem3A_133 : i32 to index
        %parallel_loop3A_252 = arith.index_cast %parallel_loop3A_250 : i32 to index
        %parallel_loop3A_253 = arith.index_cast %parallel_loop3A_249 : i32 to index
        %parallel_loop3A_254 = tpu.vector_load %arg8[%parallel_loop3A_251, %parallel_loop3A_252, %parallel_loop3A_253] {strides = array<i32>} : memref<3x16x1024xf32, #tpu.memory_space<vmem>>, vector<1x1x16xf32>,
        %parallel_loop3A_255 = vector.shape_cast %parallel_loop3A_254 : vector<1x1x16xf32> to vector<16xf32>
        %parallel_loop3A_256 = arith.constant 3.200000e+01 : f32
        %parallel_loop3A_257 = vector.broadcast %parallel_loop3A_256 : f32 to vector<16xf32>
        %parallel_loop3A_258 = arith.mulf %parallel_loop3A_255, %parallel_loop3A_257 : vector<16xf32>
        %parallel_loop3A_259 = arith.addf %parallel_loop3A_258, %parallel_loop3A_247 : vector<16xf32>
        %parallel_loop3A_260 = arith.constant 512 : i32
        %parallel_loop3A_261 = arith.addi %parallel_loop3A_260, %parallel_loop3A_241 : i32
        %parallel_loop3A_262 = arith.constant 0 : i32
        %parallel_loop3A_263 = arith.index_cast %rem3A_135 : i32 to index
        %parallel_loop3A_264 = arith.index_cast %parallel_loop3A_262 : i32 to index
        %parallel_loop3A_265 = arith.index_cast %parallel_loop3A_261 : i32 to index
        %parallel_loop3A_266 = tpu.vector_load %arg9[%parallel_loop3A_263, %parallel_loop3A_264, %parallel_loop3A_265] {strides = array<i32>} : memref<2x16x1024xf32, #tpu.memory_space<vmem>>, vector<1x1x16xf32>,
        %parallel_loop3A_267 = vector.shape_cast %parallel_loop3A_266 : vector<1x1x16xf32> to vector<16xf32>
        %parallel_loop3A_268 = vector.shape_cast %parallel_loop3A_259 : vector<16xf32> to vector<1x1x16xf32>
        tpu.vector_store %arg9[%parallel_loop3A_263, %parallel_loop3A_264, %parallel_loop3A_265], %parallel_loop3A_268 {strides = array<i32>} : memref<2x16x1024xf32, #tpu.memory_space<vmem>>, vector<1x1x16xf32>,
        %parallel_loop3A_269 = arith.constant 512 : i32
        %parallel_loop3A_270 = arith.addi %parallel_loop3A_269, %parallel_loop3A_241 : i32
        %parallel_loop3A_271 = arith.constant 1 : i32
        %parallel_loop3A_272 = arith.index_cast %rem3A_133 : i32 to index
        %parallel_loop3A_273 = arith.index_cast %parallel_loop3A_271 : i32 to index
        %parallel_loop3A_274 = arith.index_cast %parallel_loop3A_270 : i32 to index
        %parallel_loop3A_275 = tpu.vector_load %arg8[%parallel_loop3A_272, %parallel_loop3A_273, %parallel_loop3A_274] {strides = array<i32>} : memref<3x16x1024xf32, #tpu.memory_space<vmem>>, vector<1x1x16xf32>,
        %parallel_loop3A_276 = vector.shape_cast %parallel_loop3A_275 : vector<1x1x16xf32> to vector<16xf32>
        %parallel_loop3A_277 = arith.constant 3.200000e+01 : f32
        %parallel_loop3A_278 = vector.broadcast %parallel_loop3A_277 : f32 to vector<16xf32>
        %parallel_loop3A_279 = arith.mulf %parallel_loop3A_276, %parallel_loop3A_278 : vector<16xf32>
        %parallel_loop3A_280 = arith.addf %parallel_loop3A_279, %parallel_loop3A_247 : vector<16xf32>
        %parallel_loop3A_281 = arith.constant 512 : i32
        %parallel_loop3A_282 = arith.addi %parallel_loop3A_281, %parallel_loop3A_241 : i32
        %parallel_loop3A_283 = arith.constant 1 : i32
        %parallel_loop3A_284 = arith.index_cast %rem3A_135 : i32 to index
        %parallel_loop3A_285 = arith.index_cast %parallel_loop3A_283 : i32 to index
        %parallel_loop3A_286 = arith.index_cast %parallel_loop3A_282 : i32 to index
        %parallel_loop3A_287 = tpu.vector_load %arg9[%parallel_loop3A_284, %parallel_loop3A_285, %parallel_loop3A_286] {strides = array<i32>} : memref<2x16x1024xf32, #tpu.memory_space<vmem>>, vector<1x1x16xf32>,
        %parallel_loop3A_288 = vector.shape_cast %parallel_loop3A_287 : vector<1x1x16xf32> to vector<16xf32>
        %parallel_loop3A_289 = vector.shape_cast %parallel_loop3A_280 : vector<16xf32> to vector<1x1x16xf32>
        tpu.vector_store %arg9[%parallel_loop3A_284, %parallel_loop3A_285, %parallel_loop3A_286], %parallel_loop3A_289 {strides = array<i32>} : memref<2x16x1024xf32, #tpu.memory_space<vmem>>, vector<1x1x16xf32>,
        %parallel_loop3A_290 = arith.constant 512 : i32
        %parallel_loop3A_291 = arith.addi %parallel_loop3A_290, %parallel_loop3A_241 : i32
        %parallel_loop3A_292 = arith.constant 2 : i32
        %parallel_loop3A_293 = arith.index_cast %rem3A_133 : i32 to index
        %parallel_loop3A_294 = arith.index_cast %parallel_loop3A_292 : i32 to index
        %parallel_loop3A_295 = arith.index_cast %parallel_loop3A_291 : i32 to index
        %parallel_loop3A_296 = tpu.vector_load %arg8[%parallel_loop3A_293, %parallel_loop3A_294, %parallel_loop3A_295] {strides = array<i32>} : memref<3x16x1024xf32, #tpu.memory_space<vmem>>, vector<1x1x16xf32>,
        %parallel_loop3A_297 = vector.shape_cast %parallel_loop3A_296 : vector<1x1x16xf32> to vector<16xf32>
        %parallel_loop3A_298 = arith.constant 3.200000e+01 : f32
        %parallel_loop3A_299 = vector.broadcast %parallel_loop3A_298 : f32 to vector<16xf32>
        %parallel_loop3A_300 = arith.mulf %parallel_loop3A_297, %parallel_loop3A_299 : vector<16xf32>
        %parallel_loop3A_301 = arith.addf %parallel_loop3A_300, %parallel_loop3A_247 : vector<16xf32>
        %parallel_loop3A_302 = arith.constant 512 : i32
        %parallel_loop3A_303 = arith.addi %parallel_loop3A_302, %parallel_loop3A_241 : i32
        %parallel_loop3A_304 = arith.constant 2 : i32
        %parallel_loop3A_305 = arith.index_cast %rem3A_135 : i32 to index
        %parallel_loop3A_306 = arith.index_cast %parallel_loop3A_304 : i32 to index
        %parallel_loop3A_307 = arith.index_cast %parallel_loop3A_303 : i32 to index
        %parallel_loop3A_308 = tpu.vector_load %arg9[%parallel_loop3A_305, %parallel_loop3A_306, %parallel_loop3A_307] {strides = array<i32>} : memref<2x16x1024xf32, #tpu.memory_space<vmem>>, vector<1x1x16xf32>,
        %parallel_loop3A_309 = vector.shape_cast %parallel_loop3A_308 : vector<1x1x16xf32> to vector<16xf32>
        %parallel_loop3A_310 = vector.shape_cast %parallel_loop3A_301 : vector<16xf32> to vector<1x1x16xf32>
        tpu.vector_store %arg9[%parallel_loop3A_305, %parallel_loop3A_306, %parallel_loop3A_307], %parallel_loop3A_310 {strides = array<i32>} : memref<2x16x1024xf32, #tpu.memory_space<vmem>>, vector<1x1x16xf32>,
        %parallel_loop3A_311 = arith.constant 512 : i32
        %parallel_loop3A_312 = arith.addi %parallel_loop3A_311, %parallel_loop3A_241 : i32
        %parallel_loop3A_313 = arith.constant 3 : i32
        %parallel_loop3A_314 = arith.index_cast %rem3A_133 : i32 to index
        %parallel_loop3A_315 = arith.index_cast %parallel_loop3A_313 : i32 to index
        %parallel_loop3A_316 = arith.index_cast %parallel_loop3A_312 : i32 to index
        %parallel_loop3A_317 = tpu.vector_load %arg8[%parallel_loop3A_314, %parallel_loop3A_315, %parallel_loop3A_316] {strides = array<i32>} : memref<3x16x1024xf32, #tpu.memory_space<vmem>>, vector<1x1x16xf32>,
        %parallel_loop3A_318 = vector.shape_cast %parallel_loop3A_317 : vector<1x1x16xf32> to vector<16xf32>
        %parallel_loop3A_319 = arith.constant 3.200000e+01 : f32
        %parallel_loop3A_320 = vector.broadcast %parallel_loop3A_319 : f32 to vector<16xf32>
        %parallel_loop3A_321 = arith.mulf %parallel_loop3A_318, %parallel_loop3A_320 : vector<16xf32>
        %parallel_loop3A_322 = arith.addf %parallel_loop3A_321, %parallel_loop3A_247 : vector<16xf32>
        %parallel_loop3A_323 = arith.constant 512 : i32
        %parallel_loop3A_324 = arith.addi %parallel_loop3A_323, %parallel_loop3A_241 : i32
        %parallel_loop3A_325 = arith.constant 3 : i32
        %parallel_loop3A_326 = arith.index_cast %rem3A_135 : i32 to index
        %parallel_loop3A_327 = arith.index_cast %parallel_loop3A_325 : i32 to index
        %parallel_loop3A_328 = arith.index_cast %parallel_loop3A_324 : i32 to index
        %parallel_loop3A_329 = tpu.vector_load %arg9[%parallel_loop3A_326, %parallel_loop3A_327, %parallel_loop3A_328] {strides = array<i32>} : memref<2x16x1024xf32, #tpu.memory_space<vmem>>, vector<1x1x16xf32>,
        %parallel_loop3A_330 = vector.shape_cast %parallel_loop3A_329 : vector<1x1x16xf32> to vector<16xf32>
        %parallel_loop3A_331 = vector.shape_cast %parallel_loop3A_322 : vector<16xf32> to vector<1x1x16xf32>
        tpu.vector_store %arg9[%parallel_loop3A_326, %parallel_loop3A_327, %parallel_loop3A_328], %parallel_loop3A_331 {strides = array<i32>} : memref<2x16x1024xf32, #tpu.memory_space<vmem>>, vector<1x1x16xf32>,
        %parallel_loop3A_332 = arith.constant 1 : i32
        %parallel_loop3A_333 = arith.addi %mul3A_180, %parallel_loop3A_332 : i32
        %parallel_loop3A_334 = arith.index_cast %parallel_loop3A_333 : i32 to index
        %parallel_loop3A_335 = arith.index_cast %parallel_loop3A_241 : i32 to index
        %parallel_loop3A_336 = tpu.vector_load %arg7[%parallel_loop3A_334, %parallel_loop3A_335] {strides = array<i32>} : memref<64x512xf32, #tpu.memory_space<vmem>>, vector<1x16xf32>,
        %parallel_loop3A_337 = vector.shape_cast %parallel_loop3A_336 : vector<1x16xf32> to vector<16xf32>
        %parallel_loop3A_338 = arith.constant 512 : i32
        %parallel_loop3A_339 = arith.addi %parallel_loop3A_338, %parallel_loop3A_241 : i32
        %parallel_loop3A_340 = arith.constant 4 : i32
        %parallel_loop3A_341 = arith.index_cast %rem3A_133 : i32 to index
        %parallel_loop3A_342 = arith.index_cast %parallel_loop3A_340 : i32 to index
        %parallel_loop3A_343 = arith.index_cast %parallel_loop3A_339 : i32 to index
        %parallel_loop3A_344 = tpu.vector_load %arg8[%parallel_loop3A_341, %parallel_loop3A_342, %parallel_loop3A_343] {strides = array<i32>} : memref<3x16x1024xf32, #tpu.memory_space<vmem>>, vector<1x1x16xf32>,
        %parallel_loop3A_345 = vector.shape_cast %parallel_loop3A_344 : vector<1x1x16xf32> to vector<16xf32>
        %parallel_loop3A_346 = arith.constant 3.200000e+01 : f32
        %parallel_loop3A_347 = vector.broadcast %parallel_loop3A_346 : f32 to vector<16xf32>
        %parallel_loop3A_348 = arith.mulf %parallel_loop3A_345, %parallel_loop3A_347 : vector<16xf32>
        %parallel_loop3A_349 = arith.addf %parallel_loop3A_348, %parallel_loop3A_337 : vector<16xf32>
        %parallel_loop3A_350 = arith.constant 512 : i32
        %parallel_loop3A_351 = arith.addi %parallel_loop3A_350, %parallel_loop3A_241 : i32
        %parallel_loop3A_352 = arith.constant 4 : i32
        %parallel_loop3A_353 = arith.index_cast %rem3A_135 : i32 to index
        %parallel_loop3A_354 = arith.index_cast %parallel_loop3A_352 : i32 to index
        %parallel_loop3A_355 = arith.index_cast %parallel_loop3A_351 : i32 to index
        %parallel_loop3A_356 = tpu.vector_load %arg9[%parallel_loop3A_353, %parallel_loop3A_354, %parallel_loop3A_355] {strides = array<i32>} : memref<2x16x1024xf32, #tpu.memory_space<vmem>>, vector<1x1x16xf32>,
        %parallel_loop3A_357 = vector.shape_cast %parallel_loop3A_356 : vector<1x1x16xf32> to vector<16xf32>
        %parallel_loop3A_358 = vector.shape_cast %parallel_loop3A_349 : vector<16xf32> to vector<1x1x16xf32>
        tpu.vector_store %arg9[%parallel_loop3A_353, %parallel_loop3A_354, %parallel_loop3A_355], %parallel_loop3A_358 {strides = array<i32>} : memref<2x16x1024xf32, #tpu.memory_space<vmem>>, vector<1x1x16xf32>,
        %parallel_loop3A_359 = arith.constant 512 : i32
        %parallel_loop3A_360 = arith.addi %parallel_loop3A_359, %parallel_loop3A_241 : i32
        %parallel_loop3A_361 = arith.constant 5 : i32
        %parallel_loop3A_362 = arith.index_cast %rem3A_133 : i32 to index
        %parallel_loop3A_363 = arith.index_cast %parallel_loop3A_361 : i32 to index
        %parallel_loop3A_364 = arith.index_cast %parallel_loop3A_360 : i32 to index
        %parallel_loop3A_365 = tpu.vector_load %arg8[%parallel_loop3A_362, %parallel_loop3A_363, %parallel_loop3A_364] {strides = array<i32>} : memref<3x16x1024xf32, #tpu.memory_space<vmem>>, vector<1x1x16xf32>,
        %parallel_loop3A_366 = vector.shape_cast %parallel_loop3A_365 : vector<1x1x16xf32> to vector<16xf32>
        %parallel_loop3A_367 = arith.constant 3.200000e+01 : f32
        %parallel_loop3A_368 = vector.broadcast %parallel_loop3A_367 : f32 to vector<16xf32>
        %parallel_loop3A_369 = arith.mulf %parallel_loop3A_366, %parallel_loop3A_368 : vector<16xf32>
        %parallel_loop3A_370 = arith.addf %parallel_loop3A_369, %parallel_loop3A_337 : vector<16xf32>
        %parallel_loop3A_371 = arith.constant 512 : i32
        %parallel_loop3A_372 = arith.addi %parallel_loop3A_371, %parallel_loop3A_241 : i32
        %parallel_loop3A_373 = arith.constant 5 : i32
        %parallel_loop3A_374 = arith.index_cast %rem3A_135 : i32 to index
        %parallel_loop3A_375 = arith.index_cast %parallel_loop3A_373 : i32 to index
        %parallel_loop3A_376 = arith.index_cast %parallel_loop3A_372 : i32 to index
        %parallel_loop3A_377 = tpu.vector_load %arg9[%parallel_loop3A_374, %parallel_loop3A_375, %parallel_loop3A_376] {strides = array<i32>} : memref<2x16x1024xf32, #tpu.memory_space<vmem>>, vector<1x1x16xf32>,
        %parallel_loop3A_378 = vector.shape_cast %parallel_loop3A_377 : vector<1x1x16xf32> to vector<16xf32>
        %parallel_loop3A_379 = vector.shape_cast %parallel_loop3A_370 : vector<16xf32> to vector<1x1x16xf32>
        tpu.vector_store %arg9[%parallel_loop3A_374, %parallel_loop3A_375, %parallel_loop3A_376], %parallel_loop3A_379 {strides = array<i32>} : memref<2x16x1024xf32, #tpu.memory_space<vmem>>, vector<1x1x16xf32>,
        %parallel_loop3A_380 = arith.constant 512 : i32
        %parallel_loop3A_381 = arith.addi %parallel_loop3A_380, %parallel_loop3A_241 : i32
        %parallel_loop3A_382 = arith.constant 6 : i32
        %parallel_loop3A_383 = arith.index_cast %rem3A_133 : i32 to index
        %parallel_loop3A_384 = arith.index_cast %parallel_loop3A_382 : i32 to index
        %parallel_loop3A_385 = arith.index_cast %parallel_loop3A_381 : i32 to index
        %parallel_loop3A_386 = tpu.vector_load %arg8[%parallel_loop3A_383, %parallel_loop3A_384, %parallel_loop3A_385] {strides = array<i32>} : memref<3x16x1024xf32, #tpu.memory_space<vmem>>, vector<1x1x16xf32>,
        %parallel_loop3A_387 = vector.shape_cast %parallel_loop3A_386 : vector<1x1x16xf32> to vector<16xf32>
        %parallel_loop3A_388 = arith.constant 3.200000e+01 : f32
        %parallel_loop3A_389 = vector.broadcast %parallel_loop3A_388 : f32 to vector<16xf32>
        %parallel_loop3A_390 = arith.mulf %parallel_loop3A_387, %parallel_loop3A_389 : vector<16xf32>
        %parallel_loop3A_391 = arith.addf %parallel_loop3A_390, %parallel_loop3A_337 : vector<16xf32>
        %parallel_loop3A_392 = arith.constant 512 : i32
        %parallel_loop3A_393 = arith.addi %parallel_loop3A_392, %parallel_loop3A_241 : i32
        %parallel_loop3A_394 = arith.constant 6 : i32
        %parallel_loop3A_395 = arith.index_cast %rem3A_135 : i32 to index
        %parallel_loop3A_396 = arith.index_cast %parallel_loop3A_394 : i32 to index
        %parallel_loop3A_397 = arith.index_cast %parallel_loop3A_393 : i32 to index
        %parallel_loop3A_398 = tpu.vector_load %arg9[%parallel_loop3A_395, %parallel_loop3A_396, %parallel_loop3A_397] {strides = array<i32>} : memref<2x16x1024xf32, #tpu.memory_space<vmem>>, vector<1x1x16xf32>,
        %parallel_loop3A_399 = vector.shape_cast %parallel_loop3A_398 : vector<1x1x16xf32> to vector<16xf32>
        %parallel_loop3A_400 = vector.shape_cast %parallel_loop3A_391 : vector<16xf32> to vector<1x1x16xf32>
        tpu.vector_store %arg9[%parallel_loop3A_395, %parallel_loop3A_396, %parallel_loop3A_397], %parallel_loop3A_400 {strides = array<i32>} : memref<2x16x1024xf32, #tpu.memory_space<vmem>>, vector<1x1x16xf32>,
        %parallel_loop3A_401 = arith.constant 512 : i32
        %parallel_loop3A_402 = arith.addi %parallel_loop3A_401, %parallel_loop3A_241 : i32
        %parallel_loop3A_403 = arith.constant 7 : i32
        %parallel_loop3A_404 = arith.index_cast %rem3A_133 : i32 to index
        %parallel_loop3A_405 = arith.index_cast %parallel_loop3A_403 : i32 to index
        %parallel_loop3A_406 = arith.index_cast %parallel_loop3A_402 : i32 to index
        %parallel_loop3A_407 = tpu.vector_load %arg8[%parallel_loop3A_404, %parallel_loop3A_405, %parallel_loop3A_406] {strides = array<i32>} : memref<3x16x1024xf32, #tpu.memory_space<vmem>>, vector<1x1x16xf32>,
        %parallel_loop3A_408 = vector.shape_cast %parallel_loop3A_407 : vector<1x1x16xf32> to vector<16xf32>
        %parallel_loop3A_409 = arith.constant 3.200000e+01 : f32
        %parallel_loop3A_410 = vector.broadcast %parallel_loop3A_409 : f32 to vector<16xf32>
        %parallel_loop3A_411 = arith.mulf %parallel_loop3A_408, %parallel_loop3A_410 : vector<16xf32>
        %parallel_loop3A_412 = arith.addf %parallel_loop3A_411, %parallel_loop3A_337 : vector<16xf32>
        %parallel_loop3A_413 = arith.constant 512 : i32
        %parallel_loop3A_414 = arith.addi %parallel_loop3A_413, %parallel_loop3A_241 : i32
        %parallel_loop3A_415 = arith.constant 7 : i32
        %parallel_loop3A_416 = arith.index_cast %rem3A_135 : i32 to index
        %parallel_loop3A_417 = arith.index_cast %parallel_loop3A_415 : i32 to index
        %parallel_loop3A_418 = arith.index_cast %parallel_loop3A_414 : i32 to index
        %parallel_loop3A_419 = tpu.vector_load %arg9[%parallel_loop3A_416, %parallel_loop3A_417, %parallel_loop3A_418] {strides = array<i32>} : memref<2x16x1024xf32, #tpu.memory_space<vmem>>, vector<1x1x16xf32>,
        %parallel_loop3A_420 = vector.shape_cast %parallel_loop3A_419 : vector<1x1x16xf32> to vector<16xf32>
        %parallel_loop3A_421 = vector.shape_cast %parallel_loop3A_412 : vector<16xf32> to vector<1x1x16xf32>
        tpu.vector_store %arg9[%parallel_loop3A_416, %parallel_loop3A_417, %parallel_loop3A_418], %parallel_loop3A_421 {strides = array<i32>} : memref<2x16x1024xf32, #tpu.memory_space<vmem>>, vector<1x1x16xf32>,
        %parallel_loop3A_422 = arith.constant 2 : i32
        %parallel_loop3A_423 = arith.addi %mul3A_180, %parallel_loop3A_422 : i32
        %parallel_loop3A_424 = arith.index_cast %parallel_loop3A_423 : i32 to index
        %parallel_loop3A_425 = arith.index_cast %parallel_loop3A_241 : i32 to index
        %parallel_loop3A_426 = tpu.vector_load %arg7[%parallel_loop3A_424, %parallel_loop3A_425] {strides = array<i32>} : memref<64x512xf32, #tpu.memory_space<vmem>>, vector<1x16xf32>,
        %parallel_loop3A_427 = vector.shape_cast %parallel_loop3A_426 : vector<1x16xf32> to vector<16xf32>
        %parallel_loop3A_428 = arith.constant 512 : i32
        %parallel_loop3A_429 = arith.addi %parallel_loop3A_428, %parallel_loop3A_241 : i32
        %parallel_loop3A_430 = arith.constant 8 : i32
        %parallel_loop3A_431 = arith.index_cast %rem3A_133 : i32 to index
        %parallel_loop3A_432 = arith.index_cast %parallel_loop3A_430 : i32 to index
        %parallel_loop3A_433 = arith.index_cast %parallel_loop3A_429 : i32 to index
        %parallel_loop3A_434 = tpu.vector_load %arg8[%parallel_loop3A_431, %parallel_loop3A_432, %parallel_loop3A_433] {strides = array<i32>} : memref<3x16x1024xf32, #tpu.memory_space<vmem>>, vector<1x1x16xf32>,
        %parallel_loop3A_435 = vector.shape_cast %parallel_loop3A_434 : vector<1x1x16xf32> to vector<16xf32>
        %parallel_loop3A_436 = arith.constant 3.200000e+01 : f32
        %parallel_loop3A_437 = vector.broadcast %parallel_loop3A_436 : f32 to vector<16xf32>
        %parallel_loop3A_438 = arith.mulf %parallel_loop3A_435, %parallel_loop3A_437 : vector<16xf32>
        %parallel_loop3A_439 = arith.addf %parallel_loop3A_438, %parallel_loop3A_427 : vector<16xf32>
        %parallel_loop3A_440 = arith.constant 512 : i32
        %parallel_loop3A_441 = arith.addi %parallel_loop3A_440, %parallel_loop3A_241 : i32
        %parallel_loop3A_442 = arith.constant 8 : i32
        %parallel_loop3A_443 = arith.index_cast %rem3A_135 : i32 to index
        %parallel_loop3A_444 = arith.index_cast %parallel_loop3A_442 : i32 to index
        %parallel_loop3A_445 = arith.index_cast %parallel_loop3A_441 : i32 to index
        %parallel_loop3A_446 = tpu.vector_load %arg9[%parallel_loop3A_443, %parallel_loop3A_444, %parallel_loop3A_445] {strides = array<i32>} : memref<2x16x1024xf32, #tpu.memory_space<vmem>>, vector<1x1x16xf32>,
        %parallel_loop3A_447 = vector.shape_cast %parallel_loop3A_446 : vector<1x1x16xf32> to vector<16xf32>
        %parallel_loop3A_448 = vector.shape_cast %parallel_loop3A_439 : vector<16xf32> to vector<1x1x16xf32>
        tpu.vector_store %arg9[%parallel_loop3A_443, %parallel_loop3A_444, %parallel_loop3A_445], %parallel_loop3A_448 {strides = array<i32>} : memref<2x16x1024xf32, #tpu.memory_space<vmem>>, vector<1x1x16xf32>,
        %parallel_loop3A_449 = arith.constant 512 : i32
        %parallel_loop3A_450 = arith.addi %parallel_loop3A_449, %parallel_loop3A_241 : i32
        %parallel_loop3A_451 = arith.constant 9 : i32
        %parallel_loop3A_452 = arith.index_cast %rem3A_133 : i32 to index
        %parallel_loop3A_453 = arith.index_cast %parallel_loop3A_451 : i32 to index
        %parallel_loop3A_454 = arith.index_cast %parallel_loop3A_450 : i32 to index
        %parallel_loop3A_455 = tpu.vector_load %arg8[%parallel_loop3A_452, %parallel_loop3A_453, %parallel_loop3A_454] {strides = array<i32>} : memref<3x16x1024xf32, #tpu.memory_space<vmem>>, vector<1x1x16xf32>,
        %parallel_loop3A_456 = vector.shape_cast %parallel_loop3A_455 : vector<1x1x16xf32> to vector<16xf32>
        %parallel_loop3A_457 = arith.constant 3.200000e+01 : f32
        %parallel_loop3A_458 = vector.broadcast %parallel_loop3A_457 : f32 to vector<16xf32>
        %parallel_loop3A_459 = arith.mulf %parallel_loop3A_456, %parallel_loop3A_458 : vector<16xf32>
        %parallel_loop3A_460 = arith.addf %parallel_loop3A_459, %parallel_loop3A_427 : vector<16xf32>
        %parallel_loop3A_461 = arith.constant 512 : i32
        %parallel_loop3A_462 = arith.addi %parallel_loop3A_461, %parallel_loop3A_241 : i32
        %parallel_loop3A_463 = arith.constant 9 : i32
        %parallel_loop3A_464 = arith.index_cast %rem3A_135 : i32 to index
        %parallel_loop3A_465 = arith.index_cast %parallel_loop3A_463 : i32 to index
        %parallel_loop3A_466 = arith.index_cast %parallel_loop3A_462 : i32 to index
        %parallel_loop3A_467 = tpu.vector_load %arg9[%parallel_loop3A_464, %parallel_loop3A_465, %parallel_loop3A_466] {strides = array<i32>} : memref<2x16x1024xf32, #tpu.memory_space<vmem>>, vector<1x1x16xf32>,
        %parallel_loop3A_468 = vector.shape_cast %parallel_loop3A_467 : vector<1x1x16xf32> to vector<16xf32>
        %parallel_loop3A_469 = vector.shape_cast %parallel_loop3A_460 : vector<16xf32> to vector<1x1x16xf32>
        tpu.vector_store %arg9[%parallel_loop3A_464, %parallel_loop3A_465, %parallel_loop3A_466], %parallel_loop3A_469 {strides = array<i32>} : memref<2x16x1024xf32, #tpu.memory_space<vmem>>, vector<1x1x16xf32>,
        %parallel_loop3A_470 = arith.constant 512 : i32
        %parallel_loop3A_471 = arith.addi %parallel_loop3A_470, %parallel_loop3A_241 : i32
        %parallel_loop3A_472 = arith.constant 10 : i32
        %parallel_loop3A_473 = arith.index_cast %rem3A_133 : i32 to index
        %parallel_loop3A_474 = arith.index_cast %parallel_loop3A_472 : i32 to index
        %parallel_loop3A_475 = arith.index_cast %parallel_loop3A_471 : i32 to index
        %parallel_loop3A_476 = tpu.vector_load %arg8[%parallel_loop3A_473, %parallel_loop3A_474, %parallel_loop3A_475] {strides = array<i32>} : memref<3x16x1024xf32, #tpu.memory_space<vmem>>, vector<1x1x16xf32>,
        %parallel_loop3A_477 = vector.shape_cast %parallel_loop3A_476 : vector<1x1x16xf32> to vector<16xf32>
        %parallel_loop3A_478 = arith.constant 3.200000e+01 : f32
        %parallel_loop3A_479 = vector.broadcast %parallel_loop3A_478 : f32 to vector<16xf32>
        %parallel_loop3A_480 = arith.mulf %parallel_loop3A_477, %parallel_loop3A_479 : vector<16xf32>
        %parallel_loop3A_481 = arith.addf %parallel_loop3A_480, %parallel_loop3A_427 : vector<16xf32>
        %parallel_loop3A_482 = arith.constant 512 : i32
        %parallel_loop3A_483 = arith.addi %parallel_loop3A_482, %parallel_loop3A_241 : i32
        %parallel_loop3A_484 = arith.constant 10 : i32
        %parallel_loop3A_485 = arith.index_cast %rem3A_135 : i32 to index
        %parallel_loop3A_486 = arith.index_cast %parallel_loop3A_484 : i32 to index
        %parallel_loop3A_487 = arith.index_cast %parallel_loop3A_483 : i32 to index
        %parallel_loop3A_488 = tpu.vector_load %arg9[%parallel_loop3A_485, %parallel_loop3A_486, %parallel_loop3A_487] {strides = array<i32>} : memref<2x16x1024xf32, #tpu.memory_space<vmem>>, vector<1x1x16xf32>,
        %parallel_loop3A_489 = vector.shape_cast %parallel_loop3A_488 : vector<1x1x16xf32> to vector<16xf32>
        %parallel_loop3A_490 = vector.shape_cast %parallel_loop3A_481 : vector<16xf32> to vector<1x1x16xf32>
        tpu.vector_store %arg9[%parallel_loop3A_485, %parallel_loop3A_486, %parallel_loop3A_487], %parallel_loop3A_490 {strides = array<i32>} : memref<2x16x1024xf32, #tpu.memory_space<vmem>>, vector<1x1x16xf32>,
        %parallel_loop3A_491 = arith.constant 512 : i32
        %parallel_loop3A_492 = arith.addi %parallel_loop3A_491, %parallel_loop3A_241 : i32
        %parallel_loop3A_493 = arith.constant 11 : i32
        %parallel_loop3A_494 = arith.index_cast %rem3A_133 : i32 to index
        %parallel_loop3A_495 = arith.index_cast %parallel_loop3A_493 : i32 to index
        %parallel_loop3A_496 = arith.index_cast %parallel_loop3A_492 : i32 to index
        %parallel_loop3A_497 = tpu.vector_load %arg8[%parallel_loop3A_494, %parallel_loop3A_495, %parallel_loop3A_496] {strides = array<i32>} : memref<3x16x1024xf32, #tpu.memory_space<vmem>>, vector<1x1x16xf32>,
        %parallel_loop3A_498 = vector.shape_cast %parallel_loop3A_497 : vector<1x1x16xf32> to vector<16xf32>
        %parallel_loop3A_499 = arith.constant 3.200000e+01 : f32
        %parallel_loop3A_500 = vector.broadcast %parallel_loop3A_499 : f32 to vector<16xf32>
        %parallel_loop3A_501 = arith.mulf %parallel_loop3A_498, %parallel_loop3A_500 : vector<16xf32>
        %parallel_loop3A_502 = arith.addf %parallel_loop3A_501, %parallel_loop3A_427 : vector<16xf32>
        %parallel_loop3A_503 = arith.constant 512 : i32
        %parallel_loop3A_504 = arith.addi %parallel_loop3A_503, %parallel_loop3A_241 : i32
        %parallel_loop3A_505 = arith.constant 11 : i32
        %parallel_loop3A_506 = arith.index_cast %rem3A_135 : i32 to index
        %parallel_loop3A_507 = arith.index_cast %parallel_loop3A_505 : i32 to index
        %parallel_loop3A_508 = arith.index_cast %parallel_loop3A_504 : i32 to index
        %parallel_loop3A_509 = tpu.vector_load %arg9[%parallel_loop3A_506, %parallel_loop3A_507, %parallel_loop3A_508] {strides = array<i32>} : memref<2x16x1024xf32, #tpu.memory_space<vmem>>, vector<1x1x16xf32>,
        %parallel_loop3A_510 = vector.shape_cast %parallel_loop3A_509 : vector<1x1x16xf32> to vector<16xf32>
        %parallel_loop3A_511 = vector.shape_cast %parallel_loop3A_502 : vector<16xf32> to vector<1x1x16xf32>
        tpu.vector_store %arg9[%parallel_loop3A_506, %parallel_loop3A_507, %parallel_loop3A_508], %parallel_loop3A_511 {strides = array<i32>} : memref<2x16x1024xf32, #tpu.memory_space<vmem>>, vector<1x1x16xf32>,
        %parallel_loop3A_512 = arith.constant 3 : i32
        %parallel_loop3A_513 = arith.addi %mul3A_180, %parallel_loop3A_512 : i32
        %parallel_loop3A_514 = arith.index_cast %parallel_loop3A_513 : i32 to index
        %parallel_loop3A_515 = arith.index_cast %parallel_loop3A_241 : i32 to index
        %parallel_loop3A_516 = tpu.vector_load %arg7[%parallel_loop3A_514, %parallel_loop3A_515] {strides = array<i32>} : memref<64x512xf32, #tpu.memory_space<vmem>>, vector<1x16xf32>,
        %parallel_loop3A_517 = vector.shape_cast %parallel_loop3A_516 : vector<1x16xf32> to vector<16xf32>
        %parallel_loop3A_518 = arith.constant 512 : i32
        %parallel_loop3A_519 = arith.addi %parallel_loop3A_518, %parallel_loop3A_241 : i32
        %parallel_loop3A_520 = arith.constant 12 : i32
        %parallel_loop3A_521 = arith.index_cast %rem3A_133 : i32 to index
        %parallel_loop3A_522 = arith.index_cast %parallel_loop3A_520 : i32 to index
        %parallel_loop3A_523 = arith.index_cast %parallel_loop3A_519 : i32 to index
        %parallel_loop3A_524 = tpu.vector_load %arg8[%parallel_loop3A_521, %parallel_loop3A_522, %parallel_loop3A_523] {strides = array<i32>} : memref<3x16x1024xf32, #tpu.memory_space<vmem>>, vector<1x1x16xf32>,
        %parallel_loop3A_525 = vector.shape_cast %parallel_loop3A_524 : vector<1x1x16xf32> to vector<16xf32>
        %parallel_loop3A_526 = arith.constant 3.200000e+01 : f32
        %parallel_loop3A_527 = vector.broadcast %parallel_loop3A_526 : f32 to vector<16xf32>
        %parallel_loop3A_528 = arith.mulf %parallel_loop3A_525, %parallel_loop3A_527 : vector<16xf32>
        %parallel_loop3A_529 = arith.addf %parallel_loop3A_528, %parallel_loop3A_517 : vector<16xf32>
        %parallel_loop3A_530 = arith.constant 512 : i32
        %parallel_loop3A_531 = arith.addi %parallel_loop3A_530, %parallel_loop3A_241 : i32
        %parallel_loop3A_532 = arith.constant 12 : i32
        %parallel_loop3A_533 = arith.index_cast %rem3A_135 : i32 to index
        %parallel_loop3A_534 = arith.index_cast %parallel_loop3A_532 : i32 to index
        %parallel_loop3A_535 = arith.index_cast %parallel_loop3A_531 : i32 to index
        %parallel_loop3A_536 = tpu.vector_load %arg9[%parallel_loop3A_533, %parallel_loop3A_534, %parallel_loop3A_535] {strides = array<i32>} : memref<2x16x1024xf32, #tpu.memory_space<vmem>>, vector<1x1x16xf32>,
        %parallel_loop3A_537 = vector.shape_cast %parallel_loop3A_536 : vector<1x1x16xf32> to vector<16xf32>
        %parallel_loop3A_538 = vector.shape_cast %parallel_loop3A_529 : vector<16xf32> to vector<1x1x16xf32>
        tpu.vector_store %arg9[%parallel_loop3A_533, %parallel_loop3A_534, %parallel_loop3A_535], %parallel_loop3A_538 {strides = array<i32>} : memref<2x16x1024xf32, #tpu.memory_space<vmem>>, vector<1x1x16xf32>,
        %parallel_loop3A_539 = arith.constant 512 : i32
        %parallel_loop3A_540 = arith.addi %parallel_loop3A_539, %parallel_loop3A_241 : i32
        %parallel_loop3A_541 = arith.constant 13 : i32
        %parallel_loop3A_542 = arith.index_cast %rem3A_133 : i32 to index
        %parallel_loop3A_543 = arith.index_cast %parallel_loop3A_541 : i32 to index
        %parallel_loop3A_544 = arith.index_cast %parallel_loop3A_540 : i32 to index
        %parallel_loop3A_545 = tpu.vector_load %arg8[%parallel_loop3A_542, %parallel_loop3A_543, %parallel_loop3A_544] {strides = array<i32>} : memref<3x16x1024xf32, #tpu.memory_space<vmem>>, vector<1x1x16xf32>,
        %parallel_loop3A_546 = vector.shape_cast %parallel_loop3A_545 : vector<1x1x16xf32> to vector<16xf32>
        %parallel_loop3A_547 = arith.constant 3.200000e+01 : f32
        %parallel_loop3A_548 = vector.broadcast %parallel_loop3A_547 : f32 to vector<16xf32>
        %parallel_loop3A_549 = arith.mulf %parallel_loop3A_546, %parallel_loop3A_548 : vector<16xf32>
        %parallel_loop3A_550 = arith.addf %parallel_loop3A_549, %parallel_loop3A_517 : vector<16xf32>
        %parallel_loop3A_551 = arith.constant 512 : i32
        %parallel_loop3A_552 = arith.addi %parallel_loop3A_551, %parallel_loop3A_241 : i32
        %parallel_loop3A_553 = arith.constant 13 : i32
        %parallel_loop3A_554 = arith.index_cast %rem3A_135 : i32 to index
        %parallel_loop3A_555 = arith.index_cast %parallel_loop3A_553 : i32 to index
        %parallel_loop3A_556 = arith.index_cast %parallel_loop3A_552 : i32 to index
        %parallel_loop3A_557 = tpu.vector_load %arg9[%parallel_loop3A_554, %parallel_loop3A_555, %parallel_loop3A_556] {strides = array<i32>} : memref<2x16x1024xf32, #tpu.memory_space<vmem>>, vector<1x1x16xf32>,
        %parallel_loop3A_558 = vector.shape_cast %parallel_loop3A_557 : vector<1x1x16xf32> to vector<16xf32>
        %parallel_loop3A_559 = vector.shape_cast %parallel_loop3A_550 : vector<16xf32> to vector<1x1x16xf32>
        tpu.vector_store %arg9[%parallel_loop3A_554, %parallel_loop3A_555, %parallel_loop3A_556], %parallel_loop3A_559 {strides = array<i32>} : memref<2x16x1024xf32, #tpu.memory_space<vmem>>, vector<1x1x16xf32>,
        %parallel_loop3A_560 = arith.constant 512 : i32
        %parallel_loop3A_561 = arith.addi %parallel_loop3A_560, %parallel_loop3A_241 : i32
        %parallel_loop3A_562 = arith.constant 14 : i32
        %parallel_loop3A_563 = arith.index_cast %rem3A_133 : i32 to index
        %parallel_loop3A_564 = arith.index_cast %parallel_loop3A_562 : i32 to index
        %parallel_loop3A_565 = arith.index_cast %parallel_loop3A_561 : i32 to index
        %parallel_loop3A_566 = tpu.vector_load %arg8[%parallel_loop3A_563, %parallel_loop3A_564, %parallel_loop3A_565] {strides = array<i32>} : memref<3x16x1024xf32, #tpu.memory_space<vmem>>, vector<1x1x16xf32>,
        %parallel_loop3A_567 = vector.shape_cast %parallel_loop3A_566 : vector<1x1x16xf32> to vector<16xf32>
        %parallel_loop3A_568 = arith.constant 3.200000e+01 : f32
        %parallel_loop3A_569 = vector.broadcast %parallel_loop3A_568 : f32 to vector<16xf32>
        %parallel_loop3A_570 = arith.mulf %parallel_loop3A_567, %parallel_loop3A_569 : vector<16xf32>
        %parallel_loop3A_571 = arith.addf %parallel_loop3A_570, %parallel_loop3A_517 : vector<16xf32>
        %parallel_loop3A_572 = arith.constant 512 : i32
        %parallel_loop3A_573 = arith.addi %parallel_loop3A_572, %parallel_loop3A_241 : i32
        %parallel_loop3A_574 = arith.constant 14 : i32
        %parallel_loop3A_575 = arith.index_cast %rem3A_135 : i32 to index
        %parallel_loop3A_576 = arith.index_cast %parallel_loop3A_574 : i32 to index
        %parallel_loop3A_577 = arith.index_cast %parallel_loop3A_573 : i32 to index
        %parallel_loop3A_578 = tpu.vector_load %arg9[%parallel_loop3A_575, %parallel_loop3A_576, %parallel_loop3A_577] {strides = array<i32>} : memref<2x16x1024xf32, #tpu.memory_space<vmem>>, vector<1x1x16xf32>,
        %parallel_loop3A_579 = vector.shape_cast %parallel_loop3A_578 : vector<1x1x16xf32> to vector<16xf32>
        %parallel_loop3A_580 = vector.shape_cast %parallel_loop3A_571 : vector<16xf32> to vector<1x1x16xf32>
        tpu.vector_store %arg9[%parallel_loop3A_575, %parallel_loop3A_576, %parallel_loop3A_577], %parallel_loop3A_580 {strides = array<i32>} : memref<2x16x1024xf32, #tpu.memory_space<vmem>>, vector<1x1x16xf32>,
        %parallel_loop3A_581 = arith.constant 512 : i32
        %parallel_loop3A_582 = arith.addi %parallel_loop3A_581, %parallel_loop3A_241 : i32
        %parallel_loop3A_583 = arith.constant 15 : i32
        %parallel_loop3A_584 = arith.index_cast %rem3A_133 : i32 to index
        %parallel_loop3A_585 = arith.index_cast %parallel_loop3A_583 : i32 to index
        %parallel_loop3A_586 = arith.index_cast %parallel_loop3A_582 : i32 to index
        %parallel_loop3A_587 = tpu.vector_load %arg8[%parallel_loop3A_584, %parallel_loop3A_585, %parallel_loop3A_586] {strides = array<i32>} : memref<3x16x1024xf32, #tpu.memory_space<vmem>>, vector<1x1x16xf32>,
        %parallel_loop3A_588 = vector.shape_cast %parallel_loop3A_587 : vector<1x1x16xf32> to vector<16xf32>
        %parallel_loop3A_589 = arith.constant 3.200000e+01 : f32
        %parallel_loop3A_590 = vector.broadcast %parallel_loop3A_589 : f32 to vector<16xf32>
        %parallel_loop3A_591 = arith.mulf %parallel_loop3A_588, %parallel_loop3A_590 : vector<16xf32>
        %parallel_loop3A_592 = arith.addf %parallel_loop3A_591, %parallel_loop3A_517 : vector<16xf32>
        %parallel_loop3A_593 = arith.constant 512 : i32
        %parallel_loop3A_594 = arith.addi %parallel_loop3A_593, %parallel_loop3A_241 : i32
        %parallel_loop3A_595 = arith.constant 15 : i32
        %parallel_loop3A_596 = arith.index_cast %rem3A_135 : i32 to index
        %parallel_loop3A_597 = arith.index_cast %parallel_loop3A_595 : i32 to index
        %parallel_loop3A_598 = arith.index_cast %parallel_loop3A_594 : i32 to index
        %parallel_loop3A_599 = tpu.vector_load %arg9[%parallel_loop3A_596, %parallel_loop3A_597, %parallel_loop3A_598] {strides = array<i32>} : memref<2x16x1024xf32, #tpu.memory_space<vmem>>, vector<1x1x16xf32>,
        %parallel_loop3A_600 = vector.shape_cast %parallel_loop3A_599 : vector<1x1x16xf32> to vector<16xf32>
        %parallel_loop3A_601 = vector.shape_cast %parallel_loop3A_592 : vector<16xf32> to vector<1x1x16xf32>
        tpu.vector_store %arg9[%parallel_loop3A_596, %parallel_loop3A_597, %parallel_loop3A_598], %parallel_loop3A_601 {strides = array<i32>} : memref<2x16x1024xf32, #tpu.memory_space<vmem>>, vector<1x1x16xf32>,
      } {sc.loop_unroll_factor = 2 : i64, sc.parallel_access}
      %add3A_186 = arith.constant 3 : i32
      %add3A_187 = arith.addi %scan3A_130, %add3A_186 : i32
      %lt3A = arith.constant 64 : i32
      %lt3A_188 = arith.cmpi slt, %add3A_187, %lt3A : i32
      %convert_element_type3A_189 = arith.extui %lt3A_188 : i1 to i32
      %cond3A_190 = arith.constant 0 : i32
      %cond3A_191 = arith.cmpi ne, %convert_element_type3A_189, %cond3A_190 : i32
      scf.if %cond3A_191 {
        %add3A_239 = arith.constant 3 : i32
        %add3A_240 = arith.addi %scan3A_130, %add3A_239 : i32
        %jit3A_241 = arith.constant 16 : i32
        %div3A_242 = arith.divsi %add3A_240, %jit3A_241 : i32
        %sign3A_243 = arith.constant 0 : i32
        %sign3A_244 = arith.cmpi sgt, %add3A_240, %sign3A_243 : i32
        %sign3A_245 = arith.extui %sign3A_244 : i1 to i32
        %sign3A_246 = arith.constant 0 : i32
        %sign3A_247 = arith.cmpi slt, %add3A_240, %sign3A_246 : i32
        %sign3A_248 = arith.extui %sign3A_247 : i1 to i32
        %sign3A_249 = arith.subi %sign3A_245, %sign3A_248 : i32
        %sign3A_250 = arith.constant 0 : i32
        %sign3A_251 = arith.cmpi sgt, %jit3A_241, %sign3A_250 : i32
        %sign3A_252 = arith.extui %sign3A_251 : i1 to i32
        %sign3A_253 = arith.constant 0 : i32
        %sign3A_254 = arith.cmpi slt, %jit3A_241, %sign3A_253 : i32
        %sign3A_255 = arith.extui %sign3A_254 : i1 to i32
        %sign3A_256 = arith.subi %sign3A_252, %sign3A_255 : i32
        %ne3A_257 = arith.cmpi ne, %sign3A_249, %sign3A_256 : i32
        %rem3A_258 = arith.remsi %add3A_240, %jit3A_241 : i32
        %ne3A_259 = arith.constant 0 : i32
        %ne3A_260 = arith.cmpi ne, %rem3A_258, %ne3A_259 : i32
        %and3A_261 = arith.andi %ne3A_257, %ne3A_260 : i1
        %sub3A_262 = arith.constant 1 : i32
        %sub3A_263 = arith.subi %div3A_242, %sub3A_262 : i32
        %select_n3A_264 = arith.select %and3A_261, %sub3A_263, %div3A_242 : i32
        %rem3A_265 = arith.constant 16 : i32
        %rem3A_266 = arith.remsi %add3A_240, %rem3A_265 : i32
        %mul3A_267 = arith.constant 8192 : i32
        %mul3A_268 = arith.muli %select_n3A_264, %mul3A_267 : i32
        %add3A_269 = arith.addi %mul3A_268, %mul3A_2 : i32
        %mul3A_270 = arith.constant 16 : i32
        %mul3A_271 = arith.muli %rem3A_266, %mul3A_270 : i32
        %add3A_272 = arith.addi %add3A_269, %mul3A_271 : i32
        %dma_start3A_273 = arith.constant 0 : i32
        %dma_start3A_274 = arith.constant 0 : i32
        %dma_start3A_275 = tpu.memref_slice %arg8[%rem3A_133, %dma_start3A_273, %dma_start3A_274] : memref<3x16x1024xf32, #tpu.memory_space<vmem>> -> memref<1x16x1024xf32, #tpu.memory_space<vmem>>
        %dma_start3A_276 = tpu.memref_squeeze %dma_start3A_275 : memref<1x16x1024xf32, #tpu.memory_space<vmem>> -> memref<16x1024xf32, #tpu.memory_space<vmem>>
        %dma_start3A_277 = arith.constant 0 : i32
        %dma_start3A_278 = tpu.memref_slice %arg2[%add3A_272, %dma_start3A_277] : memref<32768x1024xf32, #tpu.memory_space<hbm>> -> memref<16x1024xf32, #tpu.memory_space<hbm>>
        %dma_start3A_279 = tpu.memref_slice %arg10[%rem3A_133] : memref<3x!tpu.dma_semaphore, #tpu.memory_space<semaphore_mem>> -> memref<1x!tpu.dma_semaphore, #tpu.memory_space<semaphore_mem>>
        %dma_start3A_280 = tpu.memref_squeeze %dma_start3A_279 : memref<1x!tpu.dma_semaphore, #tpu.memory_space<semaphore_mem>> -> memref<!tpu.dma_semaphore, #tpu.memory_space<semaphore_mem>>
        %dma_start3A_281 = arith.constant 0 : i32
        %dma_start3A_282 = arith.constant 0 : i32
        %dma_start3A_283 = tpu.memref_slice %arg8[%rem3A_133, %dma_start3A_281, %dma_start3A_282] : memref<3x16x1024xf32, #tpu.memory_space<vmem>> -> memref<1x16x1024xf32, #tpu.memory_space<vmem>>
        %dma_start3A_284 = tpu.memref_squeeze %dma_start3A_283 : memref<1x16x1024xf32, #tpu.memory_space<vmem>> -> memref<16x1024xf32, #tpu.memory_space<vmem>>
        %dma_start3A_285 = arith.constant 0 : i32
        %dma_start3A_286 = tpu.memref_slice %arg2[%add3A_272, %dma_start3A_285] : memref<32768x1024xf32, #tpu.memory_space<hbm>> -> memref<16x1024xf32, #tpu.memory_space<hbm>>
        tpu.enqueue_dma source(%dma_start3A_286 : memref<16x1024xf32, #tpu.memory_space<hbm>>) target(%dma_start3A_284 : memref<16x1024xf32, #tpu.memory_space<vmem>>) target_semaphore(%dma_start3A_280 : memref<!tpu.dma_semaphore, #tpu.memory_space<semaphore_mem>>)
      } else {
      }
      %jit3A_192 = arith.constant 16 : i32
      %div3A_193 = arith.divsi %scan3A_130, %jit3A_192 : i32
      %sign3A_194 = arith.constant 0 : i32
      %sign3A_195 = arith.cmpi sgt, %scan3A_130, %sign3A_194 : i32
      %sign3A_196 = arith.extui %sign3A_195 : i1 to i32
      %sign3A_197 = arith.constant 0 : i32
      %sign3A_198 = arith.cmpi slt, %scan3A_130, %sign3A_197 : i32
      %sign3A_199 = arith.extui %sign3A_198 : i1 to i32
      %sign3A_200 = arith.subi %sign3A_196, %sign3A_199 : i32
      %sign3A_201 = arith.constant 0 : i32
      %sign3A_202 = arith.cmpi sgt, %jit3A_192, %sign3A_201 : i32
      %sign3A_203 = arith.extui %sign3A_202 : i1 to i32
      %sign3A_204 = arith.constant 0 : i32
      %sign3A_205 = arith.cmpi slt, %jit3A_192, %sign3A_204 : i32
      %sign3A_206 = arith.extui %sign3A_205 : i1 to i32
      %sign3A_207 = arith.subi %sign3A_203, %sign3A_206 : i32
      %ne3A_208 = arith.cmpi ne, %sign3A_200, %sign3A_207 : i32
      %rem3A_209 = arith.remsi %scan3A_130, %jit3A_192 : i32
      %ne3A_210 = arith.constant 0 : i32
      %ne3A_211 = arith.cmpi ne, %rem3A_209, %ne3A_210 : i32
      %and3A_212 = arith.andi %ne3A_208, %ne3A_211 : i1
      %sub3A_213 = arith.constant 1 : i32
      %sub3A_214 = arith.subi %div3A_193, %sub3A_213 : i32
      %select_n3A_215 = arith.select %and3A_212, %sub3A_214, %div3A_193 : i32
      %rem3A_216 = arith.constant 16 : i32
      %rem3A_217 = arith.remsi %scan3A_130, %rem3A_216 : i32
      %mul3A_218 = arith.constant 8192 : i32
      %mul3A_219 = arith.muli %select_n3A_215, %mul3A_218 : i32
      %add3A_220 = arith.addi %mul3A_219, %mul3A_2 : i32
      %mul3A_221 = arith.constant 16 : i32
      %mul3A_222 = arith.muli %rem3A_217, %mul3A_221 : i32
      %add3A_223 = arith.addi %add3A_220, %mul3A_222 : i32
      %dma_start3A_224 = arith.constant 0 : i32
      %dma_start3A_225 = arith.constant 0 : i32
      %dma_start3A_226 = tpu.memref_slice %arg9[%rem3A_135, %dma_start3A_224, %dma_start3A_225] : memref<2x16x1024xf32, #tpu.memory_space<vmem>> -> memref<1x16x1024xf32, #tpu.memory_space<vmem>>
      %dma_start3A_227 = tpu.memref_squeeze %dma_start3A_226 : memref<1x16x1024xf32, #tpu.memory_space<vmem>> -> memref<16x1024xf32, #tpu.memory_space<vmem>>
      %dma_start3A_228 = arith.constant 0 : i32
      %dma_start3A_229 = tpu.memref_slice %arg5[%add3A_223, %dma_start3A_228] : memref<32768x1024xf32, #tpu.memory_space<hbm>> -> memref<16x1024xf32, #tpu.memory_space<hbm>>
      %dma_start3A_230 = tpu.memref_slice %arg11[%rem3A_135] : memref<2x!tpu.dma_semaphore, #tpu.memory_space<semaphore_mem>> -> memref<1x!tpu.dma_semaphore, #tpu.memory_space<semaphore_mem>>
      %dma_start3A_231 = tpu.memref_squeeze %dma_start3A_230 : memref<1x!tpu.dma_semaphore, #tpu.memory_space<semaphore_mem>> -> memref<!tpu.dma_semaphore, #tpu.memory_space<semaphore_mem>>
      %dma_start3A_232 = arith.constant 0 : i32
      %dma_start3A_233 = tpu.memref_slice %arg5[%add3A_223, %dma_start3A_232] : memref<32768x1024xf32, #tpu.memory_space<hbm>> -> memref<16x1024xf32, #tpu.memory_space<hbm>>
      %dma_start3A_234 = arith.constant 0 : i32
      %dma_start3A_235 = arith.constant 0 : i32
      %dma_start3A_236 = tpu.memref_slice %arg9[%rem3A_135, %dma_start3A_234, %dma_start3A_235] : memref<2x16x1024xf32, #tpu.memory_space<vmem>> -> memref<1x16x1024xf32, #tpu.memory_space<vmem>>
      %dma_start3A_237 = tpu.memref_squeeze %dma_start3A_236 : memref<1x16x1024xf32, #tpu.memory_space<vmem>> -> memref<16x1024xf32, #tpu.memory_space<vmem>>
      tpu.enqueue_dma source(%dma_start3A_237 : memref<16x1024xf32, #tpu.memory_space<vmem>>) target(%dma_start3A_233 : memref<16x1024xf32, #tpu.memory_space<hbm>>) target_semaphore(%dma_start3A_231 : memref<!tpu.dma_semaphore, #tpu.memory_space<semaphore_mem>>)
      %scan3A_238 = arith.constant 0 : i32
      scf.yield %scan3A_238 : i32
    }
    %scan3A_80 = arith.constant 64 : i32
    %rem3A_81 = arith.constant 62 : i32
    %rem3A_82 = arith.constant 2 : i32
    %rem3A_83 = arith.remsi %rem3A_81, %rem3A_82 : i32
    %rem3A_84 = arith.constant 62 : i32
    %rem3A_85 = arith.constant 16 : i32
    %rem3A_86 = arith.remsi %rem3A_84, %rem3A_85 : i32
    %add3A_87 = arith.constant 24576 : i32
    %add3A_88 = arith.addi %add3A_87, %mul3A_2 : i32
    %mul3A_89 = arith.constant 16 : i32
    %mul3A_90 = arith.muli %rem3A_86, %mul3A_89 : i32
    %add3A_91 = arith.addi %add3A_88, %mul3A_90 : i32
    %dma_wait3A = arith.constant 0 : i32
    %dma_wait3A_92 = arith.constant 0 : i32
    %dma_wait3A_93 = tpu.memref_slice %arg9[%rem3A_83, %dma_wait3A, %dma_wait3A_92] : memref<2x16x1024xf32, #tpu.memory_space<vmem>> -> memref<1x16x1024xf32, #tpu.memory_space<vmem>>
    %dma_wait3A_94 = tpu.memref_squeeze %dma_wait3A_93 : memref<1x16x1024xf32, #tpu.memory_space<vmem>> -> memref<16x1024xf32, #tpu.memory_space<vmem>>
    %dma_wait3A_95 = arith.constant 0 : i32
    %dma_wait3A_96 = tpu.memref_slice %arg5[%add3A_91, %dma_wait3A_95] : memref<32768x1024xf32, #tpu.memory_space<hbm>> -> memref<16x1024xf32, #tpu.memory_space<hbm>>
    %dma_wait3A_97 = tpu.memref_slice %arg11[%rem3A_83] : memref<2x!tpu.dma_semaphore, #tpu.memory_space<semaphore_mem>> -> memref<1x!tpu.dma_semaphore, #tpu.memory_space<semaphore_mem>>
    %dma_wait3A_98 = tpu.memref_squeeze %dma_wait3A_97 : memref<1x!tpu.dma_semaphore, #tpu.memory_space<semaphore_mem>> -> memref<!tpu.dma_semaphore, #tpu.memory_space<semaphore_mem>>
    %dma_wait3A_99 = arith.constant 0 : i32
    %dma_wait3A_100 = tpu.memref_slice %arg5[%add3A_91, %dma_wait3A_99] : memref<32768x1024xf32, #tpu.memory_space<hbm>> -> memref<16x1024xf32, #tpu.memory_space<hbm>>
    %dma_wait3A_101 = arith.constant 0 : i32
    %dma_wait3A_102 = arith.constant 0 : i32
    %dma_wait3A_103 = tpu.memref_slice %arg9[%rem3A_83, %dma_wait3A_101, %dma_wait3A_102] : memref<2x16x1024xf32, #tpu.memory_space<vmem>> -> memref<1x16x1024xf32, #tpu.memory_space<vmem>>
    %dma_wait3A_104 = tpu.memref_squeeze %dma_wait3A_103 : memref<1x16x1024xf32, #tpu.memory_space<vmem>> -> memref<16x1024xf32, #tpu.memory_space<vmem>>
    tpu.wait_dma2 semaphore(%dma_wait3A_98 : memref<!tpu.dma_semaphore, #tpu.memory_space<semaphore_mem>>) src(%dma_wait3A_104 : memref<16x1024xf32, #tpu.memory_space<vmem>>) dst(%dma_wait3A_100 : memref<16x1024xf32, #tpu.memory_space<hbm>>)
    %rem3A_105 = arith.constant 63 : i32
    %rem3A_106 = arith.constant 2 : i32
    %rem3A_107 = arith.remsi %rem3A_105, %rem3A_106 : i32
    %rem3A_108 = arith.constant 63 : i32
    %rem3A_109 = arith.constant 16 : i32
    %rem3A_110 = arith.remsi %rem3A_108, %rem3A_109 : i32
    %add3A_111 = arith.constant 24576 : i32
    %add3A_112 = arith.addi %add3A_111, %mul3A_2 : i32
    %mul3A_113 = arith.constant 16 : i32
    %mul3A_114 = arith.muli %rem3A_110, %mul3A_113 : i32
    %add3A_115 = arith.addi %add3A_112, %mul3A_114 : i32
    %dma_wait3A_116 = arith.constant 0 : i32
    %dma_wait3A_117 = arith.constant 0 : i32
    %dma_wait3A_118 = tpu.memref_slice %arg9[%rem3A_107, %dma_wait3A_116, %dma_wait3A_117] : memref<2x16x1024xf32, #tpu.memory_space<vmem>> -> memref<1x16x1024xf32, #tpu.memory_space<vmem>>
    %dma_wait3A_119 = tpu.memref_squeeze %dma_wait3A_118 : memref<1x16x1024xf32, #tpu.memory_space<vmem>> -> memref<16x1024xf32, #tpu.memory_space<vmem>>
    %dma_wait3A_120 = arith.constant 0 : i32
    %dma_wait3A_121 = tpu.memref_slice %arg5[%add3A_115, %dma_wait3A_120] : memref<32768x1024xf32, #tpu.memory_space<hbm>> -> memref<16x1024xf32, #tpu.memory_space<hbm>>
    %dma_wait3A_122 = tpu.memref_slice %arg11[%rem3A_107] : memref<2x!tpu.dma_semaphore, #tpu.memory_space<semaphore_mem>> -> memref<1x!tpu.dma_semaphore, #tpu.memory_space<semaphore_mem>>
    %dma_wait3A_123 = tpu.memref_squeeze %dma_wait3A_122 : memref<1x!tpu.dma_semaphore, #tpu.memory_space<semaphore_mem>> -> memref<!tpu.dma_semaphore, #tpu.memory_space<semaphore_mem>>
    %dma_wait3A_124 = arith.constant 0 : i32
    %dma_wait3A_125 = tpu.memref_slice %arg5[%add3A_115, %dma_wait3A_124] : memref<32768x1024xf32, #tpu.memory_space<hbm>> -> memref<16x1024xf32, #tpu.memory_space<hbm>>
    %dma_wait3A_126 = arith.constant 0 : i32
    %dma_wait3A_127 = arith.constant 0 : i32
    %dma_wait3A_128 = tpu.memref_slice %arg9[%rem3A_107, %dma_wait3A_126, %dma_wait3A_127] : memref<2x16x1024xf32, #tpu.memory_space<vmem>> -> memref<1x16x1024xf32, #tpu.memory_space<vmem>>
    %dma_wait3A_129 = tpu.memref_squeeze %dma_wait3A_128 : memref<1x16x1024xf32, #tpu.memory_space<vmem>> -> memref<16x1024xf32, #tpu.memory_space<vmem>>
    tpu.wait_dma2 semaphore(%dma_wait3A_123 : memref<!tpu.dma_semaphore, #tpu.memory_space<semaphore_mem>>) src(%dma_wait3A_129 : memref<16x1024xf32, #tpu.memory_space<vmem>>) dst(%dma_wait3A_125 : memref<16x1024xf32, #tpu.memory_space<hbm>>)
    return
  }
}

</mosaic_0001>

<sc_bundles>
// kernel: kernel.3.cloned.1.call-start
scs
__scs_entry_jumppad:
0x0: {  	(pc) =	sbr.rel $0x88, $3  }
0x1: {  	(tag) =	ssettag $0x0;
	lr =	simm.s32 $0x1  }
0x2: {  	[smem:$0x3F9E] =	sst lr;
	_ =	strace $0xD0000000  }
0x3: {  	_ = 	snop  }
0x4: {  	_ = 	snop  }
0x5: {  	_ = 	snop  }
0x6: {  	_ = 	snop  }
0x7: {  	_ = 	snop  }
__scs_overlays_trampoline_lowered:
0x8: {  	[smem:$0x3FAD] =	sst s0  }
0x9: {  	[smem:$0x3FAE] =	sst s1  }
0xa: {  	[smem:$0x3FAF] =	sst s2  }
0xb: {  	[smem:$0x3FB0] =	sst s3  }
0xc: {  	[smem:$0x3FB1] =	sst s4  }
0xd: {  	[smem:$0x3FB2] =	sst s5  }
0xe: {  	[smem:$0x3FB3] =	sst s6  }
0xf: {  	[smem:$0x3FB4] =	sst s7  }
0x10: {  	[smem:$0x3FB5] =	sst s8  }
0x11: {  	[smem:$0x3FB6] =	sst s9;
	s0 =	simm.s32 @!p0 $0x0  }
0x12: {  	s1 =	sld [smem:$0x3F9C];
	s0 =	simm.s32 @p0 $0x1  }
0x13: {  	[smem:$0x3FB7] =	sst s0;
	s0 =	simm.s32 @!p1 $0x0  }
0x14: {  	s2 =	sld [smem:$0x3F9B];
	s0 =	simm.s32 @p1 $0x1  }
0x15: {  	[smem:$0x3FB8] =	sst s0;
	s0 =	simm.s32 @!p2 $0x0  }
0x16: {  	s3 =	sld [smem:$0x3FDB];
	s0 =	simm.s32 @p2 $0x1  }
0x17: {  	s4 =	simm.s32 $0x1BF5;
	[smem:$0x3FBA] =	sst s0  }
0x18: {  	s0 =	sld [smem:$0x3F9D];
	_ =	swait.ge [sflag:s4], $0x0  }
0x19: {  	s7 =	sld [smem:$0x3F9E]  }
0x1a: {  	s8 =	sadd.s32 $0xFFFFE003, lr  }
0x1b: {  	s9 =	sadd.s32 $0xFFFFFEF7, lr;
	s5 =	simm.s32 $0xFFFFFFFF;
	p2 =	slt.u32 s8, $0xFFFFF086  }
0x1c: {  	p1 =	slt.u32 s9, $0xF7A;
	s5 =	simm.s32 @!p2 $0x0  }
0x1d: {  	s5 =	simm.s32 @p1 $0x1;
	p0 =	seq.s32 s7, s2  }
0x1e: {  	s7 =	smul.u32 @!p0 $0xF7A, s2;
	p2 =	seq.s32 @!p0 s5, $0x0  }
0x1f: {  	s9 =	smul.u32 $0xF7A, s1;
	s8 =	simm.s32 @!p0 $0x1BF5;
	p2 =	por !p2, p0  }
0x20: {  	[sflag:s8] =	ssyncset.s32 @!p0 $0xFFFFF086;
	s6 =	sadd.s32 @!p0 s3, s7;
	s7 =	simm.s32 @!p0 $0x108  }
0x21: {  	s3 =	sadd.s32 s3, s9;
	s6 =	sadd.s32 @!p0 $0x88, s6;
	s7 =	simm.s32 @p2 $0x1082  }
0x22: {  	[simem:s7], [sflag:s8] =	dma.local @!p0 [hbm:s6], $0xF7A  }
0x23: {  	s9 =	sor.u32 $0xD0000000, s2;
	s6 =	simm.s32 $0x108;
	_ =	swait.ge @!p0 [sflag:s8], $0x0  }
0x24: {  	s3 =	sadd.s32 $0x88, s3;
	s6 =	simm.s32 @!p1 $0x1082;
	[sflag:s4] =	ssyncset.s32 $0xFFFFF086  }
0x25: {  	[simem:s6], [sflag:s4] =	dma.local [hbm:s3], $0xF7A  }
0x26: {  	[smem:$0x3F9E] =	sst s1;
	(tag) =	ssettag s2;
	_ =	strace s9  }
0x27: {  	s1 =	sld [smem:$0x3FAE]  }
0x28: {  	s2 =	sld [smem:$0x3FAF]  }
0x29: {  	s4 =	sld [smem:$0x3FB1]  }
0x2a: {  	p0 =	seq.s32 s5, $0x0;
	s5 =	sld [smem:$0x3FB2]  }
0x2b: {  	s6 =	sld [smem:$0x3FB3]  }
0x2c: {  	s7 =	sld [smem:$0x3FB4]  }
0x2d: {  	s3 =	simm.s32 $0x108;
	s8 =	sld [smem:$0x3FB5]  }
0x2e: {  	s3 =	simm.s32 @!p0 $0x1082;
	s9 =	sld [smem:$0x3FB6]  }
0x2f: {  	lr =	sadd.s32 s0, s3;
	s0 =	sld [smem:$0x3FAD]  }
0x30: {  	s3 =	sld [smem:$0x3FB0]  }
0x31: {  	[smem:$0x3FB9] =	sst s10  }
0x32: {  	s10 =	sld [smem:$0x3FB7];
	_ =	sdelay $0x3  }
0x33: {  	p0 =	seq.s32 s10, $0x1;
	s10 =	sld [smem:$0x3FB9];
	_ =	sdelay $0x3  }
0x34: {  	[smem:$0x3FB9] =	sst s10  }
0x35: {  	s10 =	sld [smem:$0x3FB8];
	_ =	sdelay $0x3  }
0x36: {  	p1 =	seq.s32 s10, $0x1;
	s10 =	sld [smem:$0x3FB9];
	_ =	sdelay $0x3  }
0x37: {  	[smem:$0x3FB9] =	sst s10  }
0x38: {  	s10 =	sld [smem:$0x3FBA]  }
0x39: {  	_ = 	snop;
	(pc) =	sbr.ind lr, $3  }
0x3a: {  	_ = 	snop  }
0x3b: {  	_ = 	snop  }
0x3c: {  	p2 =	seq.s32 s10, $0x1;
	s10 =	sld [smem:$0x3FB9]  }
0x3d: {  	_ =	shalt  }
0x3e: {  	_ =	shalt  }
0x3f: {  	_ =	shalt  }
0x40: {  	_ =	shalt  }
0x41: {  	_ =	shalt  }
0x42: {  	_ =	shalt  }
0x43: {  	_ =	shalt  }
0x44: {  	_ =	shalt  }
0x45: {  	_ =	shalt  }
0x46: {  	_ =	shalt  }
0x47: {  	_ =	shalt  }
0x48: {  	_ =	shalt  }
0x49: {  	_ =	shalt  }
0x4a: {  	_ =	shalt  }
0x4b: {  	_ =	shalt  }
0x4c: {  	_ =	shalt  }
0x4d: {  	_ =	shalt  }
0x4e: {  	_ =	shalt  }
0x4f: {  	_ =	shalt  }
0x50: {  	_ =	shalt  }
0x51: {  	_ =	shalt  }
0x52: {  	_ =	shalt  }
0x53: {  	_ =	shalt  }
0x54: {  	_ =	shalt  }
0x55: {  	_ =	shalt  }
0x56: {  	_ =	shalt  }
0x57: {  	_ =	shalt  }
0x58: {  	_ =	shalt  }
0x59: {  	_ =	shalt  }
0x5a: {  	_ =	shalt  }
0x5b: {  	_ =	shalt  }
0x5c: {  	_ =	shalt  }
0x5d: {  	_ =	shalt  }
0x5e: {  	_ =	shalt  }
0x5f: {  	_ =	shalt  }
0x60: {  	_ =	shalt  }
0x61: {  	_ =	shalt  }
0x62: {  	_ =	shalt  }
0x63: {  	_ =	shalt  }
0x64: {  	_ =	shalt  }
0x65: {  	_ =	shalt  }
0x66: {  	_ =	shalt  }
0x67: {  	_ =	shalt  }
0x68: {  	_ =	shalt  }
0x69: {  	_ =	shalt  }
0x6a: {  	_ =	shalt  }
0x6b: {  	_ =	shalt  }
0x6c: {  	_ =	shalt  }
0x6d: {  	_ =	shalt  }
0x6e: {  	_ =	shalt  }
0x6f: {  	_ =	shalt  }
0x70: {  	_ =	shalt  }
0x71: {  	_ =	shalt  }
0x72: {  	_ =	shalt  }
0x73: {  	_ =	shalt  }
0x74: {  	_ =	shalt  }
0x75: {  	_ =	shalt  }
0x76: {  	_ =	shalt  }
0x77: {  	_ =	shalt  }
0x78: {  	_ =	shalt  }
0x79: {  	_ =	shalt  }
0x7a: {  	_ =	shalt  }
0x7b: {  	_ =	shalt  }
0x7c: {  	_ =	shalt  }
0x7d: {  	_ =	shalt  }
0x7e: {  	_ =	shalt  }
0x7f: {  	_ =	shalt  }
0x80: {  	_ =	shalt  }
0x81: {  	_ =	shalt  }
0x82: {  	_ =	shalt  }
0x83: {  	_ =	shalt  }
0x84: {  	_ =	shalt  }
0x85: {  	_ =	shalt  }
0x86: {  	_ =	shalt  }
0x87: {  	_ =	shalt  }
.Lfunc_end0:
.L_simem_size_0:
called_computation_lowered:
.L_overlay_start_0:
0x88: {  	s2 =	sld [smem:$0x3FD9]  }
0x89: {  	s3 =	sld [smem:$0x3FFE];
	_ =	sdelay $0x1  }
0x8a: {  	s1 =	srdreg.scid  }
0x8b: {  	s0 =	sand.u32 $0x1, s1  }
0x8c: {  	s18 =	sshll.u32 s0, $0xA;
	s2 =	sadd.s32 s3, s2  }
0x8d: {  	s2 =	sadd.s32 s2, s18  }
0x8e: {  	[smem:$0x3FC5] =	sst s2  }
0x8f: {  	_ = 	snop  }
0x90: {  	s2 =	sld [smem:$0x3FC9]  }
0x91: {  	s19 =	sld [smem:$0x3FC8]  }
0x92: {  	s4 =	sld [smem:$0x3FC7]  }
0x93: {  	s5 =	sld [smem:$0x3FD0];
	(tm) =	ssettm $0x1  }
0x94: {  	s6 =	sld [smem:$0x3FFB];
	_ =	sdelay $0x3  }
0x95: {  	_ =	strace s6  }
0x96: {  	s6 =	sld [smem:$0x3FFC];
	_ =	sdelay $0x3  }
0x97: {  	_ =	strace s6  }
0x98: {  	s6 =	sld [smem:$0x3FFD];
	_ =	sdelay $0x3  }
0x99: {  	_ =	strace s6  }
0x9a: {  	_ =	strace $0x8FFFFFFF  }
0x9b: {  	s20 =	sld [smem:$0x3FDB];
	_ =	sdelay $0x1  }
0x9c: {  	s7 =	simm.s32 $_scs_section_size  }
0x9d: {  	s8 =	simm.s32 $_size__tile_overlayer_lowered;
	s9 =	simm.s32 $_tile_overlayer_lowered  }
0x9e: {  	s23 =	simm.s32 $0x1BFF;
	s22 =	sshll.u32 s9, $0x1;
	s6 =	sadd.s32 s7, s20  }
0x9f: {  	s10 =	simm.s32 $0x0;
	s21 =	sshll.u32 s8, $0x1;
	s8 =	sadd.s32 s22, s6  }
0xa0: {  	[timem:s10], [sflag:s23] =	dma.local [hbm:s8], s21  }
0xa1: {  	_ =	swait.ge [sflag:s23], s21  }
0xa2: {  	s7 =	ssub.s32 $0x0, s21;
	[sflag:s23] =	ssyncset.done $0x0  }
0xa3: {  	[sflag:s23] =	ssyncadd.s32 s7;
	_ =	sdelay $0x1  }
0xa4: {  	s24 =	simm.s32 $0x1B8B  }
0xa5: {  	_ =	swait.ge [sflag:s24], $0x1  }
0xa6: {  	[sflag:s24] =	ssyncset.done $0x0  }
0xa7: {  	s25 =	simm.s32 $0x1B8E;
	[sflag:s24] =	ssyncadd.s32 $0xFFFFFFFF  }
0xa8: {  	s26 =	simm.s32 $execute0_lowered;
	[smem:$0x3FD2] =	sst s25  }
0xa9: {  	s7 =	sshll.u32 s26, $0x1;
	_ =	strace $0x80000046;
	[dreg:$0x1] =	wrdreg $0xFFFFFFFF  }
0xaa: {  	s28 =	simm.s32 $_size_execute0_lowered;
	s6 =	sadd.s32 s6, s7;
	[dreg:$0x0] =	wrdreg $0x0  }
0xab: {  	s7 =	sshll.u32 s28, $0x1;
	[dreg:$0x2] =	wrdreg s6  }
0xac: {  	[dreg:$0x3] =	wrdreg s7  }
0xad: {  	[dreg:$0x4] =	wrdreg $0xC0  }
0xae: {  	_ =	task [dreg:s10], $0x5FFFF  }
0xaf: {  	[dreg:$0x1] =	wrdreg $0xFFFFFFFF  }
0xb0: {  	[dreg:$0x0] =	wrdreg $0x60  }
0xb1: {  	[dreg:$0x2] =	wrdreg s2  }
0xb2: {  	[dreg:$0x3] =	wrdreg s19  }
0xb3: {  	[dreg:$0x4] =	wrdreg s4  }
0xb4: {  	[dreg:$0x5] =	wrdreg s5  }
0xb5: {  	[dreg:$0x6] =	wrdreg $0x9  }
0xb6: {  	_ =	task.clear_ibuf [dreg:s10], $0x7FFFF;
	_ =	strace $0x90000046  }
0xb7: {  	s29 =	simm.s32 $0x9;
	_ =	strace $0x80000048  }
0xb8: {  	_ =	swait.ge [sflag:s29], $0x1  }
0xb9: {  	[sflag:s29] =	ssyncadd.s32 $0xFFFFFFFF  }
0xba: {  	_ =	strace $0x90000048  }
0xbb: {  	_ =	sfence  }
0xbc: {  	s30 =	sld [smem:$0x0];
	_ =	sdelay $0x2  }
0xbd: {  	s31 =	sshll.u32 s1, $0xD;
	s1 =	sshrl.u32 s1, $0x2  }
0xbe: {  	s3 =	sand.u32 $0x4000, s31;
	s1 =	sadd.s32 s1, s30  }
0xbf: {  	s0 =	sor.u32 s3, s0;
	s1 =	sshll.u32 s1, $0x11  }
0xc0: {  	s0 =	sor.u32 s1, s0  }
0xc1: {  	s0 =	sadd.s32 $0x8F2B, s0  }
0xc2: {  	[sflag:s0] =	ssyncadd.remote.s32 $0x1  }
0xc3: {  	_ =	sfence.sel $0xFFFF  }
0xc4: {  	[dreg:$0x0] =	wrdreg $0xFFFFFFFF;
	(pc) =	sbr.abs _section_cstart, $3  }
0xc5: {  	[dreg:$0x1] =	wrdreg $0xFFFFFFFF  }
0xc6: {  	_ =	task.clear_ibuf [dreg:s10], $0x2FFFF;
	_ =	strace $0x9FFFFFFF  }
0xc7: {  	(tm) =	ssettm $0x7FFFFFFF  }
tec
execute0_lowered:
.L_overlay_start_1:
0x0: {  	(tag) =	ssettag $0x1  }
0x1: {  	s0 =	rddreg [dreg:$0x0]  }
0x2: {  	s3 =	srdreg.scid;
	s4 =	stileid.u32  }
0x3: {  	s1 =	rddreg [dreg:$0x2];
	s3 =	sand.u32 $0x1, s3;
	s4 =	sshll.u32 s4, $0x1  }
0x4: {  	s2 =	rddreg [dreg:$0x3];
	s26 =	ssub.s32 $0x2, s3;
	s3 =	sor.u32 s3, s4  }
0x5: {  	s5 =	simm.s32 $0x0;
	s6 =	sshll.u32 s3, $0xF;
	s3 =	sshll.u32 s3, $0xC  }
0x6: {  	[smem:$0x7FF] =	sst s5;
	s1 =	sadd.s32 s1, s3  }
0x7: {  	_ =	strace $0x80000047;
	s0 =	sadd.s32 s0, s6;
	[smem:$0x7F8] =	sst s1  }
0x8: {  	s30 =	sadd.s32 s2, s6;
	[smem:$0x7FA] =	sst s0  }
0x9: {  	s28 =	sshrl.u32 s26, $0x1;
	s29 =	sadd.s32 $0x800, s0;
	[smem:$0x7FC] =	sst s30  }
0xa: {  	s4 =	ssub.s32 s26, s28;
	s0 =	sadd.s32 $0x1000, s0;
	[smem:$0x7F9] =	sst s29  }
0xb: {  	s31 =	smax.u32 s4, $0x1;
	[smem:$0x7FB] =	sst s0  }
0xc: {  	s2 =	simm.s32 $0x0;
	[smem:$0x7FD] =	sst s31  }
.LBB2_1:
0xd: {  	[smem:$0x7F7] =	sst s2  }
0xe: {  	s0 =	rddreg [dreg:$0x1];
	s1 =	simm.s32 $0x0;
	s23 =	simm.s32 $0x6  }
0xf: {  	[tilespmem:s1], [sflag:$0x6] =	stream.linear.gather [hbm4b:s0+s1], $0x800, $0x38;
	[tilespmem:$0x1C800] =	vst v63  }
0x10: {  	_ =	swait.ge [sflag:s23], $0x800  }
0x11: {  	s24 =	sld [smem:$0x7F8]  }
0x12: {  	[sflag:s23] =	ssyncset.done $0x0  }
0x13: {  	s3 =	simm.s32 $0x800;
	[sflag:s23] =	ssyncadd.s32 $0xFFFFF800  }
0x14: {  	[tilespmem:s3], [sflag:$0x6] =	stream.linear.gather [hbm4b:s24+s1], $0x8000, $0x38;
	[tilespmem:$0x1C800] =	vst v63  }
0x15: {  	_ =	swait.ge [sflag:s23], $0x8000  }
0x16: {  	s25 =	sld [smem:$0x7FA]  }
0x17: {  	[sflag:s23] =	ssyncset.done $0x0  }
0x18: {  	s26 =	simm.s32 $0x8800;
	s28 =	sld [smem:$0x7F9];
	[sflag:s23] =	ssyncadd.s32 $0xFFFF8000  }
0x19: {  	[tilespmem:s26], [sflag:$0x1] =	stream.linear.gather [hbm4b:s25+s1], $0x4000, $0x38;
	[tilespmem:$0x1C800] =	vst v63  }
0x1a: {  	s29 =	simm.s32 $0xC800;
	s30 =	sld [smem:$0x7FB]  }
0x1b: {  	[tilespmem:s29], [sflag:$0x2] =	stream.linear.gather [hbm4b:s28+s1], $0x4000, $0x38;
	[tilespmem:$0x1C800] =	vst v63  }
0x1c: {  	s31 =	simm.s32 $0x10800;
	s4 =	simm.s32 $0x0  }
0x1d: {  	[tilespmem:s31], [sflag:$0x3] =	stream.linear.gather [hbm4b:s30+s1], $0x4000, $0x38;
	[tilespmem:$0x1C800] =	vst v63  }
.LBB2_2:
0x1e: {  	s0 =	smul.u32 $0xAB, s4;
	_ =	sdelay $0x1  }
0x1f: {  	s0 =	sshrl.u32 s0, $0x9  }
0x20: {  	s0 =	sand.u32 $0x7F, s0  }
0x21: {  	s2 =	sand.u32 $0x1, s4;
	p0 =	slt.u32 s4, $0x2;
	s0 =	smul.u32 $0x3, s0  }
0x22: {  	[smem:$0x7F2] =	sst s4;
	s1 =	sor.u32 @!p0 $0x4, s2  }
0x23: {  	s21 =	simm.s32 $0x0;
	_ =	swait.ge @!p0 [sflag:s1], $0x4000;
	s0 =	ssub.s32 s4, s0  }
0x24: {  	s22 =	simm.s32 $0x0;
	[sflag:s1] =	ssyncset.done @!p0 $0x0;
	s0 =	sand.u32 $0xFF, s0  }
0x25: {  	s24 =	simm.s32 $0x0;
	[sflag:s1] =	ssyncadd.s32 @!p0 $0xFFFFC000;
	s19 =	sadd.s32 $0x1, s0  }
0x26: {  	s20 =	sshll.u32 s2, $0xE;
	s10 =	sand.u32 $0x60, s21;
	_ =	swait.ge [sflag:s19], $0x4000  }
0x27: {  	s23 =	sand.u32 $0xFFFFFC00, s22;
	s0 =	sshll.u32 s0, $0xE;
	[smem:$0x7F3] =	sst s19  }
0x28: {  	s8 =	sor.u32 $0x10, s10;
	s6 =	sadd.s32 $0x8800, s0;
	[smem:$0x7F4] =	sst s2  }
0x29: {  	[sflag:s19] =	ssyncset.done $0x0;
	[smem:$0x7F5] =	sst s0;
	s9 =	sadd.s32 s23, s6  }
0x2a: {  	[smem:$0x7F6] =	sst s20;
	[sflag:s19] =	ssyncadd.s32 $0xFFFFC000;
	s25 =	sadd.s32 s8, s9  }
0x2b: {  	s3 =	sand.u32 $0x3FFFFE00, s24;
	v0 =	vld [tilespmem:s25+$0x0]  }
0x2c: {  	s2 =	sor.u32 s8, s3  }
0x2d: {  	v14 =	vld [tilespmem:s2+$0x0];
	_ =	sdelay $0x2  }
0x2e: {  	v0 =	vmul.f32 $3.200000000e+01, v0  }
0x2f: {  	s29 =	sadd.s32 $0x14800, s20  }
0x30: {  	s7 =	sadd.s32 s23, s29;
	v13 =	vld [tilespmem:s2+$0x80];
	v0 =	vadd.f32 v0, v14  }
0x31: {  	s12 =	sadd.s32 s8, s7;
	v16 =	vld [tilespmem:s2+$0x100]  }
0x32: {  	v38 =	vld [tilespmem:s2+$0x180];
	[tilespmem:s12+$0x0] =	vst v0  }
0x33: {  	v0 =	vld [tilespmem:s25+$0x80];
	_ =	sdelay $0x4  }
0x34: {  	s26 =	simm.s32 $0x20;
	s5 =	simm.s32 $0x100;
	v0 =	vmul.f32 $3.200000000e+01, v0  }
0x35: {  	s21 =	sand.u32 $0x60, s26;
	s30 =	sand.u32 $0xFFFFFC00, s5  }
0x36: {  	s26 =	sor.u32 $0x10, s21;
	s13 =	sadd.s32 s30, s6;
	v0 =	vadd.f32 v0, v13  }
0x37: {  	s14 =	simm.s32 $0x80;
	s16 =	sadd.s32 s26, s13  }
0x38: {  	s15 =	sand.u32 $0x3FFFFE00, s14;
	v1 =	vld [tilespmem:s16+$0x0];
	[tilespmem:s12+$0x80] =	vst v0  }
0x39: {  	s5 =	sor.u32 s26, s15;
	v0 =	vld [tilespmem:s25+$0x100]  }
0x3a: {  	v19 =	vld [tilespmem:s5+$0x0];
	_ =	sdelay $0x2  }
0x3b: {  	v1 =	vmul.f32 $3.200000000e+01, v1  }
0x3c: {  	v0 =	vmul.f32 $3.200000000e+01, v0  }
0x3d: {  	s22 =	sadd.s32 s30, s29;
	v18 =	vld [tilespmem:s5+$0x80];
	v1 =	vadd.f32 v1, v19  }
0x3e: {  	s14 =	sadd.s32 s26, s22;
	v25 =	vld [tilespmem:s5+$0x100];
	v0 =	vadd.f32 v0, v16  }
0x3f: {  	v39 =	vld [tilespmem:s5+$0x180];
	[tilespmem:s14+$0x0] =	vst v1  }
0x40: {  	v1 =	vld [tilespmem:s16+$0x80];
	[tilespmem:s12+$0x100] =	vst v0  }
0x41: {  	v0 =	vld [tilespmem:s25+$0x180];
	_ =	sdelay $0x3  }
0x42: {  	v1 =	vmul.f32 $3.200000000e+01, v1  }
0x43: {  	v0 =	vmul.f32 $3.200000000e+01, v0  }
0x44: {  	v1 =	vadd.f32 v1, v18  }
0x45: {  	v0 =	vadd.f32 v0, v38  }
0x46: {  	[tilespmem:s14+$0x80] =	vst v1  }
0x47: {  	v1 =	vld [tilespmem:s16+$0x100];
	[tilespmem:s12+$0x180] =	vst v0  }
0x48: {  	v0 =	vld [tilespmem:s25+$0x200]  }
0x49: {  	s5 =	sadd.s32 s10, s9  }
0x4a: {  	v2 =	vld [tilespmem:s5+$0x0]  }
0x4b: {  	s17 =	sor.u32 s10, s3  }
0x4c: {  	v36 =	vld [tilespmem:s17+$0x0];
	v1 =	vmul.f32 $3.200000000e+01, v1  }
0x4d: {  	v0 =	vmul.f32 $3.200000000e+01, v0  }
0x4e: {  	v1 =	vadd.f32 v1, v25  }
0x4f: {  	v35 =	vld [tilespmem:s17+$0x80];
	v2 =	vmul.f32 $3.200000000e+01, v2;
	v3 =	vadd.f32 v0, v14  }
0x50: {  	v33 =	vld [tilespmem:s17+$0x100];
	[tilespmem:s14+$0x100] =	vst v1  }
0x51: {  	v2 =	vadd.f32 v2, v36;
	v1 =	vld [tilespmem:s16+$0x180];
	[tilespmem:s12+$0x200] =	vst v3  }
0x52: {  	s0 =	sadd.s32 s10, s7;
	v3 =	vld [tilespmem:s25+$0x280]  }
0x53: {  	v0 =	vld [tilespmem:s17+$0x180];
	[tilespmem:s0+$0x0] =	vst v2  }
0x54: {  	v2 =	vld [tilespmem:s5+$0x80];
	_ =	sdelay $0x2  }
0x55: {  	v3 =	vmul.f32 $3.200000000e+01, v3  }
0x56: {  	v1 =	vmul.f32 $3.200000000e+01, v1  }
0x57: {  	v2 =	vmul.f32 $3.200000000e+01, v2;
	v3 =	vadd.f32 v3, v13  }
0x58: {  	v1 =	vadd.f32 v1, v39  }
0x59: {  	v2 =	vadd.f32 v2, v35;
	[tilespmem:s12+$0x280] =	vst v3  }
0x5a: {  	[tilespmem:s14+$0x180] =	vst v1;
	v3 =	vld [tilespmem:s25+$0x300]  }
0x5b: {  	v1 =	vld [tilespmem:s16+$0x200];
	[tilespmem:s0+$0x80] =	vst v2  }
0x5c: {  	v2 =	vld [tilespmem:s5+$0x100];
	_ =	sdelay $0x2  }
0x5d: {  	v3 =	vmul.f32 $3.200000000e+01, v3  }
0x5e: {  	s3 =	sadd.s32 s21, s13;
	v1 =	vmul.f32 $3.200000000e+01, v1  }
0x5f: {  	s15 =	sor.u32 s21, s15;
	v5 =	vld [tilespmem:s3+$0x0];
	v2 =	vmul.f32 $3.200000000e+01, v2;
	v3 =	vadd.f32 v3, v16  }
0x60: {  	v34 =	vld [tilespmem:s15+$0x0];
	v1 =	vadd.f32 v1, v19  }
0x61: {  	v4 =	vld [tilespmem:s15+$0x80];
	v2 =	vadd.f32 v2, v33;
	[tilespmem:s12+$0x300] =	vst v3  }
0x62: {  	s18 =	simm.s32 $0x40;
	s1 =	smov.u32 s6;
	s19 =	simm.s32 $0x200;
	[tilespmem:s14+$0x200] =	vst v1;
	v3 =	vld [tilespmem:s25+$0x380]  }
0x63: {  	s11 =	sand.u32 $0x60, s18;
	s17 =	sand.u32 $0xFFFFFC00, s19;
	s19 =	smov.u32 s1;
	v7 =	vld [tilespmem:s16+$0x280];
	[tilespmem:s0+$0x100] =	vst v2  }
0x64: {  	s6 =	sor.u32 $0x10, s11;
	s20 =	sadd.s32 s17, s1;
	v6 =	vld [tilespmem:s5+$0x180];
	[dreg:$0x7] =	wrdreg s19  }
0x65: {  	v1 =	vmul.f32 $3.200000000e+01, v5;
	s24 =	sadd.s32 s6, s20;
	s25 =	simm.s32 $0x100;
	v2 =	vld [tilespmem:s15+$0x100];
	[smem:$0x7EB] =	sst s20  }
0x66: {  	s18 =	sand.u32 $0x3FFFFE00, s25;
	v8 =	vld [tilespmem:s24+$0x0]  }
0x67: {  	v5 =	vadd.f32 v1, v34;
	s30 =	sor.u32 s6, s18;
	v3 =	vmul.f32 $3.200000000e+01, v3  }
0x68: {  	s4 =	sadd.s32 s21, s22;
	v41 =	vld [tilespmem:s30+$0x0]  }
0x69: {  	v1 =	vld [tilespmem:s15+$0x180];
	[tilespmem:s4+$0x0] =	vst v5;
	v5 =	vmul.f32 $3.200000000e+01, v7;
	v3 =	vadd.f32 v3, v38  }
0x6a: {  	s25 =	sadd.s32 $0x2000, s9;
	v7 =	vld [tilespmem:s3+$0x80]  }
0x6b: {  	s9 =	sadd.s32 s8, s25;
	v40 =	vld [tilespmem:s30+$0x80];
	[tilespmem:s12+$0x380] =	vst v3;
	v3 =	vadd.f32 v5, v18;
	v5 =	vmul.f32 $3.200000000e+01, v8  }
0x6c: {  	v9 =	vld [tilespmem:s9+$0x0]  }
0x6d: {  	s28 =	sadd.s32 s17, s29;
	v37 =	vld [tilespmem:s30+$0x100];
	v5 =	vadd.f32 v5, v41  }
0x6e: {  	s23 =	sadd.s32 s6, s28;
	[tilespmem:s14+$0x280] =	vst v3;
	v3 =	vld [tilespmem:s30+$0x180]  }
0x6f: {  	v8 =	vld [tilespmem:s16+$0x300];
	[tilespmem:s23+$0x0] =	vst v5  }
0x70: {  	v6 =	vmul.f32 $3.200000000e+01, v6;
	v5 =	vld [tilespmem:s24+$0x80]  }
0x71: {  	v9 =	vmul.f32 $3.200000000e+01, v9  }
0x72: {  	v6 =	vadd.f32 v6, v0  }
0x73: {  	s15 =	sadd.s32 $0x2000, s7;
	v7 =	vmul.f32 $3.200000000e+01, v7;
	v9 =	vadd.f32 v9, v14  }
0x74: {  	s8 =	sadd.s32 s8, s15;
	[tilespmem:s0+$0x180] =	vst v6;
	v8 =	vmul.f32 $3.200000000e+01, v8  }
0x75: {  	v6 =	vadd.f32 v7, v4;
	[tilespmem:s8+$0x0] =	vst v9;
	v5 =	vmul.f32 $3.200000000e+01, v5  }
0x76: {  	v8 =	vadd.f32 v8, v25;
	v9 =	vld [tilespmem:s9+$0x80]  }
0x77: {  	v15 =	vld [tilespmem:s5+$0x200];
	[tilespmem:s4+$0x80] =	vst v6;
	v5 =	vadd.f32 v5, v40  }
0x78: {  	v7 =	vld [tilespmem:s3+$0x100];
	[tilespmem:s14+$0x300] =	vst v8  }
0x79: {  	v6 =	vld [tilespmem:s16+$0x380];
	s16 =	sadd.s32 s11, s20;
	[tilespmem:s23+$0x80] =	vst v5  }
0x7a: {  	v11 =	vld [tilespmem:s16+$0x0];
	[smem:$0x7ED] =	sst s11  }
0x7b: {  	s1 =	sor.u32 s11, s18;
	v8 =	vmul.f32 $3.200000000e+01, v9;
	v9 =	vld [tilespmem:s24+$0x100]  }
0x7c: {  	v10 =	vld [tilespmem:s1+$0x0]  }
0x7d: {  	v5 =	vadd.f32 v8, v13;
	v8 =	vld [tilespmem:s1+$0x80]  }
0x7e: {  	s12 =	smov.u32 s11;
	s30 =	simm.s32 $0x300;
	s20 =	simm.s32 $0x60;
	v12 =	vmul.f32 $3.200000000e+01, v6;
	v6 =	vld [tilespmem:s1+$0x100]  }
0x7f: {  	v7 =	vmul.f32 $3.200000000e+01, v7;
	s2 =	sand.u32 $0x60, s20;
	s20 =	sand.u32 $0xFFFFFC00, s30;
	s11 =	sadd.s32 $0x2000, s13;
	[tilespmem:s8+$0x80] =	vst v5;
	v5 =	vld [tilespmem:s1+$0x180]  }
0x80: {  	s18 =	sor.u32 $0x10, s2;
	s30 =	sadd.s32 s20, s19;
	v12 =	vadd.f32 v12, v39;
	v17 =	vld [tilespmem:s9+$0x100];
	v9 =	vmul.f32 $3.200000000e+01, v9;
	[smem:$0x7EC] =	sst s11  }
0x81: {  	v7 =	vadd.f32 v7, v2;
	s17 =	sadd.s32 s18, s30;
	s1 =	simm.s32 $0x180;
	[smem:$0x7EE] =	sst s30  }
0x82: {  	s19 =	sadd.s32 s26, s11;
	s7 =	sand.u32 $0x3FFFFE00, s1;
	[tilespmem:s14+$0x380] =	vst v12;
	v20 =	vld [tilespmem:s17+$0x0];
	v9 =	vadd.f32 v9, v37  }
0x83: {  	s13 =	sor.u32 s18, s7;
	[tilespmem:s4+$0x100] =	vst v7;
	v21 =	vld [tilespmem:s19+$0x0]  }
0x84: {  	v12 =	vld [tilespmem:s13+$0x0];
	[tilespmem:s23+$0x100] =	vst v9;
	v9 =	vmul.f32 $3.200000000e+01, v11  }
0x85: {  	v22 =	vld [tilespmem:s3+$0x180];
	v7 =	vmul.f32 $3.200000000e+01, v17  }
0x86: {  	v17 =	vld [tilespmem:s24+$0x180];
	v24 =	vadd.f32 v9, v10  }
0x87: {  	s11 =	sadd.s32 s20, s29;
	s20 =	sadd.s32 s12, s28;
	v11 =	vld [tilespmem:s13+$0x80];
	v20 =	vmul.f32 $3.200000000e+01, v20;
	v23 =	vadd.f32 v7, v16  }
0x88: {  	v9 =	vld [tilespmem:s13+$0x100];
	v21 =	vmul.f32 $3.200000000e+01, v21;
	[tilespmem:s20+$0x0] =	vst v24  }
0x89: {  	v15 =	vmul.f32 $3.200000000e+01, v15;
	s14 =	smov.u32 s28;
	v7 =	vld [tilespmem:s13+$0x180];
	v20 =	vadd.f32 v20, v12;
	[tilespmem:s8+$0x100] =	vst v23  }
0x8a: {  	s28 =	sadd.s32 s18, s11;
	v22 =	vmul.f32 $3.200000000e+01, v22;
	s13 =	sadd.s32 $0x2000, s22;
	v21 =	vadd.f32 v21, v19;
	v23 =	vld [tilespmem:s9+$0x180];
	[smem:$0x7EF] =	sst s11  }
0x8b: {  	v15 =	vadd.f32 v15, v36;
	s26 =	sadd.s32 s26, s13;
	v17 =	vmul.f32 $3.200000000e+01, v17;
	v24 =	vld [tilespmem:s16+$0x80];
	[tilespmem:s28+$0x0] =	vst v20  }
0x8c: {  	v20 =	vadd.f32 v22, v1;
	[tilespmem:s26+$0x0] =	vst v21;
	v22 =	vld [tilespmem:s17+$0x80]  }
0x8d: {  	[tilespmem:s0+$0x200] =	vst v15;
	v15 =	vadd.f32 v17, v3;
	v17 =	vld [tilespmem:s19+$0x80]  }
0x8e: {  	v21 =	vld [tilespmem:s5+$0x280];
	[tilespmem:s4+$0x180] =	vst v20  }
0x8f: {  	v20 =	vld [tilespmem:s3+$0x200];
	[tilespmem:s23+$0x180] =	vst v15;
	v23 =	vmul.f32 $3.200000000e+01, v23  }
0x90: {  	v15 =	vmul.f32 $3.200000000e+01, v24;
	v24 =	vld [tilespmem:s24+$0x200]  }
0x91: {  	v23 =	vadd.f32 v23, v38;
	v22 =	vmul.f32 $3.200000000e+01, v22  }
0x92: {  	v17 =	vmul.f32 $3.200000000e+01, v17;
	v15 =	vadd.f32 v15, v8  }
0x93: {  	v21 =	vmul.f32 $3.200000000e+01, v21;
	[tilespmem:s8+$0x180] =	vst v23;
	v22 =	vadd.f32 v22, v11  }
0x94: {  	v20 =	vmul.f32 $3.200000000e+01, v20;
	v17 =	vadd.f32 v17, v18;
	[tilespmem:s20+$0x80] =	vst v15;
	v15 =	vld [tilespmem:s9+$0x200]  }
0x95: {  	v21 =	vadd.f32 v21, v35;
	v23 =	vld [tilespmem:s16+$0x100];
	v24 =	vmul.f32 $3.200000000e+01, v24;
	[tilespmem:s28+$0x80] =	vst v22  }
0x96: {  	v20 =	vadd.f32 v20, v34;
	[tilespmem:s26+$0x80] =	vst v17;
	v22 =	vld [tilespmem:s17+$0x100]  }
0x97: {  	[tilespmem:s0+$0x280] =	vst v21;
	v21 =	vld [tilespmem:s19+$0x100];
	v17 =	vadd.f32 v24, v41  }
0x98: {  	v24 =	vld [tilespmem:s5+$0x300];
	[tilespmem:s4+$0x200] =	vst v20  }
0x99: {  	v20 =	vld [tilespmem:s3+$0x280];
	v15 =	vmul.f32 $3.200000000e+01, v15;
	[tilespmem:s23+$0x200] =	vst v17  }
0x9a: {  	v17 =	vmul.f32 $3.200000000e+01, v23;
	v23 =	vld [tilespmem:s24+$0x280]  }
0x9b: {  	v14 =	vadd.f32 v15, v14;
	v15 =	vmul.f32 $3.200000000e+01, v22  }
0x9c: {  	v21 =	vmul.f32 $3.200000000e+01, v21;
	v17 =	vadd.f32 v17, v6  }
0x9d: {  	v22 =	vmul.f32 $3.200000000e+01, v24;
	[tilespmem:s8+$0x200] =	vst v14;
	v14 =	vadd.f32 v15, v9  }
0x9e: {  	v15 =	vmul.f32 $3.200000000e+01, v20;
	v20 =	vadd.f32 v21, v25;
	[tilespmem:s20+$0x100] =	vst v17;
	v17 =	vld [tilespmem:s9+$0x280]  }
0x9f: {  	v21 =	vadd.f32 v22, v33;
	v22 =	vld [tilespmem:s16+$0x180];
	v23 =	vmul.f32 $3.200000000e+01, v23;
	[tilespmem:s28+$0x100] =	vst v14  }
0xa0: {  	v14 =	vadd.f32 v15, v4;
	[tilespmem:s26+$0x100] =	vst v20;
	v15 =	vld [tilespmem:s17+$0x180]  }
0xa1: {  	[tilespmem:s0+$0x300] =	vst v21;
	v21 =	vld [tilespmem:s19+$0x180];
	v20 =	vadd.f32 v23, v40  }
0xa2: {  	v23 =	vld [tilespmem:s5+$0x380];
	[tilespmem:s4+$0x280] =	vst v14  }
0xa3: {  	s1 =	smov.u32 s29;
	v14 =	vld [tilespmem:s3+$0x300];
	v17 =	vmul.f32 $3.200000000e+01, v17;
	[tilespmem:s23+$0x280] =	vst v20  }
0xa4: {  	v20 =	vmul.f32 $3.200000000e+01, v22;
	v22 =	vld [tilespmem:s24+$0x300];
	[dreg:$0x6] =	wrdreg s1  }
0xa5: {  	s30 =	sadd.s32 s2, s30;
	[smem:$0x7F0] =	sst s2;
	v13 =	vadd.f32 v17, v13;
	v26 =	vmul.f32 $3.200000000e+01, v15  }
0xa6: {  	s22 =	sor.u32 s2, s7;
	v24 =	vld [tilespmem:s30+$0x0];
	v21 =	vmul.f32 $3.200000000e+01, v21;
	v20 =	vadd.f32 v20, v5  }
0xa7: {  	v17 =	vld [tilespmem:s22+$0x0];
	[tilespmem:s8+$0x280] =	vst v13;
	v13 =	vadd.f32 v26, v7  }
0xa8: {  	v21 =	vadd.f32 v21, v39;
	[tilespmem:s20+$0x180] =	vst v20;
	v20 =	vld [tilespmem:s9+$0x300]  }
0xa9: {  	v26 =	vld [tilespmem:s16+$0x200];
	v22 =	vmul.f32 $3.200000000e+01, v22;
	[tilespmem:s28+$0x180] =	vst v13  }
0xaa: {  	v13 =	vmul.f32 $3.200000000e+01, v14;
	[tilespmem:s26+$0x180] =	vst v21;
	v27 =	vld [tilespmem:s17+$0x200]  }
0xab: {  	v21 =	vmul.f32 $3.200000000e+01, v23;
	v23 =	vld [tilespmem:s19+$0x200];
	v22 =	vadd.f32 v22, v37  }
0xac: {  	v24 =	vmul.f32 $3.200000000e+01, v24;
	v28 =	vadd.f32 v13, v2  }
0xad: {  	v15 =	vld [tilespmem:s22+$0x80];
	v21 =	vadd.f32 v21, v0;
	v20 =	vmul.f32 $3.200000000e+01, v20;
	[tilespmem:s23+$0x300] =	vst v22  }
0xae: {  	v14 =	vld [tilespmem:s22+$0x100];
	v24 =	vadd.f32 v24, v17;
	[tilespmem:s4+$0x300] =	vst v28;
	v26 =	vmul.f32 $3.200000000e+01, v26  }
0xaf: {  	s31 =	sadd.s32 s2, s11;
	v13 =	vld [tilespmem:s22+$0x180];
	[tilespmem:s0+$0x380] =	vst v21;
	v16 =	vadd.f32 v20, v16;
	v20 =	vmul.f32 $3.200000000e+01, v27  }
0xb0: {  	v22 =	vld [tilespmem:s24+$0x380];
	[tilespmem:s31+$0x0] =	vst v24;
	v23 =	vmul.f32 $3.200000000e+01, v23;
	v24 =	vadd.f32 v26, v10  }
0xb1: {  	s25 =	sadd.s32 s10, s25;
	v28 =	vld [tilespmem:s3+$0x380];
	[tilespmem:s8+$0x300] =	vst v16;
	v16 =	vadd.f32 v20, v12  }
0xb2: {  	v21 =	vld [tilespmem:s25+$0x0];
	v19 =	vadd.f32 v23, v19;
	[tilespmem:s20+$0x200] =	vst v24  }
0xb3: {  	s7 =	simm.s32 $0x400;
	v26 =	vld [tilespmem:s30+$0x80];
	[tilespmem:s28+$0x200] =	vst v16  }
0xb4: {  	s11 =	sand.u32 $0xFFFFFC00, s7;
	s3 =	simm.s32 $0x80;
	v42 =	vld [tilespmem:s9+$0x380];
	[tilespmem:s26+$0x200] =	vst v19  }
0xb5: {  	s5 =	simm.s32 $0x200;
	s9 =	sand.u32 $0x60, s3;
	v20 =	vld [tilespmem:s16+$0x280];
	v22 =	vmul.f32 $3.200000000e+01, v22;
	s22 =	rddreg [dreg:$0x7]  }
0xb6: {  	s0 =	sand.u32 $0x3FFFFE00, s5;
	s3 =	sor.u32 $0x10, s9;
	v16 =	vld [tilespmem:s17+$0x280];
	s12 =	sld [smem:$0x7EB]  }
0xb7: {  	v23 =	vld [tilespmem:s19+$0x280];
	s29 =	sor.u32 s3, s0;
	v19 =	vadd.f32 v22, v3;
	s2 =	sadd.s32 s11, s22  }
0xb8: {  	v22 =	vld [tilespmem:s29+$0x0];
	s24 =	sadd.s32 s3, s2  }
0xb9: {  	s7 =	sadd.s32 $0x2000, s12;
	[tilespmem:s23+$0x380] =	vst v19;
	v19 =	vmul.f32 $3.200000000e+01, v21;
	v24 =	vld [tilespmem:s24+$0x0]  }
0xba: {  	s23 =	smov.u32 s25;
	v21 =	vld [tilespmem:s29+$0x80];
	s25 =	sadd.s32 s6, s7;
	v20 =	vmul.f32 $3.200000000e+01, v20  }
0xbb: {  	v27 =	vld [tilespmem:s25+$0x0];
	v29 =	vadd.f32 v19, v36;
	v30 =	vmul.f32 $3.200000000e+01, v16  }
0xbc: {  	s12 =	sadd.s32 s10, s15;
	v19 =	vld [tilespmem:s29+$0x100];
	v23 =	vmul.f32 $3.200000000e+01, v23;
	v20 =	vadd.f32 v20, v8  }
0xbd: {  	v26 =	vmul.f32 $3.200000000e+01, v26;
	v16 =	vld [tilespmem:s29+$0x180];
	[tilespmem:s12+$0x0] =	vst v29;
	v29 =	vadd.f32 v30, v11  }
0xbe: {  	v18 =	vadd.f32 v23, v18;
	v30 =	vld [tilespmem:s23+$0x80];
	[tilespmem:s20+$0x280] =	vst v20  }
0xbf: {  	v20 =	vadd.f32 v26, v15;
	v23 =	vld [tilespmem:s16+$0x300];
	[tilespmem:s28+$0x280] =	vst v29  }
0xc0: {  	v24 =	vmul.f32 $3.200000000e+01, v24;
	[tilespmem:s26+$0x280] =	vst v18;
	v26 =	vld [tilespmem:s17+$0x300]  }
0xc1: {  	s0 =	sor.u32 s9, s0;
	[tilespmem:s31+$0x80] =	vst v20;
	v20 =	vld [tilespmem:s19+$0x300]  }
0xc2: {  	s29 =	sadd.s32 s11, s1;
	v18 =	vmul.f32 $3.200000000e+01, v27;
	v29 =	vadd.f32 v24, v22;
	v24 =	vld [tilespmem:s0+$0x0]  }
0xc3: {  	s1 =	sadd.s32 s3, s29;
	v27 =	vld [tilespmem:s30+$0x100];
	[dreg:$0xb] =	wrdreg s3  }
0xc4: {  	s11 =	sadd.s32 $0x2000, s14;
	v18 =	vadd.f32 v18, v41;
	[tilespmem:s1+$0x0] =	vst v29  }
0xc5: {  	s10 =	sadd.s32 s6, s11;
	v29 =	vld [tilespmem:s24+$0x80];
	v31 =	vmul.f32 $3.200000000e+01, v23  }
0xc6: {  	v23 =	vld [tilespmem:s0+$0x80];
	[tilespmem:s10+$0x0] =	vst v18;
	v18 =	vmul.f32 $3.200000000e+01, v26  }
0xc7: {  	v32 =	vmul.f32 $3.200000000e+01, v20;
	v20 =	vld [tilespmem:s0+$0x100];
	v26 =	vadd.f32 v31, v6  }
0xc8: {  	v31 =	vld [tilespmem:s25+$0x80];
	v43 =	vadd.f32 v18, v9  }
0xc9: {  	v27 =	vmul.f32 $3.200000000e+01, v27;
	v18 =	vld [tilespmem:s0+$0x180];
	v25 =	vadd.f32 v32, v25;
	[tilespmem:s20+$0x300] =	vst v26  }
0xca: {  	v30 =	vmul.f32 $3.200000000e+01, v30;
	v26 =	vld [tilespmem:s16+$0x380];
	[tilespmem:s28+$0x300] =	vst v43  }
0xcb: {  	v28 =	vmul.f32 $3.200000000e+01, v28;
	v27 =	vadd.f32 v27, v14;
	[tilespmem:s26+$0x300] =	vst v25;
	v43 =	vld [tilespmem:s17+$0x380]  }
0xcc: {  	v29 =	vmul.f32 $3.200000000e+01, v29;
	v25 =	vadd.f32 v30, v35;
	s16 =	sadd.s32 s9, s2;
	v44 =	vld [tilespmem:s19+$0x380];
	[dreg:$0xd] =	wrdreg s2  }
0xcd: {  	v28 =	vadd.f32 v28, v1;
	v30 =	vmul.f32 $3.200000000e+01, v31;
	[tilespmem:s31+$0x100] =	vst v27;
	v27 =	vld [tilespmem:s16+$0x0]  }
0xce: {  	v29 =	vadd.f32 v29, v21;
	s19 =	simm.s32 $0xA0;
	[tilespmem:s12+$0x80] =	vst v25;
	v25 =	vld [tilespmem:s30+$0x180]  }
0xcf: {  	s2 =	simm.s32 $0x280;
	s15 =	sand.u32 $0x60, s19;
	[tilespmem:s4+$0x380] =	vst v28;
	v30 =	vadd.f32 v30, v40  }
0xd0: {  	s0 =	sand.u32 $0x3FFFFE00, s2;
	v31 =	vld [tilespmem:s23+$0x100];
	[tilespmem:s1+$0x80] =	vst v29;
	s14 =	sor.u32 $0x10, s15  }
0xd1: {  	v29 =	vld [tilespmem:s24+$0x100];
	s3 =	sor.u32 s14, s0;
	[tilespmem:s10+$0x80] =	vst v30  }
0xd2: {  	s17 =	smov.u32 s1;
	v28 =	vld [tilespmem:s3+$0x80];
	s1 =	sld [smem:$0x7EC]  }
0xd3: {  	v61 =	vld [tilespmem:s25+$0x100];
	v27 =	vmul.f32 $3.200000000e+01, v27;
	v25 =	vmul.f32 $3.200000000e+01, v25  }
0xd4: {  	v30 =	vld [tilespmem:s3+$0x0]  }
0xd5: {  	v31 =	vmul.f32 $3.200000000e+01, v31;
	v46 =	vadd.f32 v27, v24;
	s4 =	sadd.s32 s21, s1;
	v47 =	vadd.f32 v25, v13;
	v25 =	vld [tilespmem:s3+$0x100]  }
0xd6: {  	s2 =	smov.u32 s9;
	s9 =	sadd.s32 s9, s29;
	v29 =	vmul.f32 $3.200000000e+01, v29;
	v45 =	vld [tilespmem:s4+$0x0];
	[dreg:$0xe] =	wrdreg s29  }
0xd7: {  	v31 =	vadd.f32 v31, v33;
	[tilespmem:s9+$0x0] =	vst v46  }
0xd8: {  	v29 =	vadd.f32 v29, v19;
	v32 =	vmul.f32 $3.200000000e+01, v61;
	[tilespmem:s31+$0x180] =	vst v47;
	v46 =	vld [tilespmem:s16+$0x80]  }
0xd9: {  	[tilespmem:s12+$0x100] =	vst v31;
	v31 =	vld [tilespmem:s30+$0x200]  }
0xda: {  	[tilespmem:s17+$0x100] =	vst v29;
	v32 =	vadd.f32 v32, v37  }
0xdb: {  	v50 =	vmul.f32 $3.200000000e+01, v26;
	v29 =	vld [tilespmem:s24+$0x180]  }
0xdc: {  	v45 =	vmul.f32 $3.200000000e+01, v45;
	[tilespmem:s10+$0x100] =	vst v32  }
0xdd: {  	v54 =	vadd.f32 v50, v5;
	v63 =	vld [tilespmem:s25+$0x180];
	v46 =	vmul.f32 $3.200000000e+01, v46  }
0xde: {  	v45 =	vadd.f32 v45, v34;
	v49 =	vmul.f32 $3.200000000e+01, v31  }
0xdf: {  	s0 =	sor.u32 s15, s0;
	v27 =	vld [tilespmem:s3+$0x180];
	s3 =	sadd.s32 s21, s13;
	[tilespmem:s20+$0x380] =	vst v54;
	v46 =	vadd.f32 v46, v23  }
0xe0: {  	v26 =	vld [tilespmem:s0+$0x100];
	v51 =	vmul.f32 $3.200000000e+01, v29;
	[tilespmem:s3+$0x0] =	vst v45;
	v49 =	vadd.f32 v49, v17  }
0xe1: {  	v42 =	vmul.f32 $3.200000000e+01, v42;
	v62 =	vld [tilespmem:s23+$0x180];
	[tilespmem:s9+$0x80] =	vst v46  }
0xe2: {  	v48 =	vld [tilespmem:s4+$0x80];
	v56 =	vadd.f32 v51, v16;
	v45 =	vmul.f32 $3.200000000e+01, v63;
	[tilespmem:s31+$0x200] =	vst v49  }
0xe3: {  	v38 =	vadd.f32 v42, v38;
	v32 =	vld [tilespmem:s0+$0x0];
	s5 =	sld [smem:$0x7ED]  }
0xe4: {  	v55 =	vld [tilespmem:s16+$0x100];
	[tilespmem:s17+$0x180] =	vst v56;
	v45 =	vadd.f32 v45, v3  }
0xe5: {  	v43 =	vmul.f32 $3.200000000e+01, v43;
	s20 =	simm.s32 $0x500;
	v57 =	vld [tilespmem:s30+$0x280];
	[tilespmem:s8+$0x380] =	vst v38  }
0xe6: {  	s21 =	sand.u32 $0xFFFFFC00, s20;
	v47 =	vmul.f32 $3.200000000e+01, v62;
	s1 =	sadd.s32 s5, s7;
	[tilespmem:s10+$0x180] =	vst v45;
	v45 =	vld [tilespmem:s24+$0x200]  }
0xe7: {  	v43 =	vadd.f32 v43, v7;
	s6 =	sadd.s32 s21, s22;
	v58 =	vmul.f32 $3.200000000e+01, v48;
	v59 =	vld [tilespmem:s1+$0x0];
	s22 =	sld [smem:$0x7EE]  }
0xe8: {  	v61 =	vmul.f32 $3.200000000e+01, v44;
	v31 =	vld [tilespmem:s0+$0x80];
	v63 =	vadd.f32 v47, v0  }
0xe9: {  	v29 =	vld [tilespmem:s0+$0x180];
	[tilespmem:s28+$0x380] =	vst v43;
	v60 =	vadd.f32 v58, v4;
	v52 =	vmul.f32 $3.200000000e+01, v55  }
0xea: {  	v39 =	vadd.f32 v61, v39;
	v62 =	vld [tilespmem:s25+$0x200];
	[tilespmem:s12+$0x180] =	vst v63;
	v54 =	vmul.f32 $3.200000000e+01, v57;
	s0 =	sadd.s32 $0x2000, s22;
	s22 =	sadd.s32 s14, s6  }
0xeb: {  	s13 =	smov.u32 s15;
	[tilespmem:s3+$0x80] =	vst v60;
	v57 =	vadd.f32 v52, v20;
	v53 =	vld [tilespmem:s22+$0x0];
	v45 =	vmul.f32 $3.200000000e+01, v45  }
0xec: {  	s20 =	sadd.s32 s13, s6;
	[tilespmem:s26+$0x380] =	vst v39;
	v38 =	vadd.f32 v54, v15;
	v56 =	vld [tilespmem:s4+$0x100];
	v58 =	vmul.f32 $3.200000000e+01, v59  }
0xed: {  	v61 =	vld [tilespmem:s20+$0x0];
	[tilespmem:s9+$0x100] =	vst v57;
	v45 =	vadd.f32 v45, v22  }
0xee: {  	s7 =	sadd.s32 s18, s0;
	v59 =	vld [tilespmem:s23+$0x200];
	[tilespmem:s31+$0x280] =	vst v38;
	v60 =	vadd.f32 v58, v10  }
0xef: {  	s15 =	sadd.s32 s5, s11;
	v55 =	vld [tilespmem:s7+$0x0];
	v44 =	vmul.f32 $3.200000000e+01, v62;
	[tilespmem:s17+$0x200] =	vst v45  }
0xf0: {  	v62 =	vld [tilespmem:s16+$0x180];
	v63 =	vmul.f32 $3.200000000e+01, v53;
	[tilespmem:s15+$0x0] =	vst v60  }
0xf1: {  	s8 =	smov.u32 s9;
	v49 =	vld [tilespmem:s30+$0x300];
	v41 =	vadd.f32 v44, v41;
	v43 =	vmul.f32 $3.200000000e+01, v56;
	s9 =	rddreg [dreg:$0x6]  }
0xf2: {  	v47 =	vmul.f32 $3.200000000e+01, v61;
	v52 =	vld [tilespmem:s24+$0x280];
	s28 =	sadd.s32 s21, s9;
	v51 =	vadd.f32 v63, v30  }
0xf3: {  	v50 =	vld [tilespmem:s1+$0x80];
	v39 =	vmul.f32 $3.200000000e+01, v59;
	s26 =	sld [smem:$0x7EF];
	[tilespmem:s10+$0x200] =	vst v41;
	v43 =	vadd.f32 v43, v2;
	s29 =	sadd.s32 s14, s28  }
0xf4: {  	v56 =	vadd.f32 v47, v32;
	v42 =	vmul.f32 $3.200000000e+01, v55;
	v53 =	vld [tilespmem:s25+$0x280];
	[tilespmem:s29+$0x0] =	vst v51  }
0xf5: {  	s21 =	smov.u32 s14;
	v38 =	vmul.f32 $3.200000000e+01, v62;
	v36 =	vadd.f32 v39, v36;
	s14 =	smov.u32 s13;
	s13 =	sadd.s32 s13, s28;
	[tilespmem:s3+$0x100] =	vst v43;
	v54 =	vld [tilespmem:s22+$0x80]  }
0xf6: {  	v55 =	vmul.f32 $3.200000000e+01, v49;
	v42 =	vadd.f32 v42, v12;
	s5 =	sadd.s32 $0x2000, s26;
	[tilespmem:s13+$0x0] =	vst v56;
	v58 =	vld [tilespmem:s4+$0x180]  }
0xf7: {  	v59 =	vadd.f32 v38, v18;
	s11 =	sadd.s32 s18, s5;
	[tilespmem:s12+$0x200] =	vst v36;
	v41 =	vmul.f32 $3.200000000e+01, v52;
	v63 =	vld [tilespmem:s20+$0x80]  }
0xf8: {  	[tilespmem:s11+$0x0] =	vst v42;
	v60 =	vmul.f32 $3.200000000e+01, v50;
	v61 =	vld [tilespmem:s23+$0x280];
	v42 =	vadd.f32 v55, v14  }
0xf9: {  	[tilespmem:s8+$0x180] =	vst v59;
	v57 =	vld [tilespmem:s7+$0x80];
	v48 =	vmul.f32 $3.200000000e+01, v53;
	v41 =	vadd.f32 v41, v21  }
0xfa: {  	v49 =	vld [tilespmem:s16+$0x200];
	v62 =	vadd.f32 v60, v8;
	[tilespmem:s31+$0x300] =	vst v42;
	v39 =	vmul.f32 $3.200000000e+01, v54  }
0xfb: {  	v50 =	vld [tilespmem:s30+$0x380];
	v51 =	vadd.f32 v48, v40;
	[tilespmem:s17+$0x280] =	vst v41;
	v53 =	vmul.f32 $3.200000000e+01, v58  }
0xfc: {  	[tilespmem:s15+$0x80] =	vst v62;
	v38 =	vmul.f32 $3.200000000e+01, v63;
	v39 =	vadd.f32 v39, v28  }
0xfd: {  	v55 =	vmul.f32 $3.200000000e+01, v61;
	[tilespmem:s10+$0x280] =	vst v51;
	v43 =	vadd.f32 v53, v1  }
0xfe: {  	v52 =	vmul.f32 $3.200000000e+01, v57;
	v38 =	vadd.f32 v38, v31;
	[tilespmem:s29+$0x80] =	vst v39  }
0xff: {  	v54 =	vld [tilespmem:s1+$0x100];
	v59 =	vmul.f32 $3.200000000e+01, v49;
	v35 =	vadd.f32 v55, v35;
	[tilespmem:s3+$0x180] =	vst v43  }
0x100: {  	v40 =	vadd.f32 v52, v11;
	v61 =	vmul.f32 $3.200000000e+01, v50;
	[tilespmem:s13+$0x80] =	vst v38  }
0x101: {  	v56 =	vld [tilespmem:s24+$0x300];
	v62 =	vadd.f32 v59, v24;
	[tilespmem:s12+$0x280] =	vst v35  }
0x102: {  	v57 =	vld [tilespmem:s25+$0x300];
	[tilespmem:s11+$0x80] =	vst v40;
	v49 =	vadd.f32 v61, v13  }
0x103: {  	v58 =	vld [tilespmem:s22+$0x100];
	[tilespmem:s8+$0x200] =	vst v62  }
0x104: {  	v48 =	vld [tilespmem:s4+$0x200];
	v63 =	vmul.f32 $3.200000000e+01, v54;
	[tilespmem:s31+$0x380] =	vst v49  }
0x105: {  	v60 =	vld [tilespmem:s7+$0x100];
	s30 =	sld [smem:$0x7F0]  }
0x106: {  	v36 =	vmul.f32 $3.200000000e+01, v56;
	v51 =	vld [tilespmem:s20+$0x100];
	v52 =	vadd.f32 v63, v6  }
0x107: {  	v50 =	vld [tilespmem:s23+$0x300]  }
0x108: {  	v39 =	vmul.f32 $3.200000000e+01, v57;
	v54 =	vld [tilespmem:s16+$0x280];
	v36 =	vadd.f32 v36, v19;
	[tilespmem:s15+$0x100] =	vst v52;
	s31 =	sadd.s32 s30, s0  }
0x109: {  	v53 =	vmul.f32 $3.200000000e+01, v58;
	v55 =	vld [tilespmem:s31+$0x0];
	[dreg:$0x1e] =	wrdreg s1  }
0x10a: {  	v56 =	vadd.f32 v39, v37;
	v42 =	vmul.f32 $3.200000000e+01, v60;
	v57 =	vld [tilespmem:s1+$0x180];
	[tilespmem:s17+$0x300] =	vst v36  }
0x10b: {  	v58 =	vmul.f32 $3.200000000e+01, v48;
	v38 =	vadd.f32 v53, v25;
	v37 =	vld [tilespmem:s24+$0x380];
	[dreg:$0x12] =	wrdreg s10  }
0x10c: {  	v59 =	vadd.f32 v42, v9;
	[tilespmem:s10+$0x300] =	vst v56  }
0x10d: {  	v60 =	vmul.f32 $3.200000000e+01, v50;
	v62 =	vadd.f32 v58, v34;
	[tilespmem:s29+$0x100] =	vst v38;
	v35 =	vld [tilespmem:s25+$0x380]  }
0x10e: {  	v61 =	vmul.f32 $3.200000000e+01, v51;
	[tilespmem:s11+$0x100] =	vst v59;
	v39 =	vld [tilespmem:s22+$0x180]  }
0x10f: {  	s9 =	smov.u32 s15;
	v63 =	vmul.f32 $3.200000000e+01, v54;
	v43 =	vadd.f32 v60, v33;
	[tilespmem:s3+$0x200] =	vst v62;
	v34 =	vld [tilespmem:s7+$0x180]  }
0x110: {  	s26 =	smov.u32 s20;
	v41 =	vadd.f32 v61, v26;
	s18 =	sadd.s32 s30, s5;
	v33 =	vld [tilespmem:s4+$0x280];
	[dreg:$0x1d] =	wrdreg s12  }
0x111: {  	s1 =	smov.u32 s3;
	v40 =	vadd.f32 v63, v23;
	s24 =	simm.s32 $0xA;
	s3 =	smov.u32 s13;
	v38 =	vmul.f32 $3.200000000e+01, v55;
	[tilespmem:s12+$0x300] =	vst v43;
	v36 =	vmul.f32 $3.200000000e+01, v57  }
.LBB2_3:
0x112: {  	s12 =	rddreg [dreg:$0x7]  }
0x113: {  	s0 =	smov.u32 s4;
	s15 =	rddreg [dreg:$0xd]  }
0x114: {  	s24 =	sadd.s32 $0x2, s24;
	s20 =	smov.u32 s31;
	[tilespmem:s3+$0x100] =	vst v41;
	[smem:$0x7E8] =	sst s0  }
0x115: {  	v39 =	vmul.f32 $3.200000000e+01, v39;
	v38 =	vadd.f32 v38, v17;
	s13 =	sshll.u32 s24, $0x6;
	s5 =	sshll.u32 s24, $0x7;
	s19 =	sadd.s32 $0x20, s19;
	v41 =	vld [tilespmem:s23+$0x380]  }
0x116: {  	v36 =	vadd.f32 v36, v5;
	v42 =	vld [tilespmem:s26+$0x180];
	[tilespmem:s8+$0x280] =	vst v40;
	v37 =	vmul.f32 $3.200000000e+01, v37;
	s4 =	sand.u32 $0x3FFFFE00, s13;
	s10 =	sand.u32 $0xFFFFFC00, s5;
	s0 =	sand.u32 $0x60, s19  }
0x117: {  	[smem:$0x7E9] =	sst s19;
	v39 =	vadd.f32 v39, v27;
	v40 =	vld [tilespmem:s16+$0x300];
	[tilespmem:s18+$0x0] =	vst v38;
	v34 =	vmul.f32 $3.200000000e+01, v34;
	s30 =	sadd.s32 s10, s12;
	s5 =	sor.u32 $0x10, s0  }
0x118: {  	s19 =	smov.u32 s6;
	s23 =	sor.u32 s0, s4;
	v37 =	vadd.f32 v37, v16;
	v38 =	vld [tilespmem:s31+$0x80];
	[tilespmem:s9+$0x180] =	vst v36;
	v33 =	vmul.f32 $3.200000000e+01, v33;
	s12 =	sor.u32 s5, s4  }
0x119: {  	v35 =	vmul.f32 $3.200000000e+01, v35;
	[dreg:$0xd] =	wrdreg s19;
	s19 =	smov.u32 s16;
	s25 =	sadd.s32 s5, s30;
	v34 =	vadd.f32 v34, v7;
	v63 =	vld [tilespmem:s12+$0x0];
	[tilespmem:s29+$0x180] =	vst v39  }
0x11a: {  	s16 =	smov.u32 s21;
	s21 =	rddreg [dreg:$0xb];
	s4 =	sadd.s32 $0x2000, s15;
	v33 =	vadd.f32 v33, v4;
	v39 =	vld [tilespmem:s25+$0x0];
	[tilespmem:s17+$0x380] =	vst v37;
	v44 =	vmul.f32 $3.200000000e+01, v41  }
0x11b: {  	s31 =	sadd.s32 s0, s30;
	s15 =	smov.u32 s30;
	v35 =	vadd.f32 v35, v3;
	v3 =	vmovc v7;
	v7 =	vmovc v16;
	v16 =	vmov v27;
	s30 =	sadd.s32 s21, s4;
	v27 =	vmul.f32 $3.200000000e+01, v42;
	v45 =	vld [tilespmem:s22+$0x200];
	[tilespmem:s11+$0x180] =	vst v34  }
0x11c: {  	s13 =	smov.u32 s9;
	s9 =	rddreg [dreg:$0x12];
	[tilespmem:s1+$0x280] =	vst v33;
	v47 =	vld [tilespmem:s30+$0x0];
	v48 =	vadd.f32 v44, v0;
	v0 =	vmov v1  }
0x11d: {  	[tilespmem:s9+$0x380] =	vst v35;
	v1 =	vmovc v5;
	v27 =	vadd.f32 v27, v29;
	v5 =	vmovc v13;
	v13 =	vmov v18;
	v18 =	vmov v29;
	v29 =	vld [tilespmem:s31+$0x0]  }
0x11e: {  	[smem:$0x7EA] =	sst s15;
	s15 =	sadd.s32 s2, s4;
	s4 =	smov.u32 s20;
	v46 =	vmul.f32 $3.200000000e+01, v40;
	v49 =	vld [tilespmem:s7+$0x200]  }
0x11f: {  	v4 =	vmovc v8;
	v8 =	vmovc v15;
	v15 =	vmov v23;
	v23 =	vmov v31;
	s20 =	smov.u32 s1;
	s9 =	smov.u32 s15;
	v31 =	vmul.f32 $3.200000000e+01, v38;
	s15 =	rddreg [dreg:$0x1d];
	v52 =	vld [tilespmem:s12+$0x80]  }
0x120: {  	s6 =	smov.u32 s13;
	v34 =	vadd.f32 v46, v20;
	v40 =	vld [tilespmem:s12+$0x100];
	[tilespmem:s15+$0x380] =	vst v48;
	s15 =	smov.u32 s20;
	v50 =	vmul.f32 $3.200000000e+01, v39  }
0x121: {  	s20 =	smov.u32 s6;
	s6 =	smov.u32 s18;
	s18 =	rddreg [dreg:$0x6];
	v33 =	vld [tilespmem:s23+$0x0];
	[tilespmem:s3+$0x180] =	vst v27;
	v27 =	vadd.f32 v31, v8  }
0x122: {  	s17 =	rddreg [dreg:$0x1e];
	s1 =	smov.u32 s11;
	s11 =	sadd.s32 s10, s18;
	v31 =	vld [tilespmem:s23+$0x80];
	v51 =	vmul.f32 $3.200000000e+01, v45;
	[tilespmem:s8+$0x300] =	vst v34;
	v35 =	vadd.f32 v50, v63  }
0x123: {  	s13 =	smov.u32 s17;
	s17 =	smov.u32 s29;
	s29 =	sadd.s32 s5, s11;
	v53 =	vmul.f32 $3.200000000e+01, v47;
	[tilespmem:s6+$0x80] =	vst v27;
	v27 =	vld [tilespmem:s12+$0x180]  }
0x124: {  	s18 =	rddreg [dreg:$0xe];
	v29 =	vmul.f32 $3.200000000e+01, v29;
	v38 =	vadd.f32 v51, v30;
	v37 =	vmul.f32 $3.200000000e+01, v49;
	v42 =	vld [tilespmem:s23+$0x100];
	[tilespmem:s29+$0x0] =	vst v35  }
0x125: {  	s10 =	sadd.s32 s0, s11;
	s12 =	sadd.s32 $0x2000, s18;
	v54 =	vadd.f32 v53, v22;
	v55 =	vld [tilespmem:s25+$0x80]  }
0x126: {  	s18 =	smov.u32 s28;
	s28 =	smov.u32 s11;
	s11 =	sadd.s32 s21, s12;
	[tilespmem:s17+$0x200] =	vst v38;
	v37 =	vadd.f32 v37, v12;
	v56 =	vadd.f32 v29, v33;
	v29 =	vld [tilespmem:s23+$0x180]  }
0x127: {  	v38 =	vld [tilespmem:s22+$0x280];
	[tilespmem:s11+$0x0] =	vst v54  }
0x128: {  	v35 =	vld [tilespmem:s30+$0x80];
	[tilespmem:s1+$0x200] =	vst v37  }
0x129: {  	[tilespmem:s10+$0x0] =	vst v56;
	v37 =	vld [tilespmem:s7+$0x280]  }
0x12a: {  	v58 =	vld [tilespmem:s31+$0x80]  }
0x12b: {  	v57 =	vmul.f32 $3.200000000e+01, v55  }
0x12c: {  	v59 =	vld [tilespmem:s26+$0x200];
	v38 =	vmul.f32 $3.200000000e+01, v38  }
0x12d: {  	v43 =	vld [tilespmem:s19+$0x380];
	v36 =	vadd.f32 v57, v52;
	v35 =	vmul.f32 $3.200000000e+01, v35  }
0x12e: {  	v60 =	vld [tilespmem:s4+$0x100];
	v38 =	vadd.f32 v38, v28;
	v37 =	vmul.f32 $3.200000000e+01, v37  }
0x12f: {  	v50 =	vld [tilespmem:s13+$0x200];
	v61 =	vmul.f32 $3.200000000e+01, v58;
	[tilespmem:s29+$0x80] =	vst v36;
	v35 =	vadd.f32 v35, v21  }
0x130: {  	v44 =	vld [tilespmem:s25+$0x100];
	[tilespmem:s17+$0x280] =	vst v38;
	v37 =	vadd.f32 v37, v11  }
0x131: {  	s23 =	sld [smem:$0x7E8];
	v62 =	vmul.f32 $3.200000000e+01, v59;
	v34 =	vadd.f32 v61, v31;
	v38 =	vld [tilespmem:s22+$0x300];
	[tilespmem:s11+$0x80] =	vst v35  }
0x132: {  	v12 =	vmovc v22;
	v22 =	vmov v30;
	v30 =	vmov v63;
	v48 =	vmul.f32 $3.200000000e+01, v43;
	v63 =	vld [tilespmem:s30+$0x100];
	[tilespmem:s1+$0x280] =	vst v37  }
0x133: {  	s21 =	smov.u32 s16;
	v36 =	vmul.f32 $3.200000000e+01, v60;
	v35 =	vadd.f32 v62, v32;
	[tilespmem:s10+$0x80] =	vst v34;
	v49 =	vld [tilespmem:s7+$0x300]  }
0x134: {  	[dreg:$0xb] =	wrdreg s21;
	s21 =	smov.u32 s5;
	s5 =	smov.u32 s31;
	v58 =	vmul.f32 $3.200000000e+01, v50;
	v11 =	vmovc v21;
	v21 =	vmovc v28;
	v28 =	vmov v52;
	v37 =	vadd.f32 v48, v13;
	v52 =	vld [tilespmem:s23+$0x300]  }
0x135: {  	[dreg:$0x1e] =	wrdreg s4;
	s16 =	smov.u32 s26;
	v36 =	vadd.f32 v36, v14;
	v45 =	vld [tilespmem:s5+$0x100];
	[tilespmem:s3+$0x200] =	vst v35;
	v51 =	vmul.f32 $3.200000000e+01, v44  }
0x136: {  	[dreg:$0xe] =	wrdreg s18;
	s18 =	sadd.s32 s2, s12;
	s12 =	smov.u32 s6;
	v43 =	vadd.f32 v58, v10;
	v54 =	vld [tilespmem:s16+$0x280];
	[tilespmem:s8+$0x380] =	vst v37;
	v53 =	vmul.f32 $3.200000000e+01, v38  }
0x137: {  	[dreg:$0x12] =	wrdreg s1;
	v46 =	vld [tilespmem:s9+$0x0];
	[tilespmem:s12+$0x100] =	vst v36;
	v34 =	vadd.f32 v51, v40;
	v55 =	vmul.f32 $3.200000000e+01, v63  }
0x138: {  	p0 =	slt.u32 s24, $0x1E;
	[dreg:$0x1d] =	wrdreg s15;
	v10 =	vmov v17;
	v47 =	vld [tilespmem:s4+$0x180];
	[tilespmem:s20+$0x200] =	vst v43;
	v35 =	vadd.f32 v53, v25;
	v56 =	vmul.f32 $3.200000000e+01, v49  }
.Ltmp0:
0x139: {  	s6 =	sld [smem:$0x7EA];
	v17 =	vmovc v24;
	v24 =	vmovc v32;
	v32 =	vmov v33;
	v33 =	vld [tilespmem:s13+$0x280];
	v60 =	vmul.f32 $3.200000000e+01, v52;
	[tilespmem:s29+$0x100] =	vst v34;
	v57 =	vadd.f32 v55, v19;
	(pc) =	sbr.rel @p0 .LBB2_3-.Ltmp0, $4  }
0x13a: {  	s2 =	smov.u32 s14;
	s14 =	smov.u32 s0;
	s19 =	sld [smem:$0x7E9];
	v61 =	vmul.f32 $3.200000000e+01, v45;
	v39 =	vld [tilespmem:s25+$0x180];
	[tilespmem:s17+$0x300] =	vst v35;
	v59 =	vadd.f32 v56, v9  }
0x13b: {  	s31 =	smov.u32 s9;
	s26 =	smov.u32 s5;
	s8 =	smov.u32 s3;
	v62 =	vmul.f32 $3.200000000e+01, v54;
	v9 =	vmovc v19;
	v19 =	vmov v25;
	v63 =	vadd.f32 v60, v2;
	v37 =	vld [tilespmem:s22+$0x380];
	[tilespmem:s11+$0x100] =	vst v57  }
0x13c: {  	s3 =	smov.u32 s10;
	s9 =	smov.u32 s12;
	s4 =	smov.u32 s13;
	v25 =	vmovc v40;
	v2 =	vmovc v6;
	v6 =	vmov v14;
	v41 =	vadd.f32 v61, v42;
	v38 =	vmul.f32 $3.200000000e+01, v46;
	v34 =	vld [tilespmem:s30+$0x180];
	[tilespmem:s1+$0x300] =	vst v59  }
0x13d: {  	v14 =	vmovc v20;
	v20 =	vmovc v26;
	v26 =	vmov v42;
	s22 =	smov.u32 s25;
	v40 =	vadd.f32 v62, v23;
	v36 =	vmul.f32 $3.200000000e+01, v47;
	s1 =	smov.u32 s20;
	[tilespmem:s15+$0x300] =	vst v63;
	v35 =	vld [tilespmem:s7+$0x380];
	s7 =	smov.u32 s30  }
0x13e: {  	s12 =	rddreg [dreg:$0x7];
	[tilespmem:s3+$0x100] =	vst v41  }
0x13f: {  	v41 =	vld [tilespmem:s26+$0x180];
	_ =	sdelay $0x1  }
0x140: {  	v39 =	vmul.f32 $3.200000000e+01, v39;
	_ =	sdelay $0x1  }
0x141: {  	v39 =	vadd.f32 v39, v27  }
0x142: {  	v41 =	vmul.f32 $3.200000000e+01, v41  }
0x143: {  	[tilespmem:s29+$0x180] =	vst v39  }
0x144: {  	v39 =	vld [tilespmem:s22+$0x200];
	v41 =	vadd.f32 v41, v29;
	_ =	sdelay $0x1  }
0x145: {  	[tilespmem:s3+$0x180] =	vst v41  }
0x146: {  	v41 =	vld [tilespmem:s26+$0x200];
	_ =	sdelay $0x1  }
0x147: {  	v39 =	vmul.f32 $3.200000000e+01, v39;
	_ =	sdelay $0x1  }
0x148: {  	v39 =	vadd.f32 v39, v30  }
0x149: {  	v41 =	vmul.f32 $3.200000000e+01, v41  }
0x14a: {  	[tilespmem:s29+$0x200] =	vst v39  }
0x14b: {  	v39 =	vld [tilespmem:s22+$0x280];
	v41 =	vadd.f32 v41, v32;
	_ =	sdelay $0x1  }
0x14c: {  	[tilespmem:s3+$0x200] =	vst v41  }
0x14d: {  	v41 =	vld [tilespmem:s26+$0x280];
	_ =	sdelay $0x1  }
0x14e: {  	v39 =	vmul.f32 $3.200000000e+01, v39;
	_ =	sdelay $0x1  }
0x14f: {  	v39 =	vadd.f32 v39, v28  }
0x150: {  	v41 =	vmul.f32 $3.200000000e+01, v41  }
0x151: {  	[tilespmem:s29+$0x280] =	vst v39  }
0x152: {  	v39 =	vld [tilespmem:s22+$0x300];
	v41 =	vadd.f32 v41, v31  }
0x153: {  	[tilespmem:s8+$0x280] =	vst v40  }
0x154: {  	v40 =	vld [tilespmem:s16+$0x300];
	[tilespmem:s3+$0x280] =	vst v41  }
0x155: {  	v41 =	vld [tilespmem:s26+$0x300];
	_ =	sdelay $0x1  }
0x156: {  	v39 =	vmul.f32 $3.200000000e+01, v39;
	_ =	sdelay $0x1  }
0x157: {  	v40 =	vmul.f32 $3.200000000e+01, v40;
	v39 =	vadd.f32 v39, v25  }
0x158: {  	v41 =	vmul.f32 $3.200000000e+01, v41  }
0x159: {  	v40 =	vadd.f32 v40, v20;
	[tilespmem:s29+$0x300] =	vst v39  }
0x15a: {  	v39 =	vld [tilespmem:s22+$0x380];
	v41 =	vadd.f32 v41, v26  }
0x15b: {  	v37 =	vmul.f32 $3.200000000e+01, v37;
	[tilespmem:s8+$0x300] =	vst v40  }
0x15c: {  	v40 =	vld [tilespmem:s16+$0x380];
	[tilespmem:s3+$0x300] =	vst v41  }
0x15d: {  	v37 =	vadd.f32 v37, v16;
	v41 =	vld [tilespmem:s26+$0x380];
	_ =	sdelay $0x1  }
0x15e: {  	v39 =	vmul.f32 $3.200000000e+01, v39;
	s0 =	rddreg [dreg:$0xd];
	[tilespmem:s17+$0x380] =	vst v37  }
0x15f: {  	s0 =	sadd.s32 $0x2000, s0;
	s10 =	rddreg [dreg:$0xb]  }
0x160: {  	v56 =	vmul.f32 $3.200000000e+01, v40;
	s16 =	sadd.s32 s10, s0;
	v39 =	vadd.f32 v39, v27  }
0x161: {  	s5 =	sadd.s32 $0x2000, s6;
	v57 =	vld [tilespmem:s16+$0x0];
	v41 =	vmul.f32 $3.200000000e+01, v41  }
0x162: {  	s19 =	sadd.s32 s21, s5;
	v37 =	vadd.f32 v56, v18;
	[tilespmem:s29+$0x380] =	vst v39  }
0x163: {  	v39 =	vld [tilespmem:s19+$0x0];
	v41 =	vadd.f32 v41, v29  }
0x164: {  	s13 =	sadd.s32 s2, s0;
	[tilespmem:s8+$0x380] =	vst v37  }
0x165: {  	s17 =	sadd.s32 s14, s5;
	v37 =	vld [tilespmem:s13+$0x0];
	[tilespmem:s3+$0x380] =	vst v41  }
0x166: {  	v40 =	vmul.f32 $3.200000000e+01, v57;
	v41 =	vld [tilespmem:s17+$0x0]  }
0x167: {  	s24 =	rddreg [dreg:$0xe]  }
0x168: {  	v40 =	vadd.f32 v40, v22;
	v39 =	vmul.f32 $3.200000000e+01, v39;
	s0 =	sadd.s32 $0x2000, s24  }
0x169: {  	s25 =	sadd.s32 s10, s0  }
0x16a: {  	s26 =	sadd.s32 $0x2000, s28;
	v37 =	vmul.f32 $3.200000000e+01, v37;
	v39 =	vadd.f32 v39, v30;
	[tilespmem:s25+$0x0] =	vst v40  }
0x16b: {  	v38 =	vadd.f32 v38, v17;
	s3 =	sadd.s32 s21, s26;
	v40 =	vld [tilespmem:s16+$0x80];
	v41 =	vmul.f32 $3.200000000e+01, v41  }
0x16c: {  	v37 =	vadd.f32 v37, v24;
	[tilespmem:s3+$0x0] =	vst v39  }
0x16d: {  	[tilespmem:s18+$0x0] =	vst v38;
	s0 =	sadd.s32 s2, s0;
	v58 =	vld [tilespmem:s19+$0x80];
	v59 =	vadd.f32 v41, v32  }
0x16e: {  	v60 =	vld [tilespmem:s31+$0x80];
	s10 =	sadd.s32 s14, s26;
	[tilespmem:s0+$0x0] =	vst v37  }
0x16f: {  	v37 =	vld [tilespmem:s13+$0x80];
	[tilespmem:s10+$0x0] =	vst v59  }
0x170: {  	v61 =	vmul.f32 $3.200000000e+01, v40;
	v62 =	vld [tilespmem:s17+$0x80];
	_ =	sdelay $0x1  }
0x171: {  	v38 =	vmul.f32 $3.200000000e+01, v58;
	v39 =	vadd.f32 v61, v21  }
0x172: {  	v41 =	vmul.f32 $3.200000000e+01, v60  }
0x173: {  	v37 =	vmul.f32 $3.200000000e+01, v37;
	v38 =	vadd.f32 v38, v28;
	[tilespmem:s25+$0x80] =	vst v39  }
0x174: {  	v63 =	vadd.f32 v41, v15;
	v44 =	vld [tilespmem:s16+$0x100];
	v40 =	vmul.f32 $3.200000000e+01, v62  }
0x175: {  	v37 =	vadd.f32 v37, v23;
	[tilespmem:s3+$0x80] =	vst v38  }
0x176: {  	[tilespmem:s18+$0x80] =	vst v63;
	v38 =	vld [tilespmem:s19+$0x100];
	v45 =	vadd.f32 v40, v31  }
0x177: {  	v46 =	vld [tilespmem:s31+$0x100];
	[tilespmem:s0+$0x80] =	vst v37  }
0x178: {  	v37 =	vld [tilespmem:s13+$0x100];
	[tilespmem:s10+$0x80] =	vst v45  }
0x179: {  	v47 =	vmul.f32 $3.200000000e+01, v44;
	v48 =	vld [tilespmem:s17+$0x100];
	_ =	sdelay $0x1  }
0x17a: {  	v38 =	vmul.f32 $3.200000000e+01, v38;
	v39 =	vadd.f32 v47, v19  }
0x17b: {  	v40 =	vmul.f32 $3.200000000e+01, v46  }
0x17c: {  	v37 =	vmul.f32 $3.200000000e+01, v37;
	v38 =	vadd.f32 v38, v25;
	[tilespmem:s25+$0x100] =	vst v39  }
0x17d: {  	v49 =	vadd.f32 v40, v14;
	v50 =	vld [tilespmem:s16+$0x180];
	v41 =	vmul.f32 $3.200000000e+01, v48  }
0x17e: {  	v37 =	vadd.f32 v37, v20;
	[tilespmem:s3+$0x100] =	vst v38  }
0x17f: {  	[tilespmem:s18+$0x100] =	vst v49;
	v38 =	vld [tilespmem:s19+$0x180];
	v51 =	vadd.f32 v41, v26  }
0x180: {  	v34 =	vmul.f32 $3.200000000e+01, v34;
	v52 =	vld [tilespmem:s31+$0x180];
	[tilespmem:s0+$0x100] =	vst v37  }
0x181: {  	v37 =	vld [tilespmem:s13+$0x180];
	[tilespmem:s10+$0x100] =	vst v51  }
0x182: {  	v34 =	vadd.f32 v34, v7;
	v53 =	vmul.f32 $3.200000000e+01, v50;
	v54 =	vld [tilespmem:s17+$0x180]  }
0x183: {  	v36 =	vadd.f32 v36, v5  }
0x184: {  	[tilespmem:s11+$0x180] =	vst v34;
	v38 =	vmul.f32 $3.200000000e+01, v38;
	v55 =	vadd.f32 v53, v16  }
0x185: {  	[tilespmem:s9+$0x180] =	vst v36;
	v56 =	vld [tilespmem:s7+$0x200];
	v41 =	vmul.f32 $3.200000000e+01, v52  }
0x186: {  	v57 =	vmul.f32 $3.200000000e+01, v37;
	v58 =	vadd.f32 v38, v27;
	[tilespmem:s25+$0x180] =	vst v55  }
0x187: {  	s15 =	smov.u32 s18;
	v59 =	vadd.f32 v41, v13;
	v60 =	vld [tilespmem:s16+$0x200];
	s18 =	rddreg [dreg:$0x1e];
	v40 =	vmul.f32 $3.200000000e+01, v54  }
0x188: {  	v34 =	vadd.f32 v57, v18;
	[tilespmem:s3+$0x180] =	vst v58;
	v61 =	vld [tilespmem:s18+$0x200]  }
0x189: {  	[tilespmem:s15+$0x180] =	vst v59;
	v62 =	vld [tilespmem:s19+$0x200];
	v63 =	vadd.f32 v40, v29  }
0x18a: {  	v39 =	vmul.f32 $3.200000000e+01, v56;
	[tilespmem:s0+$0x180] =	vst v34;
	v44 =	vld [tilespmem:s31+$0x200]  }
0x18b: {  	v34 =	vld [tilespmem:s13+$0x200];
	[tilespmem:s10+$0x180] =	vst v63  }
0x18c: {  	v12 =	vadd.f32 v39, v12;
	v45 =	vmul.f32 $3.200000000e+01, v60;
	v46 =	vld [tilespmem:s17+$0x200]  }
0x18d: {  	v47 =	vmul.f32 $3.200000000e+01, v61  }
0x18e: {  	[tilespmem:s11+$0x200] =	vst v12;
	v48 =	vmul.f32 $3.200000000e+01, v62;
	v12 =	vadd.f32 v45, v22  }
0x18f: {  	v49 =	vld [tilespmem:s7+$0x280];
	v50 =	vmul.f32 $3.200000000e+01, v44;
	v10 =	vadd.f32 v47, v10  }
0x190: {  	v51 =	vmul.f32 $3.200000000e+01, v34;
	[tilespmem:s25+$0x200] =	vst v12;
	v12 =	vadd.f32 v48, v30  }
0x191: {  	v17 =	vadd.f32 v50, v17;
	[tilespmem:s9+$0x200] =	vst v10;
	v10 =	vld [tilespmem:s16+$0x280];
	v52 =	vmul.f32 $3.200000000e+01, v46  }
0x192: {  	v53 =	vld [tilespmem:s18+$0x280];
	[tilespmem:s3+$0x200] =	vst v12;
	v12 =	vadd.f32 v51, v24  }
0x193: {  	[tilespmem:s15+$0x200] =	vst v17;
	v17 =	vld [tilespmem:s19+$0x280];
	v54 =	vadd.f32 v52, v32  }
0x194: {  	v55 =	vmul.f32 $3.200000000e+01, v49;
	v56 =	vld [tilespmem:s31+$0x280];
	[tilespmem:s0+$0x200] =	vst v12  }
0x195: {  	v12 =	vmul.f32 $3.200000000e+01, v33;
	v57 =	vld [tilespmem:s13+$0x280];
	[tilespmem:s10+$0x200] =	vst v54  }
0x196: {  	v11 =	vadd.f32 v55, v11;
	v10 =	vmul.f32 $3.200000000e+01, v10;
	v22 =	vld [tilespmem:s17+$0x280]  }
0x197: {  	v4 =	vadd.f32 v12, v4;
	v12 =	vmul.f32 $3.200000000e+01, v53  }
0x198: {  	[tilespmem:s11+$0x280] =	vst v11;
	v10 =	vadd.f32 v10, v21;
	v11 =	vmul.f32 $3.200000000e+01, v17  }
0x199: {  	[tilespmem:s1+$0x280] =	vst v4;
	v4 =	vld [tilespmem:s7+$0x300];
	v8 =	vadd.f32 v12, v8;
	v12 =	vmul.f32 $3.200000000e+01, v56  }
0x19a: {  	v17 =	vld [tilespmem:s4+$0x300];
	[tilespmem:s25+$0x280] =	vst v10;
	v10 =	vadd.f32 v11, v28;
	v11 =	vmul.f32 $3.200000000e+01, v57  }
0x19b: {  	[tilespmem:s9+$0x280] =	vst v8;
	v8 =	vld [tilespmem:s16+$0x300];
	v12 =	vadd.f32 v12, v15;
	v15 =	vmul.f32 $3.200000000e+01, v22  }
0x19c: {  	v58 =	vld [tilespmem:s18+$0x300];
	[tilespmem:s3+$0x280] =	vst v10;
	v10 =	vadd.f32 v11, v23  }
0x19d: {  	[tilespmem:s15+$0x280] =	vst v12;
	v11 =	vld [tilespmem:s19+$0x300];
	v12 =	vadd.f32 v15, v31  }
0x19e: {  	v4 =	vmul.f32 $3.200000000e+01, v4;
	v15 =	vld [tilespmem:s31+$0x300];
	[tilespmem:s0+$0x280] =	vst v10  }
0x19f: {  	v10 =	vmul.f32 $3.200000000e+01, v17;
	v17 =	vld [tilespmem:s13+$0x300];
	[tilespmem:s10+$0x280] =	vst v12  }
0x1a0: {  	v4 =	vadd.f32 v4, v9;
	v8 =	vmul.f32 $3.200000000e+01, v8;
	v9 =	vld [tilespmem:s17+$0x300]  }
0x1a1: {  	v2 =	vadd.f32 v10, v2;
	v10 =	vmul.f32 $3.200000000e+01, v58  }
0x1a2: {  	[tilespmem:s11+$0x300] =	vst v4;
	v4 =	vadd.f32 v8, v19;
	v8 =	vmul.f32 $3.200000000e+01, v11  }
0x1a3: {  	[tilespmem:s1+$0x300] =	vst v2;
	v2 =	vadd.f32 v10, v6;
	v6 =	vmul.f32 $3.200000000e+01, v15  }
0x1a4: {  	v12 =	vld [tilespmem:s23+$0x380];
	[tilespmem:s25+$0x300] =	vst v4;
	v4 =	vadd.f32 v8, v25;
	v8 =	vmul.f32 $3.200000000e+01, v17  }
0x1a5: {  	v11 =	vld [tilespmem:s7+$0x380];
	[tilespmem:s9+$0x300] =	vst v2;
	v2 =	vadd.f32 v6, v14;
	v6 =	vmul.f32 $3.200000000e+01, v9  }
0x1a6: {  	v10 =	vld [tilespmem:s4+$0x380];
	[tilespmem:s3+$0x300] =	vst v4;
	v4 =	vadd.f32 v8, v20  }
0x1a7: {  	v15 =	vld [tilespmem:s16+$0x380];
	v9 =	vmul.f32 $3.200000000e+01, v35;
	[tilespmem:s15+$0x300] =	vst v2;
	v2 =	vadd.f32 v6, v26  }
0x1a8: {  	v14 =	vld [tilespmem:s18+$0x380];
	[tilespmem:s0+$0x300] =	vst v4  }
0x1a9: {  	v8 =	vmul.f32 $3.200000000e+01, v12;
	v12 =	vld [tilespmem:s19+$0x380];
	v3 =	vadd.f32 v9, v3;
	[tilespmem:s10+$0x300] =	vst v2  }
0x1aa: {  	s20 =	smov.u32 s1;
	v6 =	vmul.f32 $3.200000000e+01, v11;
	v9 =	vld [tilespmem:s31+$0x380];
	s1 =	rddreg [dreg:$0x12]  }
0x1ab: {  	v0 =	vadd.f32 v8, v0;
	v4 =	vmul.f32 $3.200000000e+01, v10;
	v8 =	vld [tilespmem:s13+$0x380];
	[tilespmem:s1+$0x380] =	vst v3  }
0x1ac: {  	v2 =	vadd.f32 v6, v7;
	v6 =	vld [tilespmem:s17+$0x380];
	v3 =	vmul.f32 $3.200000000e+01, v15;
	s1 =	rddreg [dreg:$0x1d]  }
0x1ad: {  	[tilespmem:s1+$0x380] =	vst v0;
	v0 =	vadd.f32 v4, v1;
	v1 =	vmul.f32 $3.200000000e+01, v14  }
0x1ae: {  	[tilespmem:s11+$0x380] =	vst v2;
	v2 =	vadd.f32 v3, v16;
	v3 =	vmul.f32 $3.200000000e+01, v12  }
0x1af: {  	[tilespmem:s20+$0x380] =	vst v0;
	v0 =	vadd.f32 v1, v5;
	v1 =	vmul.f32 $3.200000000e+01, v9  }
0x1b0: {  	[tilespmem:s25+$0x380] =	vst v2;
	v2 =	vadd.f32 v3, v27;
	v3 =	vmul.f32 $3.200000000e+01, v8  }
0x1b1: {  	[tilespmem:s9+$0x380] =	vst v0;
	v0 =	vadd.f32 v1, v13;
	v1 =	vmul.f32 $3.200000000e+01, v6  }
0x1b2: {  	[tilespmem:s3+$0x380] =	vst v2;
	v2 =	vadd.f32 v3, v18  }
0x1b3: {  	[tilespmem:s15+$0x380] =	vst v0;
	v0 =	vadd.f32 v1, v29  }
0x1b4: {  	[tilespmem:s0+$0x380] =	vst v2  }
0x1b5: {  	[tilespmem:s10+$0x380] =	vst v0  }
0x1b6: {  	s0 =	sld [smem:$0x7F2]  }
0x1b7: {  	s16 =	simm.s32 $0x210  }
0x1b8: {  	s28 =	sand.u32 $0x70, s16;
	s19 =	simm.s32 $0x0;
	s13 =	sld [smem:$0x7F5]  }
0x1b9: {  	s14 =	sld [smem:$0x7F6];
	s11 =	sshll.u32 s0, $0xB;
	s0 =	sshll.u32 s0, $0x9  }
0x1ba: {  	s19 =	sand.u32 $0x60, s19;
	s1 =	sand.u32 $0x7000, s11;
	s0 =	sand.u32 $0x200, s0  }
0x1bb: {  	[smem:$0x7F1] =	sst s11;
	s0 =	sor.u32 s0, s1;
	s1 =	sadd.s32 $0xA800, s13  }
0x1bc: {  	s17 =	simm.s32 $0x1080;
	[dreg:$0x9] =	wrdreg s1;
	s1 =	sadd.s32 $0x16800, s14  }
0x1bd: {  	s26 =	sand.u32 $0x1C00, s17;
	s0 =	sor.u32 $0x800, s0;
	[dreg:$0x8] =	wrdreg s1  }
0x1be: {  	s20 =	sadd.s32 s26, s12;
	s15 =	simm.s32 $0x0;
	[dreg:$0x5] =	wrdreg s0  }
0x1bf: {  	s2 =	sadd.s32 s28, s20;
	s6 =	sand.u32 $0xC00, s15;
	s18 =	rddreg [dreg:$0x5]  }
0x1c0: {  	s17 =	sor.u32 $0x10, s19;
	v0 =	vld [tilespmem:s2+$0x0];
	s15 =	sadd.s32 s6, s18  }
0x1c1: {  	s21 =	sadd.s32 s17, s15  }
0x1c2: {  	v1 =	vld [tilespmem:s21+$0x0]  }
0x1c3: {  	s5 =	simm.s32 $0x100;
	s30 =	rddreg [dreg:$0x6]  }
0x1c4: {  	s29 =	smov.u32 s12;
	s24 =	simm.s32 $0x1180;
	s22 =	sadd.s32 s26, s30  }
0x1c5: {  	s4 =	sand.u32 $0x1C00, s24;
	s25 =	simm.s32 $0x230;
	s8 =	sadd.s32 s28, s22;
	v0 =	vmul.f32 $3.200000000e+01, v0  }
0x1c6: {  	s11 =	sand.u32 $0x70, s25;
	s13 =	sand.u32 $0xC00, s5;
	s23 =	rddreg [dreg:$0x5]  }
0x1c7: {  	s1 =	simm.s32 $0x20;
	s18 =	sadd.s32 s4, s29;
	[smem:$0x7C4] =	sst s4;
	v0 =	vadd.f32 v0, v1  }
0x1c8: {  	s9 =	sand.u32 $0x60, s1;
	s16 =	sadd.s32 s11, s18;
	[smem:$0x7C5] =	sst s11  }
0x1c9: {  	s18 =	sadd.s32 s13, s23;
	s21 =	sor.u32 $0x10, s9;
	[tilespmem:s8+$0x0] =	vst v0;
	v0 =	vld [tilespmem:s16+$0x0]  }
0x1ca: {  	s7 =	sadd.s32 s21, s18;
	v2 =	vld [tilespmem:s2+$0x80]  }
0x1cb: {  	v3 =	vld [tilespmem:s7+$0x0];
	_ =	sdelay $0x2  }
0x1cc: {  	v0 =	vmul.f32 $3.200000000e+01, v0  }
0x1cd: {  	v2 =	vmul.f32 $3.200000000e+01, v2  }
0x1ce: {  	s20 =	sadd.s32 s4, s30;
	v0 =	vadd.f32 v0, v3  }
0x1cf: {  	s7 =	sadd.s32 s11, s20;
	v2 =	vadd.f32 v2, v1  }
0x1d0: {  	[tilespmem:s7+$0x0] =	vst v0  }
0x1d1: {  	[tilespmem:s8+$0x80] =	vst v2;
	v0 =	vld [tilespmem:s16+$0x80]  }
0x1d2: {  	v2 =	vld [tilespmem:s2+$0x100];
	_ =	sdelay $0x3  }
0x1d3: {  	v0 =	vmul.f32 $3.200000000e+01, v0  }
0x1d4: {  	v2 =	vmul.f32 $3.200000000e+01, v2  }
0x1d5: {  	v0 =	vadd.f32 v0, v3  }
0x1d6: {  	v2 =	vadd.f32 v2, v1  }
0x1d7: {  	[tilespmem:s7+$0x80] =	vst v0  }
0x1d8: {  	[tilespmem:s8+$0x100] =	vst v2;
	v0 =	vld [tilespmem:s16+$0x100]  }
0x1d9: {  	v2 =	vld [tilespmem:s2+$0x180];
	_ =	sdelay $0x2  }
0x1da: {  	s22 =	sor.u32 $0x1000, s6  }
0x1db: {  	s6 =	sadd.s32 s22, s29;
	v0 =	vmul.f32 $3.200000000e+01, v0  }
0x1dc: {  	s23 =	sadd.s32 s19, s6;
	[smem:$0x7CA] =	sst s22;
	v2 =	vmul.f32 $3.200000000e+01, v2  }
0x1dd: {  	v4 =	vld [tilespmem:s23+$0x0];
	v0 =	vadd.f32 v0, v3  }
0x1de: {  	s24 =	sadd.s32 s19, s15;
	v1 =	vadd.f32 v2, v1  }
0x1df: {  	v2 =	vld [tilespmem:s24+$0x0];
	[tilespmem:s7+$0x100] =	vst v0  }
0x1e0: {  	[tilespmem:s8+$0x180] =	vst v1  }
0x1e1: {  	v0 =	vld [tilespmem:s16+$0x180];
	[smem:$0x7C8] =	sst s15  }
0x1e2: {  	s25 =	sadd.s32 s22, s30;
	s6 =	sadd.s32 $0x80, s15;
	v4 =	vmul.f32 $3.200000000e+01, v4;
	v1 =	vld [tilespmem:s2+$0x200];
	[smem:$0x7C9] =	sst s17  }
0x1e3: {  	s5 =	smov.u32 s17;
	s0 =	sadd.s32 s17, s6;
	[smem:$0x7D2] =	sst s19  }
0x1e4: {  	s3 =	rddreg [dreg:$0x5];
	s11 =	simm.s32 $0x250;
	s22 =	simm.s32 $0x40;
	v5 =	vld [tilespmem:s0+$0x0];
	v4 =	vadd.f32 v4, v2  }
0x1e5: {  	s4 =	sand.u32 $0x60, s22;
	s24 =	simm.s32 $0x200;
	s17 =	sadd.s32 s19, s25  }
0x1e6: {  	s20 =	sand.u32 $0xC00, s24;
	s25 =	simm.s32 $0x1280;
	s0 =	sor.u32 $0x10, s4;
	v0 =	vmul.f32 $3.200000000e+01, v0;
	[tilespmem:s17+$0x0] =	vst v4  }
0x1e7: {  	s14 =	sadd.s32 s20, s3;
	s24 =	sand.u32 $0x1C00, s25;
	v4 =	vld [tilespmem:s23+$0x80];
	[smem:$0x7D5] =	sst s0;
	v1 =	vmul.f32 $3.200000000e+01, v1  }
0x1e8: {  	s25 =	sand.u32 $0x70, s11;
	s3 =	sadd.s32 s0, s14;
	[smem:$0x7CD] =	sst s24;
	v0 =	vadd.f32 v0, v3  }
0x1e9: {  	s11 =	sadd.s32 s24, s29;
	v6 =	vld [tilespmem:s3+$0x0];
	[smem:$0x7CE] =	sst s25;
	v1 =	vadd.f32 v1, v5  }
0x1ea: {  	s12 =	smov.u32 s24;
	s24 =	sadd.s32 s25, s11;
	[tilespmem:s7+$0x180] =	vst v0  }
0x1eb: {  	s10 =	smov.u32 s19;
	s19 =	sadd.s32 $0x80, s18;
	v3 =	vld [tilespmem:s24+$0x0];
	[tilespmem:s8+$0x200] =	vst v1  }
0x1ec: {  	v0 =	vld [tilespmem:s16+$0x200];
	[smem:$0x7C6] =	sst s19  }
0x1ed: {  	s22 =	sadd.s32 s21, s19;
	v1 =	vld [tilespmem:s2+$0x280];
	[smem:$0x7CC] =	sst s21  }
0x1ee: {  	s0 =	sor.u32 $0x1000, s13;
	v4 =	vmul.f32 $3.200000000e+01, v4;
	v7 =	vld [tilespmem:s22+$0x0]  }
0x1ef: {  	s13 =	sadd.s32 s0, s29  }
0x1f0: {  	v4 =	vadd.f32 v4, v2;
	v3 =	vmul.f32 $3.200000000e+01, v3;
	[smem:$0x7D0] =	sst s0;
	s22 =	sadd.s32 s9, s13  }
0x1f1: {  	s3 =	sadd.s32 s9, s18;
	v8 =	vld [tilespmem:s22+$0x0];
	v0 =	vmul.f32 $3.200000000e+01, v0;
	[smem:$0x7CB] =	sst s18  }
0x1f2: {  	s19 =	sadd.s32 s12, s30;
	v3 =	vadd.f32 v3, v6;
	v9 =	vld [tilespmem:s3+$0x0];
	[tilespmem:s17+$0x80] =	vst v4;
	v1 =	vmul.f32 $3.200000000e+01, v1  }
0x1f3: {  	s13 =	sadd.s32 s25, s19;
	v4 =	vld [tilespmem:s23+$0x100];
	v0 =	vadd.f32 v0, v7  }
0x1f4: {  	[tilespmem:s13+$0x0] =	vst v3;
	v1 =	vadd.f32 v1, v5  }
0x1f5: {  	v3 =	vld [tilespmem:s24+$0x80];
	[tilespmem:s7+$0x200] =	vst v0  }
0x1f6: {  	v0 =	vmul.f32 $3.200000000e+01, v8;
	[tilespmem:s8+$0x280] =	vst v1;
	v1 =	vld [tilespmem:s16+$0x280]  }
0x1f7: {  	v8 =	vld [tilespmem:s2+$0x300]  }
0x1f8: {  	s1 =	smov.u32 s15;
	s25 =	sadd.s32 s0, s30;
	v4 =	vmul.f32 $3.200000000e+01, v4;
	v0 =	vadd.f32 v0, v9  }
0x1f9: {  	s15 =	smov.u32 s14;
	s14 =	sadd.s32 s9, s25;
	[smem:$0x7DD] =	sst s9  }
0x1fa: {  	v4 =	vadd.f32 v4, v2;
	[tilespmem:s14+$0x0] =	vst v0;
	v0 =	vmul.f32 $3.200000000e+01, v3  }
0x1fb: {  	v3 =	vld [tilespmem:s22+$0x80];
	v1 =	vmul.f32 $3.200000000e+01, v1  }
0x1fc: {  	[tilespmem:s17+$0x100] =	vst v4;
	v0 =	vadd.f32 v0, v6;
	v4 =	vmul.f32 $3.200000000e+01, v8  }
0x1fd: {  	v8 =	vld [tilespmem:s23+$0x180];
	v1 =	vadd.f32 v1, v7  }
0x1fe: {  	[tilespmem:s13+$0x80] =	vst v0;
	v4 =	vadd.f32 v4, v5  }
0x1ff: {  	v0 =	vld [tilespmem:s24+$0x100];
	[tilespmem:s7+$0x280] =	vst v1  }
0x200: {  	v1 =	vmul.f32 $3.200000000e+01, v3;
	[tilespmem:s8+$0x300] =	vst v4;
	v3 =	vld [tilespmem:s16+$0x300]  }
0x201: {  	v4 =	vld [tilespmem:s2+$0x380]  }
0x202: {  	v8 =	vmul.f32 $3.200000000e+01, v8  }
0x203: {  	v1 =	vadd.f32 v1, v9  }
0x204: {  	v2 =	vadd.f32 v8, v2;
	v0 =	vmul.f32 $3.200000000e+01, v0  }
0x205: {  	[tilespmem:s14+$0x80] =	vst v1;
	v3 =	vmul.f32 $3.200000000e+01, v3  }
0x206: {  	[tilespmem:s17+$0x180] =	vst v2;
	v2 =	vmul.f32 $3.200000000e+01, v4;
	v4 =	vadd.f32 v0, v6  }
0x207: {  	s0 =	sadd.s32 s10, s6;
	v1 =	vld [tilespmem:s22+$0x100];
	v3 =	vadd.f32 v3, v7  }
0x208: {  	v0 =	vld [tilespmem:s0+$0x0];
	[tilespmem:s13+$0x100] =	vst v4  }
0x209: {  	s6 =	sor.u32 $0x1000, s20;
	v8 =	vld [tilespmem:s23+$0x200];
	[tilespmem:s7+$0x300] =	vst v3  }
0x20a: {  	s1 =	sadd.s32 $0x100, s1;
	v2 =	vadd.f32 v2, v5;
	v4 =	vld [tilespmem:s24+$0x180];
	[smem:$0x7D6] =	sst s6  }
0x20b: {  	[smem:$0x7C7] =	sst s1  }
0x20c: {  	s31 =	smov.u32 s9;
	[tilespmem:s8+$0x380] =	vst v2;
	s8 =	sadd.s32 s5, s1  }
0x20d: {  	s11 =	smov.u32 s18;
	s12 =	sadd.s32 s4, s15;
	v5 =	vmul.f32 $3.200000000e+01, v1;
	v1 =	vld [tilespmem:s8+$0x0];
	s8 =	rddreg [dreg:$0x9]  }
0x20e: {  	s19 =	simm.s32 $0x300;
	s9 =	rddreg [dreg:$0x5];
	s10 =	sadd.s32 s26, s8  }
0x20f: {  	v2 =	vld [tilespmem:s16+$0x380];
	[smem:$0x7D4] =	sst s15;
	s20 =	sadd.s32 s28, s10;
	s10 =	sand.u32 $0xC00, s19  }
0x210: {  	s25 =	simm.s32 $0x60;
	s3 =	sadd.s32 s6, s29;
	v5 =	vadd.f32 v5, v9;
	v3 =	vld [tilespmem:s12+$0x0];
	s0 =	sadd.s32 s10, s9  }
0x211: {  	s18 =	sadd.s32 s4, s3;
	s12 =	sand.u32 $0x60, s25;
	v10 =	vld [tilespmem:s20+$0x0];
	[dreg:$0xc] =	wrdreg s0  }
0x212: {  	s3 =	simm.s32 $0x1380;
	v8 =	vmul.f32 $3.200000000e+01, v8;
	s5 =	smov.u32 s8;
	s16 =	sor.u32 $0x10, s12;
	[tilespmem:s14+$0x100] =	vst v5  }
0x213: {  	s8 =	sand.u32 $0x1C00, s3;
	s9 =	simm.s32 $0x270;
	v11 =	vld [tilespmem:s18+$0x0];
	v5 =	vmul.f32 $3.200000000e+01, v4;
	[dreg:$0x1f] =	wrdreg s16  }
0x214: {  	v8 =	vadd.f32 v8, v0;
	s19 =	sand.u32 $0x70, s9;
	s25 =	sadd.s32 s16, s0;
	v12 =	vld [tilespmem:s22+$0x180];
	[smem:$0x7D7] =	sst s8  }
0x215: {  	s1 =	sadd.s32 s8, s29;
	v2 =	vmul.f32 $3.200000000e+01, v2;
	v5 =	vadd.f32 v5, v6;
	v4 =	vld [tilespmem:s25+$0x0];
	[smem:$0x7D8] =	sst s19  }
0x216: {  	s9 =	sadd.s32 s19, s1;
	[tilespmem:s17+$0x200] =	vst v8  }
0x217: {  	v2 =	vadd.f32 v2, v7;
	s16 =	sadd.s32 $0x100, s11;
	v7 =	vld [tilespmem:s9+$0x0];
	[tilespmem:s13+$0x180] =	vst v5  }
0x218: {  	v8 =	vld [tilespmem:s23+$0x280];
	[smem:$0x7CF] =	sst s16  }
0x219: {  	s3 =	smov.u32 s8;
	s8 =	sld [smem:$0x7D5];
	[tilespmem:s7+$0x380] =	vst v2  }
0x21a: {  	s1 =	sadd.s32 s21, s16;
	v10 =	vmul.f32 $3.200000000e+01, v10;
	s7 =	rddreg [dreg:$0x8]  }
0x21b: {  	s2 =	sadd.s32 $0x80, s15;
	v2 =	vmul.f32 $3.200000000e+01, v11;
	v6 =	vld [tilespmem:s1+$0x0];
	s11 =	sld [smem:$0x7C4]  }
0x21c: {  	v10 =	vadd.f32 v10, v1;
	v11 =	vmul.f32 $3.200000000e+01, v12;
	v12 =	vld [tilespmem:s24+$0x200];
	s1 =	sld [smem:$0x7C5];
	s15 =	sadd.s32 s8, s2;
	s8 =	sadd.s32 s26, s7  }
0x21d: {  	s21 =	sadd.s32 s6, s30;
	v2 =	vadd.f32 v2, v3;
	v5 =	vld [tilespmem:s15+$0x0];
	s25 =	sadd.s32 s28, s8;
	[smem:$0x7E4] =	sst s4  }
0x21e: {  	s8 =	sadd.s32 s4, s21;
	v9 =	vadd.f32 v11, v9;
	[tilespmem:s25+$0x0] =	vst v10  }
0x21f: {  	v7 =	vmul.f32 $3.200000000e+01, v7;
	s15 =	sadd.s32 s11, s5;
	[tilespmem:s8+$0x0] =	vst v2  }
0x220: {  	v8 =	vmul.f32 $3.200000000e+01, v8;
	s15 =	sadd.s32 s1, s15;
	v11 =	vld [tilespmem:s20+$0x80];
	[tilespmem:s14+$0x180] =	vst v9  }
0x221: {  	s26 =	sadd.s32 s3, s30;
	v7 =	vadd.f32 v7, v4;
	v10 =	vld [tilespmem:s15+$0x0];
	s3 =	sld [smem:$0x7C6]  }
0x222: {  	s26 =	sadd.s32 s19, s26;
	v9 =	vld [tilespmem:s18+$0x80];
	v8 =	vadd.f32 v8, v0  }
0x223: {  	v13 =	vld [tilespmem:s22+$0x200];
	[tilespmem:s26+$0x0] =	vst v7  }
0x224: {  	[tilespmem:s17+$0x280] =	vst v8;
	v8 =	vld [tilespmem:s9+$0x80];
	s0 =	sadd.s32 s31, s3  }
0x225: {  	v12 =	vmul.f32 $3.200000000e+01, v12;
	v2 =	vld [tilespmem:s0+$0x0]  }
0x226: {  	v7 =	vmul.f32 $3.200000000e+01, v10;
	v10 =	vld [tilespmem:s23+$0x300]  }
0x227: {  	s16 =	smov.u32 s7;
	v12 =	vadd.f32 v12, v5;
	v11 =	vmul.f32 $3.200000000e+01, v11  }
0x228: {  	s21 =	smov.u32 s4;
	s4 =	sadd.s32 s11, s16;
	v9 =	vmul.f32 $3.200000000e+01, v9;
	v7 =	vadd.f32 v7, v6  }
0x229: {  	s31 =	sadd.s32 s1, s4;
	[tilespmem:s13+$0x200] =	vst v12;
	v13 =	vmul.f32 $3.200000000e+01, v13;
	v11 =	vadd.f32 v11, v1  }
0x22a: {  	v12 =	vld [tilespmem:s24+$0x280];
	v9 =	vadd.f32 v9, v3;
	v8 =	vmul.f32 $3.200000000e+01, v8;
	[tilespmem:s31+$0x0] =	vst v7  }
0x22b: {  	[tilespmem:s25+$0x80] =	vst v11;
	v7 =	vadd.f32 v13, v2;
	v11 =	vld [tilespmem:s15+$0x80];
	v10 =	vmul.f32 $3.200000000e+01, v10  }
0x22c: {  	[tilespmem:s8+$0x80] =	vst v9;
	v8 =	vadd.f32 v8, v4  }
0x22d: {  	[tilespmem:s14+$0x200] =	vst v7;
	v7 =	vld [tilespmem:s18+$0x100];
	v9 =	vadd.f32 v10, v0  }
0x22e: {  	v13 =	vld [tilespmem:s20+$0x100];
	[tilespmem:s26+$0x80] =	vst v8  }
0x22f: {  	v12 =	vmul.f32 $3.200000000e+01, v12;
	v10 =	vld [tilespmem:s22+$0x280];
	[tilespmem:s17+$0x300] =	vst v9  }
0x230: {  	s5 =	sor.u32 $0x1000, s10;
	v9 =	vmul.f32 $3.200000000e+01, v11;
	v11 =	vld [tilespmem:s9+$0x100];
	s10 =	rddreg [dreg:$0xc]  }
0x231: {  	s6 =	sadd.s32 s5, s29;
	v12 =	vadd.f32 v12, v5;
	v14 =	vld [tilespmem:s23+$0x380];
	[smem:$0x7E1] =	sst s5;
	s7 =	sadd.s32 s12, s10  }
0x232: {  	s11 =	sadd.s32 s12, s6;
	v7 =	vmul.f32 $3.200000000e+01, v7;
	v8 =	vld [tilespmem:s7+$0x0];
	[dreg:$0xa] =	wrdreg s12  }
0x233: {  	v13 =	vmul.f32 $3.200000000e+01, v13;
	v9 =	vadd.f32 v9, v6;
	v15 =	vld [tilespmem:s11+$0x0];
	[tilespmem:s13+$0x280] =	vst v12  }
0x234: {  	v10 =	vmul.f32 $3.200000000e+01, v10;
	v7 =	vadd.f32 v7, v3;
	v12 =	vld [tilespmem:s24+$0x300]  }
0x235: {  	v13 =	vadd.f32 v13, v1;
	[tilespmem:s31+$0x80] =	vst v9;
	v11 =	vmul.f32 $3.200000000e+01, v11  }
0x236: {  	v9 =	vadd.f32 v10, v2;
	[tilespmem:s8+$0x100] =	vst v7;
	v7 =	vmul.f32 $3.200000000e+01, v14  }
0x237: {  	[tilespmem:s25+$0x100] =	vst v13;
	v11 =	vadd.f32 v11, v4  }
0x238: {  	[tilespmem:s14+$0x280] =	vst v9;
	v0 =	vadd.f32 v7, v0;
	v15 =	vmul.f32 $3.200000000e+01, v15  }
0x239: {  	v13 =	vld [tilespmem:s20+$0x180];
	v7 =	vmul.f32 $3.200000000e+01, v12;
	[tilespmem:s26+$0x100] =	vst v11  }
0x23a: {  	s16 =	sadd.s32 s5, s30;
	v10 =	vld [tilespmem:s15+$0x100];
	[tilespmem:s17+$0x380] =	vst v0;
	v11 =	vadd.f32 v15, v8  }
0x23b: {  	s0 =	sadd.s32 s12, s16;
	s1 =	sld [smem:$0x7D2];
	v7 =	vadd.f32 v7, v5  }
0x23c: {  	s19 =	sld [smem:$0x7C7];
	[tilespmem:s0+$0x0] =	vst v11  }
0x23d: {  	v14 =	vld [tilespmem:s22+$0x300];
	[tilespmem:s13+$0x300] =	vst v7  }
0x23e: {  	v9 =	vld [tilespmem:s18+$0x180];
	v13 =	vmul.f32 $3.200000000e+01, v13;
	s3 =	sld [smem:$0x7C8]  }
0x23f: {  	v10 =	vmul.f32 $3.200000000e+01, v10;
	v12 =	vld [tilespmem:s9+$0x180]  }
0x240: {  	v1 =	vadd.f32 v13, v1;
	s23 =	sadd.s32 s1, s19;
	v13 =	vld [tilespmem:s11+$0x80]  }
0x241: {  	v10 =	vadd.f32 v10, v6;
	v0 =	vld [tilespmem:s23+$0x0];
	s4 =	sadd.s32 $0x180, s3  }
0x242: {  	v11 =	vmul.f32 $3.200000000e+01, v14;
	v14 =	vld [tilespmem:s24+$0x380];
	[smem:$0x7D1] =	sst s4  }
0x243: {  	v9 =	vmul.f32 $3.200000000e+01, v9;
	[tilespmem:s31+$0x100] =	vst v10  }
0x244: {  	[tilespmem:s25+$0x180] =	vst v1  }
0x245: {  	v7 =	vadd.f32 v9, v3;
	s16 =	sld [smem:$0x7C9]  }
0x246: {  	s17 =	simm.s32 $0x80;
	v9 =	vadd.f32 v11, v2;
	v1 =	vmul.f32 $3.200000000e+01, v12  }
0x247: {  	s2 =	sadd.s32 s21, s2;
	s24 =	smov.u32 s30;
	s30 =	sand.u32 $0x60, s17;
	v10 =	vld [tilespmem:s15+$0x180];
	[tilespmem:s8+$0x180] =	vst v7  }
0x248: {  	s21 =	sor.u32 $0x10, s30;
	[tilespmem:s14+$0x300] =	vst v9;
	v7 =	vld [tilespmem:s2+$0x0];
	v4 =	vadd.f32 v1, v4;
	s6 =	sadd.s32 s16, s4  }
0x249: {  	v9 =	vmul.f32 $3.200000000e+01, v13;
	v3 =	vld [tilespmem:s6+$0x0];
	[dreg:$0x17] =	wrdreg s21  }
0x24a: {  	s5 =	rddreg [dreg:$0x5];
	[tilespmem:s26+$0x180] =	vst v4  }
0x24b: {  	s19 =	simm.s32 $0x400;
	v9 =	vadd.f32 v9, v8;
	s7 =	rddreg [dreg:$0x9]  }
0x24c: {  	s12 =	smov.u32 s11;
	s11 =	sand.u32 $0xC00, s19;
	s17 =	sld [smem:$0x7CA]  }
0x24d: {  	s19 =	sadd.s32 s11, s5;
	s3 =	rddreg [dreg:$0x1f];
	[tilespmem:s0+$0x80] =	vst v9  }
0x24e: {  	v12 =	vmul.f32 $3.200000000e+01, v14;
	s2 =	sadd.s32 s21, s19;
	v11 =	vld [tilespmem:s22+$0x380];
	s5 =	sld [smem:$0x7D4]  }
0x24f: {  	s6 =	sadd.s32 $0x80, s10;
	v1 =	vld [tilespmem:s2+$0x0]  }
0x250: {  	v5 =	vadd.f32 v12, v5;
	v12 =	vld [tilespmem:s18+$0x200];
	s4 =	sadd.s32 s3, s6;
	s23 =	sadd.s32 s17, s7  }
0x251: {  	v4 =	vld [tilespmem:s4+$0x0];
	s21 =	sadd.s32 s1, s23;
	s10 =	sadd.s32 $0x100, s5  }
0x252: {  	v13 =	vld [tilespmem:s21+$0x0];
	[smem:$0x7D3] =	sst s10  }
0x253: {  	[tilespmem:s13+$0x380] =	vst v5  }
0x254: {  	s23 =	smov.u32 s0;
	s0 =	sld [smem:$0x7CB]  }
0x255: {  	v10 =	vmul.f32 $3.200000000e+01, v10;
	_ =	sdelay $0x1  }
0x256: {  	v6 =	vadd.f32 v10, v6;
	s13 =	sld [smem:$0x7D5];
	s0 =	sadd.s32 $0x180, s0  }
0x257: {  	v10 =	vld [tilespmem:s12+$0x100];
	[smem:$0x7DC] =	sst s0  }
0x258: {  	[tilespmem:s31+$0x180] =	vst v6  }
0x259: {  	s22 =	sld [smem:$0x7CC]  }
0x25a: {  	s16 =	smov.u32 s12;
	s12 =	simm.s32 $0x1480;
	s4 =	sadd.s32 s13, s10  }
0x25b: {  	s3 =	simm.s32 $0x290;
	v12 =	vmul.f32 $3.200000000e+01, v12;
	s13 =	sand.u32 $0x1C00, s12;
	v5 =	vld [tilespmem:s4+$0x0]  }
0x25c: {  	v6 =	vmul.f32 $3.200000000e+01, v13;
	v13 =	vld [tilespmem:s20+$0x200];
	s2 =	sadd.s32 s22, s0;
	s22 =	sand.u32 $0x70, s3;
	s3 =	sld [smem:$0x7CD]  }
0x25d: {  	v12 =	vadd.f32 v12, v7;
	s5 =	sadd.s32 s13, s29;
	v16 =	vld [tilespmem:s9+$0x200];
	s0 =	sld [smem:$0x7CE]  }
0x25e: {  	v9 =	vld [tilespmem:s2+$0x0];
	s5 =	sadd.s32 s22, s5  }
0x25f: {  	v10 =	vmul.f32 $3.200000000e+01, v10;
	s2 =	rddreg [dreg:$0x8];
	[tilespmem:s8+$0x200] =	vst v12;
	v14 =	vld [tilespmem:s5+$0x0];
	s10 =	sadd.s32 s3, s7  }
0x260: {  	v15 =	vadd.f32 v6, v0;
	v12 =	vld [tilespmem:s18+$0x280];
	s7 =	sadd.s32 s17, s2;
	s17 =	sadd.s32 s0, s10  }
0x261: {  	v10 =	vadd.f32 v10, v8;
	s7 =	sadd.s32 s1, s7;
	s10 =	sadd.s32 s30, s19;
	v17 =	vld [tilespmem:s17+$0x0]  }
0x262: {  	v13 =	vmul.f32 $3.200000000e+01, v13;
	v6 =	vld [tilespmem:s10+$0x0];
	[tilespmem:s7+$0x0] =	vst v15  }
0x263: {  	s11 =	sor.u32 $0x1000, s11;
	[tilespmem:s23+$0x100] =	vst v10;
	v15 =	vld [tilespmem:s21+$0x80]  }
0x264: {  	s12 =	smov.u32 s29;
	v13 =	vadd.f32 v13, v3;
	v10 =	vmul.f32 $3.200000000e+01, v14;
	v14 =	vld [tilespmem:s16+$0x180];
	[smem:$0x7E5] =	sst s11  }
0x265: {  	s12 =	sadd.s32 s11, s12;
	v16 =	vmul.f32 $3.200000000e+01, v16;
	v18 =	vld [tilespmem:s15+$0x200];
	[dreg:$0x19] =	wrdreg s13  }
0x266: {  	v11 =	vmul.f32 $3.200000000e+01, v11;
	s1 =	sadd.s32 s30, s12;
	s12 =	smov.u32 s24;
	s24 =	sadd.s32 s13, s24;
	v10 =	vadd.f32 v10, v1;
	[tilespmem:s25+$0x200] =	vst v13  }
0x267: {  	v16 =	vadd.f32 v16, v4;
	s24 =	sadd.s32 s22, s24;
	v13 =	vld [tilespmem:s1+$0x0];
	v17 =	vmul.f32 $3.200000000e+01, v17;
	[dreg:$0x16] =	wrdreg s22  }
0x268: {  	v2 =	vadd.f32 v11, v2;
	[tilespmem:s24+$0x0] =	vst v10  }
0x269: {  	s10 =	sadd.s32 s3, s2;
	v15 =	vmul.f32 $3.200000000e+01, v15;
	[tilespmem:s26+$0x200] =	vst v16;
	v10 =	vadd.f32 v17, v5  }
0x26a: {  	v11 =	vmul.f32 $3.200000000e+01, v12;
	s13 =	smov.u32 s2;
	s2 =	sadd.s32 s0, s10;
	[tilespmem:s14+$0x380] =	vst v2  }
0x26b: {  	v19 =	vld [tilespmem:s20+$0x280];
	v15 =	vadd.f32 v15, v0;
	[tilespmem:s2+$0x0] =	vst v10  }
0x26c: {  	v2 =	vadd.f32 v11, v7;
	v12 =	vld [tilespmem:s5+$0x80];
	v14 =	vmul.f32 $3.200000000e+01, v14;
	s3 =	sld [smem:$0x7DD]  }
0x26d: {  	v16 =	vld [tilespmem:s9+$0x280];
	v10 =	vmul.f32 $3.200000000e+01, v18;
	s22 =	sld [smem:$0x7CF];
	[tilespmem:s7+$0x80] =	vst v15  }
0x26e: {  	v8 =	vadd.f32 v14, v8;
	v13 =	vmul.f32 $3.200000000e+01, v13;
	v17 =	vld [tilespmem:s17+$0x80];
	[tilespmem:s8+$0x280] =	vst v2  }
0x26f: {  	v14 =	vld [tilespmem:s21+$0x100];
	v2 =	vadd.f32 v10, v9;
	s4 =	rddreg [dreg:$0xa]  }
0x270: {  	s10 =	sadd.s32 s11, s12;
	v15 =	vmul.f32 $3.200000000e+01, v19;
	v18 =	vld [tilespmem:s18+$0x300];
	[tilespmem:s23+$0x180] =	vst v8;
	v8 =	vadd.f32 v13, v6;
	s6 =	sadd.s32 s4, s6  }
0x271: {  	s28 =	sadd.s32 s30, s10;
	v12 =	vmul.f32 $3.200000000e+01, v12;
	s0 =	sadd.s32 s3, s22;
	v10 =	vld [tilespmem:s6+$0x0];
	[tilespmem:s31+$0x200] =	vst v2  }
0x272: {  	v13 =	vadd.f32 v15, v3;
	v2 =	vmul.f32 $3.200000000e+01, v16;
	[tilespmem:s28+$0x0] =	vst v8;
	v11 =	vld [tilespmem:s0+$0x0]  }
0x273: {  	v15 =	vld [tilespmem:s15+$0x280];
	v8 =	vadd.f32 v12, v1;
	[smem:$0x7D9] =	sst s25;
	v12 =	vmul.f32 $3.200000000e+01, v17  }
0x274: {  	[tilespmem:s25+$0x280] =	vst v13;
	v2 =	vadd.f32 v2, v4  }
0x275: {  	[tilespmem:s24+$0x80] =	vst v8;
	v8 =	vadd.f32 v12, v5  }
0x276: {  	[tilespmem:s26+$0x280] =	vst v2  }
0x277: {  	[tilespmem:s2+$0x80] =	vst v8  }
0x278: {  	s11 =	smov.u32 s2;
	v13 =	vld [tilespmem:s1+$0x80];
	v14 =	vmul.f32 $3.200000000e+01, v14;
	s2 =	sld [smem:$0x7D0]  }
0x279: {  	v16 =	vld [tilespmem:s20+$0x300]  }
0x27a: {  	v12 =	vmul.f32 $3.200000000e+01, v18;
	v17 =	vld [tilespmem:s5+$0x100];
	v2 =	vadd.f32 v14, v0;
	s14 =	rddreg [dreg:$0x9]  }
0x27b: {  	s22 =	smov.u32 s21;
	v14 =	vld [tilespmem:s9+$0x300];
	s6 =	sadd.s32 s2, s14  }
0x27c: {  	s21 =	smov.u32 s12;
	s12 =	smov.u32 s1;
	v8 =	vadd.f32 v12, v7;
	v12 =	vmul.f32 $3.200000000e+01, v15;
	v15 =	vld [tilespmem:s17+$0x100];
	[tilespmem:s7+$0x100] =	vst v2;
	s1 =	sadd.s32 s3, s6  }
0x27d: {  	v18 =	vld [tilespmem:s1+$0x0];
	[smem:$0x7DA] =	sst s7  }
0x27e: {  	v2 =	vmul.f32 $3.200000000e+01, v13;
	[tilespmem:s8+$0x300] =	vst v8;
	v8 =	vadd.f32 v12, v9  }
0x27f: {  	v16 =	vmul.f32 $3.200000000e+01, v16;
	v13 =	vld [tilespmem:s22+$0x180]  }
0x280: {  	v2 =	vadd.f32 v2, v6;
	v19 =	vld [tilespmem:s16+$0x200];
	[tilespmem:s31+$0x280] =	vst v8  }
0x281: {  	v17 =	vmul.f32 $3.200000000e+01, v17;
	v16 =	vadd.f32 v16, v3;
	v12 =	vld [tilespmem:s18+$0x380];
	[smem:$0x7DE] =	sst s31  }
0x282: {  	v8 =	vmul.f32 $3.200000000e+01, v14;
	[tilespmem:s28+$0x80] =	vst v2  }
0x283: {  	v15 =	vmul.f32 $3.200000000e+01, v15;
	v14 =	vld [tilespmem:s15+$0x300];
	v2 =	vadd.f32 v17, v1;
	[tilespmem:s25+$0x300] =	vst v16  }
0x284: {  	v8 =	vadd.f32 v8, v4;
	v16 =	vld [tilespmem:s12+$0x100];
	[smem:$0x7DB] =	sst s12  }
0x285: {  	v17 =	vmul.f32 $3.200000000e+01, v18;
	[tilespmem:s24+$0x100] =	vst v2;
	v2 =	vadd.f32 v15, v5  }
0x286: {  	v18 =	vld [tilespmem:s20+$0x380];
	[tilespmem:s26+$0x300] =	vst v8  }
0x287: {  	s29 =	smov.u32 s23;
	s10 =	sadd.s32 s2, s13;
	s6 =	smov.u32 s11;
	v15 =	vadd.f32 v17, v11;
	v17 =	vld [tilespmem:s5+$0x180];
	[tilespmem:s11+$0x100] =	vst v2  }
0x288: {  	s23 =	smov.u32 s16;
	s16 =	sadd.s32 s3, s10;
	v13 =	vmul.f32 $3.200000000e+01, v13;
	v8 =	vld [tilespmem:s9+$0x380];
	[dreg:$0x18] =	wrdreg s6  }
0x289: {  	v12 =	vmul.f32 $3.200000000e+01, v12;
	[tilespmem:s16+$0x0] =	vst v15  }
0x28a: {  	v0 =	vadd.f32 v13, v0;
	s11 =	sld [smem:$0x7D1]  }
0x28b: {  	v2 =	vadd.f32 v12, v7;
	s13 =	sld [smem:$0x7D2]  }
0x28c: {  	v13 =	vmul.f32 $3.200000000e+01, v19;
	s9 =	rddreg [dreg:$0xc];
	[tilespmem:s7+$0x180] =	vst v0  }
0x28d: {  	[tilespmem:s8+$0x380] =	vst v2  }
0x28e: {  	v7 =	vmul.f32 $3.200000000e+01, v14;
	v13 =	vadd.f32 v13, v10;
	s8 =	sld [smem:$0x7E4]  }
0x28f: {  	v12 =	vld [tilespmem:s17+$0x180];
	s20 =	sld [smem:$0x7D3]  }
0x290: {  	v15 =	vmul.f32 $3.200000000e+01, v16;
	v14 =	vld [tilespmem:s1+$0x80];
	v7 =	vadd.f32 v7, v9;
	[tilespmem:s29+$0x200] =	vst v13  }
0x291: {  	s3 =	simm.s32 $0xA0;
	s10 =	simm.s32 $0x500;
	v16 =	vld [tilespmem:s23+$0x280];
	s18 =	sadd.s32 s13, s11  }
0x292: {  	s7 =	simm.s32 $0x500;
	v13 =	vadd.f32 v15, v6;
	v15 =	vmul.f32 $3.200000000e+01, v17;
	[tilespmem:s31+$0x300] =	vst v7;
	s13 =	smov.u32 s1;
	v0 =	vld [tilespmem:s18+$0x0];
	s0 =	sadd.s32 s8, s20  }
0x293: {  	v2 =	vld [tilespmem:s0+$0x0];
	s0 =	smov.u32 s29;
	s29 =	sand.u32 $0x60, s3;
	[dreg:$0x15] =	wrdreg s10  }
0x294: {  	v7 =	vmul.f32 $3.200000000e+01, v8;
	s1 =	rddreg [dreg:$0x5];
	v1 =	vadd.f32 v15, v1;
	s10 =	sand.u32 $0xC00, s7;
	v17 =	vld [tilespmem:s15+$0x380];
	[tilespmem:s28+$0x100] =	vst v13;
	s11 =	sor.u32 $0x10, s29  }
0x295: {  	s2 =	sadd.s32 s10, s1;
	v13 =	vld [tilespmem:s12+$0x180];
	[dreg:$0x1b] =	wrdreg s11  }
0x296: {  	s9 =	sadd.s32 $0x100, s9;
	v4 =	vadd.f32 v7, v4;
	s12 =	sadd.s32 s11, s2;
	[tilespmem:s24+$0x180] =	vst v1  }
0x297: {  	v7 =	vld [tilespmem:s12+$0x0];
	[smem:$0x7E0] =	sst s9  }
0x298: {  	s15 =	rddreg [dreg:$0x17];
	[tilespmem:s26+$0x380] =	vst v4  }
0x299: {  	s26 =	sld [smem:$0x7D4]  }
0x29a: {  	v8 =	vmul.f32 $3.200000000e+01, v12  }
0x29b: {  	v12 =	vmul.f32 $3.200000000e+01, v14;
	s7 =	sadd.s32 $0x80, s19  }
0x29c: {  	v1 =	vadd.f32 v8, v5;
	s18 =	sadd.s32 s15, s7;
	s1 =	sadd.s32 $0x180, s26  }
0x29d: {  	v8 =	vadd.f32 v12, v11;
	v5 =	vld [tilespmem:s18+$0x0];
	[smem:$0x7E3] =	sst s1  }
0x29e: {  	s20 =	rddreg [dreg:$0x1f];
	[tilespmem:s6+$0x180] =	vst v1  }
0x29f: {  	s11 =	sld [smem:$0x7D5];
	[tilespmem:s16+$0x80] =	vst v8  }
0x2a0: {  	v12 =	vmul.f32 $3.200000000e+01, v16;
	s9 =	sadd.s32 s20, s9;
	s20 =	sld [smem:$0x7D6]  }
0x2a1: {  	s18 =	sadd.s32 s29, s2;
	v4 =	vld [tilespmem:s9+$0x0]  }
0x2a2: {  	v12 =	vadd.f32 v12, v10;
	v13 =	vmul.f32 $3.200000000e+01, v13;
	v8 =	vld [tilespmem:s18+$0x0]  }
0x2a3: {  	v14 =	vld [tilespmem:s13+$0x100];
	s12 =	sadd.s32 s11, s1;
	s15 =	sadd.s32 s20, s14  }
0x2a4: {  	v6 =	vadd.f32 v13, v6;
	[tilespmem:s0+$0x280] =	vst v12;
	v1 =	vld [tilespmem:s12+$0x0];
	s11 =	sadd.s32 s8, s15  }
0x2a5: {  	s4 =	smov.u32 s30;
	v15 =	vld [tilespmem:s11+$0x0];
	[smem:$0x7DF] =	sst s0  }
0x2a6: {  	s25 =	smov.u32 s5;
	s3 =	smov.u32 s0;
	s30 =	smov.u32 s2;
	[tilespmem:s28+$0x180] =	vst v6  }
0x2a7: {  	s7 =	sadd.s32 s4, s7;
	s26 =	simm.s32 $0x1580;
	s9 =	rddreg [dreg:$0x7]  }
0x2a8: {  	s6 =	smov.u32 s14;
	s1 =	simm.s32 $0x2B0;
	v14 =	vmul.f32 $3.200000000e+01, v14;
	v12 =	vld [tilespmem:s23+$0x300];
	s15 =	sld [smem:$0x7D7]  }
0x2a9: {  	s14 =	sand.u32 $0x1C00, s26;
	s0 =	simm.s32 $0x2B0;
	v13 =	vld [tilespmem:s25+$0x200];
	s31 =	sld [smem:$0x7D8]  }
0x2aa: {  	s2 =	sand.u32 $0x70, s0;
	v6 =	vld [tilespmem:s7+$0x0];
	[dreg:$0x1c] =	wrdreg s1;
	v14 =	vadd.f32 v14, v11;
	s5 =	sadd.s32 s14, s9  }
0x2ab: {  	v16 =	vld [tilespmem:s22+$0x200];
	s7 =	sadd.s32 s2, s5;
	s18 =	sadd.s32 s15, s6  }
0x2ac: {  	s26 =	rddreg [dreg:$0x8];
	[tilespmem:s16+$0x100] =	vst v14;
	v15 =	vmul.f32 $3.200000000e+01, v15;
	v19 =	vld [tilespmem:s7+$0x0];
	s18 =	sadd.s32 s31, s18  }
0x2ad: {  	v59 =	vld [tilespmem:s18+$0x0];
	[smem:$0x7E2] =	sst s16  }
0x2ae: {  	s0 =	sadd.s32 s20, s26;
	v12 =	vmul.f32 $3.200000000e+01, v12;
	v15 =	vadd.f32 v15, v2;
	v14 =	vld [tilespmem:s17+$0x200]  }
0x2af: {  	s8 =	sadd.s32 s8, s0;
	v13 =	vmul.f32 $3.200000000e+01, v13;
	v60 =	vld [tilespmem:s13+$0x180];
	[smem:$0x7E6] =	sst s13  }
0x2b0: {  	s1 =	sor.u32 $0x1000, s10;
	v12 =	vadd.f32 v12, v10;
	[tilespmem:s8+$0x0] =	vst v15  }
0x2b1: {  	v13 =	vadd.f32 v13, v5;
	[smem:$0x7E7] =	sst s1  }
0x2b2: {  	[tilespmem:s3+$0x300] =	vst v12  }
0x2b3: {  	v18 =	vmul.f32 $3.200000000e+01, v18;
	[tilespmem:s24+$0x200] =	vst v13  }
0x2b4: {  	s6 =	smov.u32 s7;
	s7 =	sld [smem:$0x7D9]  }
0x2b5: {  	v3 =	vadd.f32 v18, v3  }
0x2b6: {  	s9 =	sadd.s32 s1, s9  }
0x2b7: {  	s10 =	sadd.s32 s29, s9;
	v15 =	vmul.f32 $3.200000000e+01, v16;
	v16 =	vld [tilespmem:s11+$0x80];
	[tilespmem:s7+$0x380] =	vst v3  }
0x2b8: {  	v12 =	vmul.f32 $3.200000000e+01, v19;
	v18 =	vld [tilespmem:s10+$0x0];
	s7 =	sld [smem:$0x7DA]  }
0x2b9: {  	v13 =	vadd.f32 v15, v0;
	v19 =	vld [tilespmem:s23+$0x380]  }
0x2ba: {  	v15 =	vmul.f32 $3.200000000e+01, v59;
	v3 =	vadd.f32 v12, v7;
	v12 =	vmul.f32 $3.200000000e+01, v14;
	v14 =	vld [tilespmem:s25+$0x280];
	[dreg:$0x13] =	wrdreg s14  }
0x2bb: {  	s12 =	smov.u32 s25;
	s9 =	sadd.s32 s14, s21;
	[tilespmem:s7+$0x200] =	vst v13  }
0x2bc: {  	v15 =	vadd.f32 v15, v4;
	s25 =	sadd.s32 s2, s9;
	s14 =	sadd.s32 s15, s26;
	[dreg:$0x14] =	wrdreg s2  }
0x2bd: {  	s14 =	sadd.s32 s31, s14;
	s0 =	sld [smem:$0x7DB];
	[tilespmem:s25+$0x0] =	vst v3  }
0x2be: {  	v12 =	vadd.f32 v12, v1;
	v13 =	vmul.f32 $3.200000000e+01, v60;
	[tilespmem:s14+$0x0] =	vst v15  }
0x2bf: {  	v3 =	vmul.f32 $3.200000000e+01, v16;
	s2 =	rddreg [dreg:$0x18]  }
0x2c0: {  	v62 =	vld [tilespmem:s22+$0x280];
	v11 =	vadd.f32 v13, v11;
	v16 =	vmul.f32 $3.200000000e+01, v18;
	[tilespmem:s2+$0x200] =	vst v12  }
0x2c1: {  	s20 =	smov.u32 s13;
	s13 =	smov.u32 s1;
	v15 =	vmul.f32 $3.200000000e+01, v17;
	v18 =	vld [tilespmem:s18+$0x80];
	v17 =	vadd.f32 v3, v2;
	s23 =	sld [smem:$0x7DC]  }
0x2c2: {  	s5 =	sadd.s32 s13, s21;
	v61 =	vld [tilespmem:s0+$0x200];
	s3 =	sld [smem:$0x7DD];
	[tilespmem:s16+$0x180] =	vst v11;
	v11 =	vadd.f32 v16, v8  }
0x2c3: {  	s13 =	sadd.s32 s29, s5;
	v14 =	vmul.f32 $3.200000000e+01, v14;
	v12 =	vld [tilespmem:s17+$0x280];
	[tilespmem:s8+$0x80] =	vst v17  }
0x2c4: {  	v13 =	vld [tilespmem:s6+$0x80];
	[tilespmem:s13+$0x0] =	vst v11  }
0x2c5: {  	v14 =	vadd.f32 v14, v5;
	v16 =	vmul.f32 $3.200000000e+01, v62;
	s1 =	sadd.s32 s3, s23;
	s3 =	sld [smem:$0x7DE]  }
0x2c6: {  	v9 =	vadd.f32 v15, v9;
	v18 =	vmul.f32 $3.200000000e+01, v18  }
0x2c7: {  	[tilespmem:s24+$0x280] =	vst v14;
	v15 =	vmul.f32 $3.200000000e+01, v61;
	v16 =	vadd.f32 v16, v0  }
0x2c8: {  	v12 =	vmul.f32 $3.200000000e+01, v12;
	v18 =	vadd.f32 v18, v4;
	[tilespmem:s3+$0x380] =	vst v9  }
0x2c9: {  	v9 =	vmul.f32 $3.200000000e+01, v13;
	v13 =	vadd.f32 v15, v6;
	[tilespmem:s7+$0x280] =	vst v16  }
0x2ca: {  	v12 =	vadd.f32 v12, v1;
	[tilespmem:s14+$0x80] =	vst v18  }
0x2cb: {  	v9 =	vadd.f32 v9, v7;
	[tilespmem:s28+$0x200] =	vst v13  }
0x2cc: {  	v11 =	vld [tilespmem:s11+$0x100];
	[tilespmem:s2+$0x280] =	vst v12  }
0x2cd: {  	v15 =	vld [tilespmem:s10+$0x80];
	v16 =	vmul.f32 $3.200000000e+01, v19;
	[tilespmem:s25+$0x80] =	vst v9  }
0x2ce: {  	s2 =	sld [smem:$0x7DF]  }
0x2cf: {  	v13 =	vld [tilespmem:s12+$0x300];
	v10 =	vadd.f32 v16, v10  }
0x2d0: {  	v14 =	vld [tilespmem:s0+$0x280]  }
0x2d1: {  	v17 =	vld [tilespmem:s20+$0x200];
	v11 =	vmul.f32 $3.200000000e+01, v11;
	[tilespmem:s2+$0x380] =	vst v10  }
0x2d2: {  	v15 =	vmul.f32 $3.200000000e+01, v15;
	s5 =	rddreg [dreg:$0xa]  }
0x2d3: {  	v3 =	vld [tilespmem:s1+$0x0];
	v11 =	vadd.f32 v11, v2;
	s3 =	sld [smem:$0x7E0]  }
0x2d4: {  	s1 =	smov.u32 s28;
	v12 =	vadd.f32 v15, v8;
	v13 =	vmul.f32 $3.200000000e+01, v13;
	s28 =	sld [smem:$0x7E1]  }
0x2d5: {  	v14 =	vmul.f32 $3.200000000e+01, v14;
	s20 =	rddreg [dreg:$0x9];
	[tilespmem:s8+$0x100] =	vst v11  }
0x2d6: {  	v16 =	vmul.f32 $3.200000000e+01, v17;
	v19 =	vld [tilespmem:s6+$0x100];
	[tilespmem:s13+$0x80] =	vst v12;
	v12 =	vadd.f32 v13, v5  }
0x2d7: {  	s21 =	smov.u32 s12;
	s12 =	smov.u32 s13;
	v14 =	vadd.f32 v14, v6;
	s13 =	sld [smem:$0x7E2]  }
0x2d8: {  	v9 =	vld [tilespmem:s22+$0x300];
	v16 =	vadd.f32 v16, v3;
	[tilespmem:s24+$0x300] =	vst v12  }
0x2d9: {  	[tilespmem:s1+$0x280] =	vst v14  }
0x2da: {  	v17 =	vld [tilespmem:s18+$0x100];
	[tilespmem:s13+$0x200] =	vst v16  }
0x2db: {  	s31 =	smov.u32 s10;
	v18 =	vmul.f32 $3.200000000e+01, v19;
	v19 =	vld [tilespmem:s10+$0x100];
	s10 =	sld [smem:$0x7E3]  }
0x2dc: {  	s2 =	smov.u32 s11;
	v63 =	vld [tilespmem:s11+$0x180];
	s11 =	sld [smem:$0x7E4]  }
0x2dd: {  	v15 =	vld [tilespmem:s17+$0x300];
	v9 =	vmul.f32 $3.200000000e+01, v9  }
0x2de: {  	s15 =	smov.u32 s6;
	s3 =	sadd.s32 s5, s3;
	s6 =	sadd.s32 s28, s20;
	v13 =	vld [tilespmem:s21+$0x380]  }
0x2df: {  	v9 =	vadd.f32 v9, v0;
	v10 =	vld [tilespmem:s3+$0x0];
	s16 =	sadd.s32 s5, s6;
	s3 =	sadd.s32 s11, s10  }
0x2e0: {  	v11 =	vld [tilespmem:s16+$0x0];
	[dreg:$0x1a] =	wrdreg s3  }
0x2e1: {  	[tilespmem:s7+$0x300] =	vst v9  }
0x2e2: {  	s11 =	sld [smem:$0x7E5];
	_ =	sdelay $0x1  }
0x2e3: {  	s26 =	smov.u32 s26  }
0x2e4: {  	s21 =	sadd.s32 s28, s26;
	s28 =	smov.u32 s7;
	s7 =	sadd.s32 s11, s20  }
0x2e5: {  	v12 =	vadd.f32 v18, v7;
	s10 =	sadd.s32 s4, s7  }
0x2e6: {  	v14 =	vmul.f32 $3.200000000e+01, v15;
	v15 =	vld [tilespmem:s0+$0x300];
	[dreg:$0x10] =	wrdreg s10  }
0x2e7: {  	v16 =	vmul.f32 $3.200000000e+01, v17;
	s3 =	sld [smem:$0x7E6];
	[tilespmem:s25+$0x100] =	vst v12  }
0x2e8: {  	s6 =	smov.u32 s20;
	s20 =	smov.u32 s25;
	s25 =	sld [smem:$0x7E7]  }
0x2e9: {  	v17 =	vadd.f32 v16, v4  }
0x2ea: {  	s7 =	smov.u32 s15  }
0x2eb: {  	s15 =	sadd.s32 s11, s26;
	s11 =	smov.u32 s13;
	[tilespmem:s14+$0x100] =	vst v17;
	s6 =	sadd.s32 s25, s6  }
0x2ec: {  	v9 =	vld [tilespmem:s3+$0x280];
	s10 =	sadd.s32 s25, s26;
	s26 =	rddreg [dreg:$0x18];
	s13 =	sadd.s32 s29, s6  }
0x2ed: {  	v18 =	vadd.f32 v14, v1;
	v11 =	vmul.f32 $3.200000000e+01, v11;
	v16 =	vld [tilespmem:s7+$0x180];
	s25 =	sadd.s32 s29, s10;
	[dreg:$0x11] =	wrdreg s13  }
0x2ee: {  	s23 =	smov.u32 s29;
	[dreg:$0xf] =	wrdreg s25  }
0x2ef: {  	s21 =	sadd.s32 s5, s21;
	v14 =	vadd.f32 v11, v10;
	s15 =	sadd.s32 s4, s15;
	v12 =	vmul.f32 $3.200000000e+01, v63;
	v17 =	vmul.f32 $3.200000000e+01, v19;
	s29 =	simm.s32 $0xA;
	v11 =	vld [tilespmem:s18+$0x180];
	[tilespmem:s26+$0x300] =	vst v18  }
.LBB2_5:
0x2f0: {  	[smem:$0x7BC] =	sst s2  }
0x2f1: {  	[smem:$0x7E2] =	sst s11  }
0x2f2: {  	[smem:$0x7C1] =	sst s15  }
0x2f3: {  	[smem:$0x7BD] =	sst s16  }
0x2f4: {  	[smem:$0x7BE] =	sst s8  }
0x2f5: {  	[smem:$0x7E6] =	sst s3  }
0x2f6: {  	[smem:$0x7DB] =	sst s0  }
0x2f7: {  	[smem:$0x7C2] =	sst s1  }
0x2f8: {  	s6 =	rddreg [dreg:$0x5]  }
0x2f9: {  	s25 =	rddreg [dreg:$0x1c]  }
0x2fa: {  	s5 =	rddreg [dreg:$0x15]  }
0x2fb: {  	[smem:$0x7B9] =	sst s12  }
0x2fc: {  	[smem:$0x7C0] =	sst s21  }
0x2fd: {  	s3 =	smov.u32 s28;
	s13 =	smov.u32 s31;
	[smem:$0x7BB] =	sst s14  }
0x2fe: {  	s15 =	smov.u32 s14;
	s28 =	rddreg [dreg:$0x19];
	s25 =	sadd.s32 $0x20, s25  }
0x2ff: {  	v17 =	vadd.f32 v17, v8;
	[tilespmem:s21+$0x0] =	vst v14;
	v14 =	vld [tilespmem:s17+$0x380];
	s17 =	smov.u32 s18;
	s5 =	sadd.s32 $0x100, s5;
	s9 =	sadd.s32 $0xFFFFFDF0, s25  }
0x300: {  	v18 =	vld [tilespmem:s16+$0x80];
	s10 =	sand.u32 $0xC00, s5;
	[dreg:$0x15] =	wrdreg s5;
	s16 =	sadd.s32 $0x1080, s5  }
0x301: {  	v12 =	vadd.f32 v12, v2;
	[dreg:$0x1c] =	wrdreg s25;
	s26 =	sand.u32 $0x60, s9;
	[tilespmem:s12+$0x100] =	vst v17;
	s12 =	sadd.s32 s10, s6  }
0x302: {  	v2 =	vmov v10;
	v10 =	vmul.f32 $3.200000000e+01, v16;
	v15 =	vmul.f32 $3.200000000e+01, v15;
	s9 =	sand.u32 $0x70, s25;
	s25 =	rddreg [dreg:$0x7];
	s14 =	sor.u32 $0x1000, s10;
	v16 =	vld [tilespmem:s22+$0x380]  }
0x303: {  	s18 =	sor.u32 $0x10, s26;
	s22 =	smov.u32 s21;
	v17 =	vld [tilespmem:s31+$0x180];
	[tilespmem:s8+$0x180] =	vst v12;
	s8 =	rddreg [dreg:$0x1b]  }
0x304: {  	s21 =	sand.u32 $0x1C00, s16;
	s5 =	sadd.s32 s14, s25;
	s31 =	rddreg [dreg:$0x16];
	v15 =	vadd.f32 v15, v6  }
0x305: {  	v9 =	vmul.f32 $3.200000000e+01, v9;
	v10 =	vadd.f32 v10, v7;
	[smem:$0x7BA] =	sst s18;
	s6 =	sadd.s32 s18, s12;
	s0 =	sadd.s32 s21, s25  }
0x306: {  	v13 =	vmul.f32 $3.200000000e+01, v13;
	s25 =	smov.u32 s20;
	v7 =	vld [tilespmem:s6+$0x0];
	s10 =	sadd.s32 s9, s0;
	s0 =	rddreg [dreg:$0x6];
	[tilespmem:s1+$0x300] =	vst v15  }
0x307: {  	v11 =	vmul.f32 $3.200000000e+01, v11;
	s16 =	sadd.s32 s26, s5;
	v9 =	vadd.f32 v9, v3;
	v15 =	vld [tilespmem:s10+$0x0];
	[tilespmem:s20+$0x180] =	vst v10;
	s20 =	sadd.s32 s14, s0;
	s0 =	rddreg [dreg:$0x18]  }
0x308: {  	v13 =	vadd.f32 v13, v5;
	s6 =	sadd.s32 $0x80, s30;
	v12 =	vld [tilespmem:s2+$0x200];
	s2 =	rddreg [dreg:$0x9];
	s5 =	sadd.s32 s26, s20  }
0x309: {  	v14 =	vmul.f32 $3.200000000e+01, v14;
	v4 =	vadd.f32 v11, v4;
	[tilespmem:s11+$0x280] =	vst v9;
	s11 =	sadd.s32 s8, s6;
	[smem:$0x7BF] =	sst s5  }
0x30a: {  	v5 =	vld [tilespmem:s11+$0x0];
	[tilespmem:s24+$0x380] =	vst v13;
	s24 =	sadd.s32 s28, s2;
	s20 =	sadd.s32 s14, s2;
	s2 =	rddreg [dreg:$0x8]  }
0x30b: {  	s1 =	smov.u32 s30;
	v9 =	vmul.f32 $3.200000000e+01, v18;
	v1 =	vadd.f32 v14, v1;
	s5 =	sadd.s32 s23, s6;
	v13 =	vld [tilespmem:s7+$0x200];
	[tilespmem:s15+$0x180] =	vst v4;
	s15 =	rddreg [dreg:$0x17]  }
0x30c: {  	s6 =	sadd.s32 $0x100, s19;
	s18 =	sadd.s32 s31, s24;
	s24 =	rddreg [dreg:$0x1f]  }
0x30d: {  	v10 =	vmul.f32 $3.200000000e+01, v16;
	v14 =	vadd.f32 v9, v2;
	v16 =	vld [tilespmem:s18+$0x0];
	[tilespmem:s0+$0x380] =	vst v1;
	s30 =	sadd.s32 s15, s6;
	s0 =	rddreg [dreg:$0xc];
	s6 =	sadd.s32 s4, s6  }
0x30e: {  	s11 =	sadd.s32 s26, s12;
	s20 =	sadd.s32 s26, s20;
	[smem:$0x7C3] =	sst s6  }
0x30f: {  	v1 =	vadd.f32 v10, v0;
	[tilespmem:s22+$0x80] =	vst v14;
	s22 =	smov.u32 s7;
	s7 =	sadd.s32 $0x180, s0;
	s6 =	sld [smem:$0x7B9]  }
0x310: {  	v4 =	vld [tilespmem:s30+$0x0];
	s30 =	sadd.s32 s14, s2;
	s0 =	rddreg [dreg:$0xa];
	s24 =	sadd.s32 s24, s7  }
0x311: {  	[tilespmem:s3+$0x380] =	vst v1;
	s14 =	sadd.s32 s0, s7;
	s3 =	smov.u32 s4;
	s7 =	rddreg [dreg:$0x6]  }
0x312: {  	s4 =	smov.u32 s23;
	s23 =	smov.u32 s26;
	[dreg:$0xa] =	wrdreg s3  }
0x313: {  	v1 =	vld [tilespmem:s24+$0x0];
	s24 =	sadd.s32 s26, s30;
	s3 =	smov.u32 s8;
	s8 =	sld [smem:$0x7BA]  }
0x314: {  	s26 =	smov.u32 s19;
	s30 =	smov.u32 s12;
	s12 =	rddreg [dreg:$0x13]  }
0x315: {  	s19 =	smov.u32 s1;
	s1 =	smov.u32 s15;
	[dreg:$0xc] =	wrdreg s26  }
0x316: {  	[dreg:$0x1f] =	wrdreg s1  }
0x317: {  	[dreg:$0x17] =	wrdreg s3  }
0x318: {  	v11 =	vmul.f32 $3.200000000e+01, v17;
	s1 =	rddreg [dreg:$0x14]  }
0x319: {  	s15 =	smov.u32 s12;
	s12 =	rddreg [dreg:$0x10]  }
0x31a: {  	v0 =	vmov v3;
	v3 =	vadd.f32 v11, v8;
	s26 =	smov.u32 s21;
	[dreg:$0x19] =	wrdreg s15  }
0x31b: {  	s3 =	smov.u32 s9;
	[dreg:$0x13] =	wrdreg s26  }
0x31c: {  	v10 =	vld [tilespmem:s17+$0x200];
	[tilespmem:s6+$0x180] =	vst v3;
	[dreg:$0x14] =	wrdreg s3  }
0x31d: {  	v3 =	vld [tilespmem:s16+$0x0];
	s26 =	sld [smem:$0x7BB]  }
0x31e: {  	s0 =	smov.u32 s13;
	v8 =	vld [tilespmem:s11+$0x0];
	s15 =	rddreg [dreg:$0x11]  }
0x31f: {  	s11 =	sadd.s32 s21, s7;
	v14 =	vld [tilespmem:s13+$0x200];
	s13 =	smov.u32 s16;
	s16 =	sld [smem:$0x7C1]  }
0x320: {  	s7 =	sadd.s32 s9, s11;
	s11 =	smov.u32 s8;
	s8 =	sld [smem:$0x7E6]  }
0x321: {  	v11 =	vmul.f32 $3.200000000e+01, v15;
	s9 =	sld [smem:$0x7BC]  }
0x322: {  	v9 =	vmul.f32 $3.200000000e+01, v12;
	v12 =	vmul.f32 $3.200000000e+01, v13;
	s21 =	smov.u32 s15;
	s15 =	sld [smem:$0x7C0]  }
0x323: {  	v11 =	vadd.f32 v11, v7;
	v13 =	vmul.f32 $3.200000000e+01, v16;
	[dreg:$0x1b] =	wrdreg s11  }
0x324: {  	s2 =	sadd.s32 s28, s2;
	v12 =	vadd.f32 v12, v5;
	v10 =	vmul.f32 $3.200000000e+01, v10;
	s11 =	sld [smem:$0x7BD]  }
0x325: {  	[tilespmem:s7+$0x0] =	vst v11;
	v11 =	vld [tilespmem:s5+$0x0];
	v13 =	vadd.f32 v13, v4;
	s5 =	sadd.s32 s31, s2;
	s2 =	smov.u32 s1;
	s31 =	sld [smem:$0x7BF]  }
0x326: {  	v15 =	vld [tilespmem:s10+$0x80];
	[tilespmem:s25+$0x200] =	vst v12;
	v10 =	vadd.f32 v10, v1;
	[dreg:$0x16] =	wrdreg s2;
	v3 =	vmul.f32 $3.200000000e+01, v3  }
0x327: {  	v12 =	vld [tilespmem:s22+$0x280];
	[tilespmem:s5+$0x0] =	vst v13;
	s2 =	smov.u32 s11;
	s11 =	sld [smem:$0x7DB]  }
0x328: {  	s28 =	smov.u32 s22;
	s1 =	smov.u32 s12;
	s12 =	sld [smem:$0x7BE];
	v13 =	vld [tilespmem:s18+$0x80];
	[tilespmem:s26+$0x200] =	vst v10;
	v10 =	vmul.f32 $3.200000000e+01, v14;
	v3 =	vadd.f32 v3, v8  }
0x329: {  	[dreg:$0x10] =	wrdreg s21;
	s22 =	smov.u32 s8;
	s8 =	smov.u32 s20;
	v14 =	vld [tilespmem:s17+$0x280]  }
0x32a: {  	[dreg:$0x11] =	wrdreg s8;
	v10 =	vadd.f32 v10, v11;
	v16 =	vld [tilespmem:s11+$0x380];
	[tilespmem:s31+$0x0] =	vst v3  }
0x32b: {  	s11 =	smov.u32 s12;
	s12 =	rddreg [dreg:$0xf];
	v3 =	vmul.f32 $3.200000000e+01, v15;
	v15 =	vld [tilespmem:s2+$0x100]  }
0x32c: {  	s8 =	smov.u32 s15;
	s15 =	smov.u32 s12;
	v12 =	vmul.f32 $3.200000000e+01, v12;
	s12 =	rddreg [dreg:$0x1a];
	v17 =	vld [tilespmem:s13+$0x80];
	[tilespmem:s6+$0x200] =	vst v10  }
0x32d: {  	s21 =	smov.u32 s16;
	s16 =	smov.u32 s24;
	s24 =	smov.u32 s25;
	v10 =	vmul.f32 $3.200000000e+01, v13;
	v18 =	vadd.f32 v3, v7;
	v3 =	vld [tilespmem:s12+$0x0]  }
0x32e: {  	s25 =	smov.u32 s7;
	s3 =	smov.u32 s9;
	s9 =	sld [smem:$0x7E2];
	v13 =	vld [tilespmem:s0+$0x280];
	v12 =	vadd.f32 v12, v5;
	v14 =	vmul.f32 $3.200000000e+01, v14  }
0x32f: {  	[dreg:$0xf] =	wrdreg s16;
	v10 =	vadd.f32 v10, v4;
	[tilespmem:s25+$0x80] =	vst v18;
	v16 =	vmul.f32 $3.200000000e+01, v16;
	v18 =	vld [tilespmem:s22+$0x300]  }
0x330: {  	s16 =	smov.u32 s14;
	s14 =	smov.u32 s5;
	s5 =	sld [smem:$0x7C2];
	v14 =	vadd.f32 v14, v1;
	v19 =	vld [tilespmem:s10+$0x100];
	[tilespmem:s24+$0x280] =	vst v12;
	v12 =	vmul.f32 $3.200000000e+01, v15  }
0x331: {  	s20 =	smov.u32 s9;
	s9 =	smov.u32 s26;
	v15 =	vmul.f32 $3.200000000e+01, v17;
	v17 =	vld [tilespmem:s28+$0x300];
	v16 =	vadd.f32 v16, v6;
	[tilespmem:s14+$0x80] =	vst v10  }
0x332: {  	s26 =	sld [smem:$0x7C3];
	v6 =	vmov v11;
	v11 =	vld [tilespmem:s18+$0x100];
	[tilespmem:s9+$0x280] =	vst v14;
	v10 =	vadd.f32 v12, v2  }
0x333: {  	[dreg:$0x1a] =	wrdreg s16;
	s16 =	smov.u32 s1;
	v12 =	vadd.f32 v15, v8;
	[tilespmem:s5+$0x380] =	vst v16  }
0x334: {  	s1 =	smov.u32 s6;
	s6 =	smov.u32 s31;
	v13 =	vmul.f32 $3.200000000e+01, v13;
	v16 =	vld [tilespmem:s16+$0x0];
	[tilespmem:s8+$0x100] =	vst v10  }
0x335: {  	v9 =	vadd.f32 v9, v3;
	v14 =	vld [tilespmem:s17+$0x300];
	[tilespmem:s6+$0x80] =	vst v12  }
0x336: {  	v15 =	vmul.f32 $3.200000000e+01, v18;
	v13 =	vadd.f32 v13, v6;
	v10 =	vld [tilespmem:s26+$0x0]  }
0x337: {  	v12 =	vmul.f32 $3.200000000e+01, v19;
	v18 =	vld [tilespmem:s13+$0x100];
	[tilespmem:s11+$0x200] =	vst v9  }
0x338: {  	s29 =	sadd.s32 $0x2, s29;
	v17 =	vmul.f32 $3.200000000e+01, v17;
	v9 =	vadd.f32 v15, v0;
	[tilespmem:s1+$0x280] =	vst v13  }
0x339: {  	p0 =	slt.u32 s29, $0x1E;
	v11 =	vmul.f32 $3.200000000e+01, v11;
	v12 =	vadd.f32 v12, v7;
	v19 =	vld [tilespmem:s2+$0x180]  }
.Ltmp1:
0x33a: {  	v13 =	vadd.f32 v17, v5;
	v14 =	vmul.f32 $3.200000000e+01, v14;
	v15 =	vld [tilespmem:s0+$0x300];
	[tilespmem:s20+$0x300] =	vst v9;
	(pc) =	sbr.rel @p0 .LBB2_5-.Ltmp1, $4  }
0x33b: {  	v11 =	vadd.f32 v11, v4;
	[tilespmem:s25+$0x100] =	vst v12;
	v9 =	vld [tilespmem:s3+$0x280]  }
0x33c: {  	s7 =	smov.u32 s28;
	v12 =	vmul.f32 $3.200000000e+01, v16;
	v20 =	vadd.f32 v14, v1;
	v16 =	vld [tilespmem:s10+$0x180];
	[tilespmem:s24+$0x300] =	vst v13  }
0x33d: {  	[dreg:$0x18] =	wrdreg s9;
	s31 =	smov.u32 s13;
	s12 =	smov.u32 s6;
	v13 =	vld [tilespmem:s7+$0x380];
	[tilespmem:s14+$0x100] =	vst v11  }
0x33e: {  	s28 =	smov.u32 s20;
	s20 =	smov.u32 s25;
	v17 =	vmul.f32 $3.200000000e+01, v18;
	v14 =	vadd.f32 v12, v10;
	s7 =	smov.u32 s10;
	v11 =	vld [tilespmem:s18+$0x180];
	[tilespmem:s9+$0x300] =	vst v20;
	v12 =	vmul.f32 $3.200000000e+01, v19  }
0x33f: {  	_ = 	snop  }
0x340: {  	v17 =	vadd.f32 v17, v8;
	_ =	sdelay $0x1  }
0x341: {  	[tilespmem:s12+$0x100] =	vst v17  }
0x342: {  	v17 =	vld [tilespmem:s31+$0x180];
	_ =	sdelay $0x1  }
0x343: {  	v16 =	vmul.f32 $3.200000000e+01, v16;
	_ =	sdelay $0x1  }
0x344: {  	v7 =	vadd.f32 v16, v7  }
0x345: {  	v23 =	vmul.f32 $3.200000000e+01, v17  }
0x346: {  	[tilespmem:s20+$0x180] =	vst v7  }
0x347: {  	s5 =	sadd.s32 $0x80, s30;
	s9 =	rddreg [dreg:$0x1b];
	v7 =	vadd.f32 v23, v8  }
0x348: {  	v24 =	vld [tilespmem:s7+$0x200];
	s6 =	sadd.s32 s9, s5  }
0x349: {  	v25 =	vld [tilespmem:s6+$0x0];
	[tilespmem:s12+$0x180] =	vst v7  }
0x34a: {  	v7 =	vld [tilespmem:s31+$0x200]  }
0x34b: {  	s5 =	sadd.s32 s23, s5  }
0x34c: {  	v26 =	vld [tilespmem:s5+$0x0]  }
0x34d: {  	v16 =	vmul.f32 $3.200000000e+01, v24;
	_ =	sdelay $0x1  }
0x34e: {  	v16 =	vadd.f32 v16, v25;
	v7 =	vmul.f32 $3.200000000e+01, v7;
	_ =	sdelay $0x1  }
0x34f: {  	[tilespmem:s20+$0x200] =	vst v16;
	v7 =	vadd.f32 v7, v26  }
0x350: {  	v16 =	vld [tilespmem:s7+$0x280]  }
0x351: {  	[tilespmem:s12+$0x200] =	vst v7  }
0x352: {  	v7 =	vld [tilespmem:s31+$0x280];
	_ =	sdelay $0x2  }
0x353: {  	v16 =	vmul.f32 $3.200000000e+01, v16;
	_ =	sdelay $0x1  }
0x354: {  	v16 =	vadd.f32 v16, v25;
	v7 =	vmul.f32 $3.200000000e+01, v7;
	_ =	sdelay $0x1  }
0x355: {  	[tilespmem:s20+$0x280] =	vst v16;
	v7 =	vadd.f32 v7, v26  }
0x356: {  	v16 =	vld [tilespmem:s7+$0x300]  }
0x357: {  	[tilespmem:s12+$0x280] =	vst v7  }
0x358: {  	v7 =	vld [tilespmem:s31+$0x300];
	_ =	sdelay $0x2  }
0x359: {  	v16 =	vmul.f32 $3.200000000e+01, v16  }
0x35a: {  	v15 =	vmul.f32 $3.200000000e+01, v15  }
0x35b: {  	v16 =	vadd.f32 v16, v25;
	v7 =	vmul.f32 $3.200000000e+01, v7  }
0x35c: {  	v15 =	vadd.f32 v15, v6  }
0x35d: {  	[tilespmem:s20+$0x300] =	vst v16;
	v7 =	vadd.f32 v7, v26  }
0x35e: {  	v13 =	vmul.f32 $3.200000000e+01, v13;
	[tilespmem:s1+$0x300] =	vst v15;
	v16 =	vld [tilespmem:s7+$0x380]  }
0x35f: {  	v15 =	vld [tilespmem:s0+$0x380];
	[tilespmem:s12+$0x300] =	vst v7  }
0x360: {  	v5 =	vadd.f32 v13, v5;
	v7 =	vld [tilespmem:s31+$0x380];
	[smem:$0x7BC] =	sst s2  }
0x361: {  	s7 =	rddreg [dreg:$0x9]  }
0x362: {  	s31 =	rddreg [dreg:$0x19];
	[tilespmem:s24+$0x380] =	vst v5  }
0x363: {  	v27 =	vmul.f32 $3.200000000e+01, v16;
	s25 =	sadd.s32 s31, s7;
	s24 =	rddreg [dreg:$0x16]  }
0x364: {  	s10 =	sadd.s32 s24, s25  }
0x365: {  	s26 =	sadd.s32 $0x100, s19;
	v28 =	vmul.f32 $3.200000000e+01, v15;
	v8 =	vadd.f32 v27, v25;
	s25 =	rddreg [dreg:$0x17];
	v5 =	vld [tilespmem:s10+$0x0]  }
0x366: {  	s2 =	sadd.s32 s25, s26;
	v7 =	vmul.f32 $3.200000000e+01, v7  }
0x367: {  	s13 =	smov.u32 s30;
	v30 =	vadd.f32 v28, v6;
	s30 =	rddreg [dreg:$0x13];
	[tilespmem:s20+$0x380] =	vst v8;
	v29 =	vld [tilespmem:s2+$0x0]  }
0x368: {  	s0 =	sadd.s32 s30, s7;
	s2 =	rddreg [dreg:$0x14];
	v7 =	vadd.f32 v7, v26  }
0x369: {  	[tilespmem:s1+$0x380] =	vst v30;
	s29 =	sadd.s32 s2, s0  }
0x36a: {  	s7 =	sadd.s32 $0x100, s13;
	v8 =	vld [tilespmem:s29+$0x0];
	v5 =	vmul.f32 $3.200000000e+01, v5;
	[tilespmem:s12+$0x380] =	vst v7  }
0x36b: {  	s20 =	sadd.s32 s9, s7;
	s1 =	rddreg [dreg:$0x8]  }
0x36c: {  	s5 =	sadd.s32 s4, s26;
	v31 =	vld [tilespmem:s20+$0x0];
	s0 =	sadd.s32 s23, s7;
	v5 =	vadd.f32 v5, v29;
	s26 =	sadd.s32 s31, s1  }
0x36d: {  	v33 =	vld [tilespmem:s0+$0x0];
	s0 =	sadd.s32 s24, s26;
	s24 =	rddreg [dreg:$0x10]  }
0x36e: {  	v6 =	vld [tilespmem:s24+$0x0];
	[tilespmem:s0+$0x0] =	vst v5  }
0x36f: {  	v32 =	vld [tilespmem:s5+$0x0];
	v34 =	vmul.f32 $3.200000000e+01, v8;
	s12 =	rddreg [dreg:$0x11]  }
0x370: {  	v35 =	vld [tilespmem:s12+$0x0]  }
0x371: {  	s1 =	sadd.s32 s30, s1;
	v36 =	vld [tilespmem:s10+$0x80];
	v7 =	vadd.f32 v34, v31  }
0x372: {  	s1 =	sadd.s32 s2, s1;
	[tilespmem:s21+$0x0] =	vst v14  }
0x373: {  	v14 =	vld [tilespmem:s16+$0x80];
	[tilespmem:s1+$0x0] =	vst v7;
	v6 =	vmul.f32 $3.200000000e+01, v6  }
0x374: {  	v7 =	vld [tilespmem:s29+$0x80]  }
0x375: {  	v5 =	vmul.f32 $3.200000000e+01, v35;
	v6 =	vadd.f32 v6, v32  }
0x376: {  	v8 =	vmul.f32 $3.200000000e+01, v36  }
0x377: {  	v5 =	vadd.f32 v5, v33;
	[tilespmem:s15+$0x0] =	vst v6  }
0x378: {  	v14 =	vmul.f32 $3.200000000e+01, v14;
	v8 =	vadd.f32 v8, v29;
	s20 =	rddreg [dreg:$0xf]  }
0x379: {  	v7 =	vmul.f32 $3.200000000e+01, v7;
	v38 =	vld [tilespmem:s24+$0x80];
	[tilespmem:s20+$0x0] =	vst v5  }
0x37a: {  	v37 =	vadd.f32 v14, v10;
	[tilespmem:s0+$0x80] =	vst v8;
	v5 =	vld [tilespmem:s12+$0x80]  }
0x37b: {  	v39 =	vld [tilespmem:s10+$0x100];
	v7 =	vadd.f32 v7, v31  }
0x37c: {  	[tilespmem:s21+$0x80] =	vst v37  }
0x37d: {  	v40 =	vld [tilespmem:s16+$0x100];
	[tilespmem:s1+$0x80] =	vst v7  }
0x37e: {  	v42 =	vld [tilespmem:s29+$0x100];
	v41 =	vmul.f32 $3.200000000e+01, v38  }
0x37f: {  	v5 =	vmul.f32 $3.200000000e+01, v5  }
0x380: {  	v6 =	vmul.f32 $3.200000000e+01, v39;
	v7 =	vadd.f32 v41, v32  }
0x381: {  	v5 =	vadd.f32 v5, v33  }
0x382: {  	v8 =	vmul.f32 $3.200000000e+01, v40;
	v6 =	vadd.f32 v6, v29;
	[tilespmem:s15+$0x80] =	vst v7  }
0x383: {  	v14 =	vmul.f32 $3.200000000e+01, v42;
	v44 =	vld [tilespmem:s24+$0x100];
	[tilespmem:s20+$0x80] =	vst v5  }
0x384: {  	v11 =	vmul.f32 $3.200000000e+01, v11;
	v43 =	vadd.f32 v8, v10;
	[tilespmem:s0+$0x100] =	vst v6;
	v5 =	vld [tilespmem:s12+$0x100]  }
0x385: {  	v6 =	vld [tilespmem:s10+$0x180];
	v45 =	vadd.f32 v14, v31  }
0x386: {  	v4 =	vadd.f32 v11, v4;
	[tilespmem:s21+$0x100] =	vst v43  }
0x387: {  	v46 =	vld [tilespmem:s16+$0x180];
	[tilespmem:s1+$0x100] =	vst v45  }
0x388: {  	v2 =	vadd.f32 v12, v2;
	s30 =	rddreg [dreg:$0xc];
	[tilespmem:s14+$0x180] =	vst v4;
	v47 =	vmul.f32 $3.200000000e+01, v44  }
0x389: {  	v48 =	vld [tilespmem:s29+$0x180];
	s5 =	sadd.s32 $0x180, s30;
	s31 =	rddreg [dreg:$0x1f];
	v5 =	vmul.f32 $3.200000000e+01, v5  }
0x38a: {  	[tilespmem:s8+$0x180] =	vst v2;
	v54 =	vld [tilespmem:s18+$0x200];
	s2 =	sadd.s32 s31, s5;
	v6 =	vmul.f32 $3.200000000e+01, v6;
	v7 =	vadd.f32 v47, v32  }
0x38b: {  	s7 =	rddreg [dreg:$0x1a];
	v4 =	vld [tilespmem:s2+$0x0];
	v5 =	vadd.f32 v5, v33  }
0x38c: {  	v49 =	vmul.f32 $3.200000000e+01, v46;
	v2 =	vld [tilespmem:s7+$0x0];
	v6 =	vadd.f32 v6, v29;
	[tilespmem:s15+$0x100] =	vst v7  }
0x38d: {  	s26 =	sadd.s32 $0x180, s19;
	v51 =	vld [tilespmem:s24+$0x180];
	[tilespmem:s20+$0x100] =	vst v5  }
0x38e: {  	s30 =	sadd.s32 s25, s26;
	v50 =	vadd.f32 v49, v10;
	v8 =	vmul.f32 $3.200000000e+01, v48;
	[tilespmem:s0+$0x180] =	vst v6;
	v52 =	vld [tilespmem:s12+$0x180]  }
0x38f: {  	v6 =	vld [tilespmem:s30+$0x0]  }
0x390: {  	v53 =	vadd.f32 v8, v31;
	v55 =	vld [tilespmem:s10+$0x200];
	v8 =	vmul.f32 $3.200000000e+01, v54;
	s31 =	rddreg [dreg:$0xa];
	[tilespmem:s21+$0x180] =	vst v50  }
0x391: {  	s7 =	sadd.s32 $0x180, s13;
	s5 =	sadd.s32 s31, s5;
	v58 =	vld [tilespmem:s16+$0x200]  }
0x392: {  	s13 =	sadd.s32 s9, s7;
	[tilespmem:s1+$0x180] =	vst v53;
	v8 =	vadd.f32 v8, v4;
	v5 =	vld [tilespmem:s5+$0x0];
	v10 =	vmul.f32 $3.200000000e+01, v51  }
0x393: {  	v7 =	vld [tilespmem:s13+$0x0];
	s19 =	sld [smem:$0x7BC];
	v11 =	vmul.f32 $3.200000000e+01, v52  }
0x394: {  	v57 =	vld [tilespmem:s29+$0x200];
	[tilespmem:s14+$0x200] =	vst v8;
	v10 =	vadd.f32 v10, v32  }
0x395: {  	v63 =	vld [tilespmem:s18+$0x280];
	v11 =	vadd.f32 v11, v33  }
0x396: {  	v56 =	vld [tilespmem:s19+$0x200];
	[tilespmem:s15+$0x180] =	vst v10  }
0x397: {  	v59 =	vmul.f32 $3.200000000e+01, v55;
	v10 =	vld [tilespmem:s24+$0x200];
	[tilespmem:s20+$0x180] =	vst v11  }
0x398: {  	s2 =	sadd.s32 s4, s26;
	v60 =	vld [tilespmem:s12+$0x200]  }
0x399: {  	s5 =	sadd.s32 s23, s7;
	v61 =	vadd.f32 v59, v6;
	v15 =	vmul.f32 $3.200000000e+01, v58;
	v16 =	vld [tilespmem:s2+$0x0]  }
0x39a: {  	v62 =	vmul.f32 $3.200000000e+01, v57;
	v17 =	vld [tilespmem:s5+$0x0]  }
0x39b: {  	[tilespmem:s0+$0x200] =	vst v61;
	v21 =	vadd.f32 v15, v5;
	v13 =	vmul.f32 $3.200000000e+01, v56  }
0x39c: {  	v19 =	vadd.f32 v62, v7;
	v20 =	vld [tilespmem:s10+$0x280];
	v18 =	vmul.f32 $3.200000000e+01, v10  }
0x39d: {  	[tilespmem:s21+$0x200] =	vst v21;
	v13 =	vadd.f32 v13, v2;
	v12 =	vmul.f32 $3.200000000e+01, v60  }
0x39e: {  	[tilespmem:s1+$0x200] =	vst v19;
	v24 =	vld [tilespmem:s16+$0x280];
	v8 =	vadd.f32 v18, v16  }
0x39f: {  	v23 =	vmul.f32 $3.200000000e+01, v63;
	v10 =	vld [tilespmem:s29+$0x280];
	[tilespmem:s8+$0x200] =	vst v13;
	v12 =	vadd.f32 v12, v17  }
0x3a0: {  	v25 =	vmul.f32 $3.200000000e+01, v9;
	v22 =	vld [tilespmem:s19+$0x280];
	[tilespmem:s15+$0x200] =	vst v8  }
0x3a1: {  	v27 =	vadd.f32 v23, v4;
	v11 =	vmul.f32 $3.200000000e+01, v20;
	v26 =	vld [tilespmem:s24+$0x280];
	[tilespmem:s20+$0x200] =	vst v12  }
0x3a2: {  	v8 =	vadd.f32 v25, v3;
	v28 =	vld [tilespmem:s12+$0x280]  }
0x3a3: {  	[tilespmem:s14+$0x280] =	vst v27;
	v11 =	vadd.f32 v11, v6;
	v14 =	vmul.f32 $3.200000000e+01, v24  }
0x3a4: {  	v29 =	vld [tilespmem:s18+$0x300];
	v10 =	vmul.f32 $3.200000000e+01, v10;
	[tilespmem:s11+$0x280] =	vst v8  }
0x3a5: {  	[tilespmem:s0+$0x280] =	vst v11;
	v32 =	vadd.f32 v14, v5;
	v15 =	vmul.f32 $3.200000000e+01, v22;
	v31 =	vld [tilespmem:s3+$0x300]  }
0x3a6: {  	v11 =	vld [tilespmem:s10+$0x300];
	v10 =	vadd.f32 v10, v7;
	v9 =	vmul.f32 $3.200000000e+01, v26  }
0x3a7: {  	[tilespmem:s21+$0x280] =	vst v32;
	v30 =	vadd.f32 v15, v2;
	v13 =	vmul.f32 $3.200000000e+01, v28  }
0x3a8: {  	v35 =	vld [tilespmem:s16+$0x300];
	[tilespmem:s1+$0x280] =	vst v10;
	v9 =	vadd.f32 v9, v16  }
0x3a9: {  	v8 =	vmul.f32 $3.200000000e+01, v29;
	v10 =	vld [tilespmem:s29+$0x300];
	[tilespmem:s8+$0x280] =	vst v30;
	v34 =	vadd.f32 v13, v17  }
0x3aa: {  	v33 =	vld [tilespmem:s19+$0x300];
	v36 =	vmul.f32 $3.200000000e+01, v31;
	[tilespmem:s15+$0x280] =	vst v9  }
0x3ab: {  	v8 =	vadd.f32 v8, v4;
	v11 =	vmul.f32 $3.200000000e+01, v11;
	v37 =	vld [tilespmem:s24+$0x300];
	[tilespmem:s20+$0x280] =	vst v34  }
0x3ac: {  	v9 =	vadd.f32 v36, v3;
	v12 =	vld [tilespmem:s12+$0x300]  }
0x3ad: {  	v19 =	vld [tilespmem:s22+$0x380];
	[tilespmem:s14+$0x300] =	vst v8;
	v38 =	vadd.f32 v11, v6;
	v13 =	vmul.f32 $3.200000000e+01, v35  }
0x3ae: {  	v39 =	vld [tilespmem:s18+$0x380];
	v10 =	vmul.f32 $3.200000000e+01, v10;
	[tilespmem:s11+$0x300] =	vst v9  }
0x3af: {  	[tilespmem:s0+$0x300] =	vst v38;
	v45 =	vadd.f32 v13, v5;
	v14 =	vmul.f32 $3.200000000e+01, v33;
	v41 =	vld [tilespmem:s3+$0x380]  }
0x3b0: {  	v44 =	vld [tilespmem:s10+$0x380];
	v42 =	vadd.f32 v10, v7;
	v43 =	vmul.f32 $3.200000000e+01, v37  }
0x3b1: {  	v18 =	vld [tilespmem:s17+$0x380];
	[tilespmem:s21+$0x300] =	vst v45;
	v40 =	vadd.f32 v14, v2;
	v12 =	vmul.f32 $3.200000000e+01, v12  }
0x3b2: {  	v19 =	vmul.f32 $3.200000000e+01, v19;
	[tilespmem:s1+$0x300] =	vst v42;
	v47 =	vadd.f32 v43, v16  }
0x3b3: {  	v11 =	vmul.f32 $3.200000000e+01, v39;
	v50 =	vld [tilespmem:s16+$0x380];
	[tilespmem:s8+$0x300] =	vst v40;
	v49 =	vadd.f32 v12, v17  }
0x3b4: {  	v0 =	vadd.f32 v19, v0;
	v48 =	vld [tilespmem:s29+$0x380];
	v14 =	vmul.f32 $3.200000000e+01, v41;
	[tilespmem:s15+$0x300] =	vst v47  }
0x3b5: {  	v4 =	vadd.f32 v11, v4;
	v52 =	vmul.f32 $3.200000000e+01, v44;
	v46 =	vld [tilespmem:s19+$0x380];
	[tilespmem:s20+$0x300] =	vst v49  }
0x3b6: {  	v18 =	vmul.f32 $3.200000000e+01, v18;
	v53 =	vadd.f32 v14, v3;
	v8 =	vld [tilespmem:s24+$0x380];
	s24 =	rddreg [dreg:$0x18];
	[tilespmem:s28+$0x380] =	vst v0  }
0x3b7: {  	v55 =	vadd.f32 v52, v6;
	[tilespmem:s14+$0x380] =	vst v4  }
0x3b8: {  	v1 =	vadd.f32 v18, v1;
	v51 =	vld [tilespmem:s12+$0x380];
	[tilespmem:s11+$0x380] =	vst v53  }
0x3b9: {  	v56 =	vmul.f32 $3.200000000e+01, v48;
	[tilespmem:s0+$0x380] =	vst v55  }
0x3ba: {  	v58 =	vmul.f32 $3.200000000e+01, v50;
	[tilespmem:s24+$0x380] =	vst v1  }
0x3bb: {  	v54 =	vmul.f32 $3.200000000e+01, v46;
	v59 =	vadd.f32 v56, v7;
	s4 =	sld [smem:$0x7F2]  }
0x3bc: {  	v61 =	vadd.f32 v58, v5;
	v60 =	vmul.f32 $3.200000000e+01, v8  }
0x3bd: {  	v57 =	vadd.f32 v54, v2;
	[tilespmem:s1+$0x380] =	vst v59;
	v1 =	vmul.f32 $3.200000000e+01, v51  }
0x3be: {  	[tilespmem:s21+$0x380] =	vst v61;
	p0 =	sgt.u32 s4, $0x3C;
	v62 =	vadd.f32 v60, v16  }
0x3bf: {  	[tilespmem:s8+$0x380] =	vst v57;
	s0 =	sadd.s32 @!p0 $0x3, s4;
	v63 =	vadd.f32 v1, v17  }
0x3c0: {  	s1 =	sshll.u32 @!p0 s0, $0xB;
	s0 =	sshll.u32 @!p0 s0, $0x10;
	[tilespmem:s15+$0x380] =	vst v62  }
0x3c1: {  	s1 =	sand.u32 @!p0 $0x7800, s1;
	s0 =	sand.u32 @!p0 $0x700000, s0;
	[tilespmem:s20+$0x380] =	vst v63  }
0x3c2: {  	s0 =	sor.u32 @!p0 s1, s0;
	s1 =	sld [smem:$0x7FA]  }
0x3c3: {  	s2 =	sld [smem:$0x7F3]  }
0x3c4: {  	s25 =	sshll.u32 s4, $0x10;
	s4 =	sadd.s32 $0x1, s4;
	s3 =	rddreg [dreg:$0x7]  }
0x3c5: {  	s26 =	sld [smem:$0x7F1];
	s0 =	sadd.s32 @!p0 s0, s1;
	s1 =	simm.s32 @!p0 $0x0  }
0x3c6: {  	[tilespmem:s3], [sflag:s2] =	stream.linear.gather @!p0 [hbm4b:s0+s1], $0x4000, $0x38;
	[tilespmem:$0x1C800] =	vst v63  }
0x3c7: {  	s28 =	sld [smem:$0x7F4];
	p0 =	sne.s32 s4, $0x40  }
.Ltmp2:
0x3c8: {  	s29 =	sld [smem:$0x7FC];
	(pc) =	sbr.rel @p0 .LBB2_2-.Ltmp2, $4  }
0x3c9: {  	s0 =	sand.u32 $0x300000, s25;
	s1 =	sand.u32 $0x7800, s26  }
0x3ca: {  	s30 =	simm.s32 $0x0;
	s0 =	sor.u32 s1, s0  }
0x3cb: {  	s31 =	rddreg [dreg:$0x6];
	s1 =	sor.u32 $0x4, s28;
	s0 =	sadd.s32 s0, s29  }
0x3cc: {  	[hbm4b:s0+s30] =	stream.linear.scatter [tilespmem:s31], [sflag:s1], $0x4000, $0x38;
	[tilespmem:$0x1C800] =	vst v63  }
0x3cd: {  	s0 =	simm.s32 $0x4  }
0x3ce: {  	_ =	swait.ge [sflag:s0], $0x4000  }
0x3cf: {  	[sflag:s0] =	ssyncset.done $0x0  }
0x3d0: {  	s1 =	simm.s32 $0x5;
	[sflag:s0] =	ssyncadd.s32 $0xFFFFC000  }
0x3d1: {  	_ =	swait.ge [sflag:s1], $0x4000  }
0x3d2: {  	s2 =	sld [smem:$0x7F7]  }
0x3d3: {  	s31 =	sld [smem:$0x7FD];
	_ =	sdelay $0x1  }
0x3d4: {  	s2 =	sadd.s32 $0x1, s2  }
0x3d5: {  	p0 =	sne.s32 s2, s31  }
.Ltmp3:
0x3d6: {  	_ = 	snop;
	(pc) =	sbr.rel @p0 .LBB2_1-.Ltmp3, $3  }
0x3d7: {  	_ =	sdelay $0x1  }
0x3d8: {  	[sflag:s1] =	ssyncset.done $0x0  }
0x3d9: {  	[sflag:s1] =	ssyncadd.s32 $0xFFFFC000  }
0x3da: {  	_ =	sfence.sel $0x180000  }
0x3db: {  	[bflag:$0x0] =	sbarrier.arrive $0xFFFF  }
0x3dc: {  	_ =	strace $0x90000047  }
0x3dd: {  	s0 =	stileid.u32;
	[bflag:$0x2] =	sbarrier.arrive $0xFFFF  }
0x3de: {  	p0 =	sne.s32 s0, $0x0;
	s0 =	rddreg [dreg:$0x4]  }
0x3df: {  	s0 =	sadd.s32 @!p0 $0x100000, s0  }
0x3e0: {  	[sflag:s0] =	ssyncadd.tile.s32 @!p0 $0x1;
	_ =	shalt  }
.Lfunc_end2:
_tile_overlayer_lowered:
.L_overlay_start_2:
0x3e1: {  	(tag) =	ssettag $0x2  }
0x3e2: {  	s0 =	rddreg [dreg:$0x0];
	s2 =	stileid.u32  }
0x3e3: {  	s1 =	rddreg [dreg:$0x1];
	p0 =	sne.s32 s2, $0x0  }
0x3e4: {  	s3 =	rddreg [dreg:$0x2];
	[bflag:$0x3] =	sbarrier.arrive $0xFFFF;
	s2 =	simm.s32 @!p0 $0x1C06  }
0x3e5: {  	[timem:s3], [sflag:s2] =	dma.local @!p0 [hbm:s0], s1  }
0x3e6: {  	s0 =	simm.s32 @!p0 $0x6  }
0x3e7: {  	_ =	swait.ge @!p0 [sflag:s0], s1  }
0x3e8: {  	s1 =	ssub.s32 @!p0 $0x0, s1;
	[sflag:s0] =	ssyncset.done @!p0 $0x0  }
0x3e9: {  	[sflag:s0] =	ssyncadd.s32 @!p0 s1  }
0x3ea: {  	[bflag:$0x3] =	sbarrier.arrive $0xFFFF  }
0x3eb: {  	_ =	shalt  }

</sc_bundles>
